<compile_context>
chip_gen: v7x
topology: tpu7x:2x2x1
jax: 0.10.2.dev20260603
libtpu: 0.0.44.dev20260713+nightly
codegen_flags: <defaults>
</compile_context>

<pallas_src>
import functools

import jax
import jax.numpy as jnp
from jax import lax
from jax.experimental import pallas as pl
from jax.experimental.pallas import tpu as pltpu
from jax.experimental.pallas import tpu_sc as plsc

N = 10000
E = 640000
G = 64
D_IN = 121
D_H1 = 16
D_H2 = 8

NC = 2
NS = 16
NW = NC * NS
CHUNK = 128
NCHUNK = E // CHUNK
NKC = NCHUNK // NW
NEXTRA = NCHUNK - NW * NKC
NPAD = 10016
ZCH = NPAD // NS
GCH = N // NS
NBUF = 6
AHEAD = 4
SROWS = 4 * CHUNK

_sc_mesh = plsc.VectorSubcoreMesh(core_axis_name="c", subcore_axis_name="s")


def _make_edge_agg(D):

  @functools.partial(
      pl.kernel,
      out_type=jax.ShapeDtypeStruct((NC, N, D), jnp.float32),
      mesh=_sc_mesh,
      scratch_types=[
          pltpu.VMEM((NKC + 1, CHUNK), jnp.int32),
          pltpu.VMEM((NKC + 1, CHUNK), jnp.int32),
      ] + [pltpu.VMEM((CHUNK, D), jnp.float32) for _ in range(NBUF)] + [
          pltpu.VMEM_SHARED((NPAD, D), jnp.float32),
          pltpu.VMEM_SHARED((NPAD, D), jnp.float32),
      ] + [pltpu.SemaphoreType.DMA for _ in range(2 * NBUF)],
      compiler_params=pltpu.CompilerParams(use_tc_tiling_on_sc=False),
  )
  def _sc_edge_agg(g_hbm, edges_hbm, zero_hbm, out_hbm,
                   sidx, didx, *rest):
      cid = lax.axis_index("c")
      sid = lax.axis_index("s")
      wid = sid * NC + cid
      rows = rest[:NBUF]
      acc = rest[NBUF]
      gsp = rest[NBUF + 1]
      gsem = rest[NBUF + 2:NBUF + 2 + NBUF]
      ssem = rest[NBUF + 2 + NBUF:]

      pltpu.sync_copy(zero_hbm.at[pl.ds(sid * ZCH, ZCH)],
                      acc.at[pl.ds(sid * ZCH, ZCH)])
      pltpu.sync_copy(g_hbm.at[pl.ds(sid * GCH, GCH)],
                      gsp.at[pl.ds(sid * GCH, GCH)])

      base = wid * NKC
      pltpu.sync_copy(edges_hbm.at[0, pl.ds(base, NKC)],
                      sidx.at[pl.ds(0, NKC)])
      pltpu.sync_copy(edges_hbm.at[1, pl.ds(base, NKC)],
                      didx.at[pl.ds(0, NKC)])

      @pl.when(wid < NEXTRA)
      def _():
          xb = NW * NKC + wid
          pltpu.sync_copy(edges_hbm.at[0, pl.ds(xb, 1)],
                          sidx.at[pl.ds(NKC, 1)])
          pltpu.sync_copy(edges_hbm.at[1, pl.ds(xb, 1)],
                          didx.at[pl.ds(NKC, 1)])

      plsc.subcore_barrier()

      for k in range(AHEAD):
          pltpu.async_copy(gsp.at[sidx.at[k]], rows[k % NBUF], gsem[k % NBUF])

      def body(i, carry):
          for j in range(NBUF):
              k = i * NBUF + j
              pltpu.make_async_copy(gsp.at[sidx.at[k]], rows[j],
                                    gsem[j]).wait()
              pltpu.async_copy(rows[j], acc.at[didx.at[k]], ssem[j], add=True)
              m = k + AHEAD
              jj = (j + AHEAD) % NBUF

              @pl.when((m >= NBUF) & (m < NKC))
              def _():
                  pltpu.make_async_copy(rows[jj], acc.at[didx.at[0]],
                                        ssem[jj]).wait()

              @pl.when(m < NKC)
              def _():
                  pltpu.async_copy(gsp.at[sidx.at[m]], rows[jj], gsem[jj])

          return carry

      lax.fori_loop(0, NKC // NBUF, body, 0)

      for j in range(NBUF):
          pltpu.make_async_copy(rows[j], acc.at[didx.at[0]], ssem[j]).wait()

      @pl.when(wid < NEXTRA)
      def _():
          pltpu.async_copy(gsp.at[sidx.at[NKC]], rows[0], gsem[0])
          pltpu.make_async_copy(gsp.at[sidx.at[NKC]], rows[0], gsem[0]).wait()
          pltpu.async_copy(rows[0], acc.at[didx.at[NKC]], ssem[0], add=True)
          pltpu.make_async_copy(rows[0], acc.at[didx.at[NKC]], ssem[0]).wait()

      plsc.subcore_barrier()

      pltpu.sync_copy(acc.at[pl.ds(sid * GCH, GCH)],
                      out_hbm.at[cid, pl.ds(sid * GCH, GCH)])

  return _sc_edge_agg


_edge_agg16 = _make_edge_agg(D_H1)


@functools.partial(
    pl.kernel,
    out_type=jax.ShapeDtypeStruct((NC, N, D_H1), jnp.float32),
    mesh=_sc_mesh,
    scratch_types=[
        pltpu.VMEM((NKC + 1, CHUNK), jnp.int32),
        pltpu.VMEM((SROWS, D_H1), jnp.float32),
        pltpu.VMEM_SHARED((NPAD, D_H1), jnp.float32),
        pltpu.SemaphoreType.DMA,
    ],
    compiler_params=pltpu.CompilerParams(use_tc_tiling_on_sc=False),
)
def _sc_degree(edges_hbm, ones_hbm, zero_hbm, out_hbm, didx, ones_v, acc,
               ssem):
    cid = lax.axis_index("c")
    sid = lax.axis_index("s")
    wid = sid * NC + cid

    pltpu.sync_copy(zero_hbm.at[pl.ds(sid * ZCH, ZCH)],
                    acc.at[pl.ds(sid * ZCH, ZCH)])
    pltpu.sync_copy(ones_hbm, ones_v)
    pltpu.sync_copy(edges_hbm.at[1, pl.ds(wid * NKC, NKC)],
                    didx.at[pl.ds(0, NKC)])

    @pl.when(wid < NEXTRA)
    def _():
        pltpu.sync_copy(edges_hbm.at[1, pl.ds(NW * NKC + wid, 1)],
                        didx.at[pl.ds(NKC, 1)])

    plsc.subcore_barrier()

    ones_row = ones_v.at[pl.ds(0, CHUNK)]

    def body(i, carry):
        for j in range(4):
            pltpu.async_copy(ones_row, acc.at[didx.at[i * 4 + j]],
                             ssem, add=True)
        return carry

    lax.fori_loop(0, NKC // 4, body, 0)

    @pl.when(wid < NEXTRA)
    def _():
        pltpu.async_copy(ones_row, acc.at[didx.at[NKC]], ssem, add=True)

    for _ in range(NKC // 4):
        pltpu.make_async_copy(ones_hbm, ones_v, ssem).wait()

    @pl.when(wid < NEXTRA)
    def _():
        pltpu.make_async_copy(ones_row, acc.at[didx.at[NKC]], ssem).wait()

    plsc.subcore_barrier()

    pltpu.sync_copy(acc.at[pl.ds(sid * GCH, GCH)],
                    out_hbm.at[cid, pl.ds(sid * GCH, GCH)])


def _tc_project1(x_ref, w1_ref, p1_ref):
    p1_ref[...] = jnp.dot(x_ref[...], w1_ref[...],
                          preferred_element_type=jnp.float32)


def _tc_scale1(degp_ref, p1_ref, dinv_ref, g1_ref):
    deg = degp_ref[0, :, :1] + degp_ref[1, :, :1] + 1.0
    dinv = lax.rsqrt(deg)
    dinv_ref[...] = dinv
    g1_ref[...] = dinv * p1_ref[...]


def _tc_mid(aggp_ref, p1_ref, dinv_ref, b1_ref, w2_ref, g2_ref, p2_ref):
    dinv = dinv_ref[...]
    agg = aggp_ref[0] + aggp_ref[1]
    h1 = jnp.maximum(dinv * agg + (dinv * dinv) * p1_ref[...] + b1_ref[...],
                     0.0)
    p2 = jnp.dot(h1, w2_ref[...], preferred_element_type=jnp.float32)
    p2_ref[...] = p2
    g2_ref[...] = jnp.concatenate(
        [dinv * p2, jnp.zeros((N, D_H1 - D_H2), jnp.float32)], axis=1)


def _tc_tail(aggp_ref, p2_ref, dinv_ref, b2_ref, batch_ref, ones_ref,
             w3_ref, b3_ref, out_ref):
    dinv = dinv_ref[...]
    agg = (aggp_ref[0] + aggp_ref[1])[:, :D_H2]
    h2 = jnp.maximum(dinv * agg + (dinv * dinv) * p2_ref[...] + b2_ref[...],
                     0.0)
    onehot_t = (lax.broadcasted_iota(jnp.int32, (G, N), 0)
                == batch_ref[...]).astype(jnp.float32)
    sums = jnp.dot(onehot_t, h2, preferred_element_type=jnp.float32)
    counts = jnp.dot(onehot_t, ones_ref[...],
                     preferred_element_type=jnp.float32)
    pooled = sums / jnp.maximum(counts, 1.0)
    out_ref[...] = jnp.dot(pooled, w3_ref[...],
                           preferred_element_type=jnp.float32) + b3_ref[...]


def kernel(x, edge_index, batch, W1, b1, W2, b2, W3, b3):
    edges = edge_index.reshape(2, NCHUNK, CHUNK)
    zero16 = jnp.zeros((NPAD, D_H1), jnp.float32)
    ones_chunk = jnp.ones((SROWS, D_H1), jnp.float32)
    ones_col = jnp.ones((N, 1), jnp.float32)
    batch_row = batch.reshape(1, N)
    b1_2d = b1.reshape(1, D_H1)
    b2_2d = b2.reshape(1, D_H2)
    b3_2d = b3.reshape(1, 1)

    degp = _sc_degree(edges, ones_chunk, zero16)

    p1 = pl.pallas_call(
        _tc_project1,
        out_shape=jax.ShapeDtypeStruct((N, D_H1), jnp.float32),
    )(x, W1)

    dinv, g1 = pl.pallas_call(
        _tc_scale1,
        out_shape=(jax.ShapeDtypeStruct((N, 1), jnp.float32),
                   jax.ShapeDtypeStruct((N, D_H1), jnp.float32)),
    )(degp, p1)

    agg1p = _edge_agg16(g1, edges, zero16)

    g2, p2 = pl.pallas_call(
        _tc_mid,
        out_shape=(jax.ShapeDtypeStruct((N, D_H1), jnp.float32),
                   jax.ShapeDtypeStruct((N, D_H2), jnp.float32)),
    )(agg1p, p1, dinv, b1_2d, W2)

    agg2p = _edge_agg16(g2, edges, zero16)

    out = pl.pallas_call(
        _tc_tail,
        out_shape=jax.ShapeDtypeStruct((G, 1), jnp.float32),
    )(agg2p, p2, dinv, b2_2d, batch_row, ones_col, W3, b3_2d)

    return out

# --- scband reference (transcript-rebuilt; emitter-appended) ---
"""Pipeline reference for scband-gcn-6184752906437 (READ-ONLY COPY).

The authoritative reference and input builder live on the scoring server;
editing this copy changes nothing except your own understanding.
"""

import jax, jax.numpy as jnp
import numpy as np

N = 10000
E = 640000
G = 64
D_IN = 121
D_H1 = 16
D_H2 = 8
D_OUT = 1


def setup_inputs(seed: int = 0) -> dict:
    key = jax.random.key(seed)
    ks = jax.random.split(key, 10)
    x = jax.random.normal(ks[0], (N, D_IN), dtype=jnp.float32)
    edge_index = jax.random.randint(ks[1], (2, E), 0, N, dtype=jnp.int32)
    batch = jnp.sort(jax.random.randint(ks[2], (N,), 0, G, dtype=jnp.int32))
    W1 = jax.random.normal(ks[3], (D_IN, D_H1), dtype=jnp.float32) * (1.0 / np.sqrt(D_IN))
    b1 = jnp.zeros((D_H1,), dtype=jnp.float32)
    W2 = jax.random.normal(ks[4], (D_H1, D_H2), dtype=jnp.float32) * (1.0 / np.sqrt(D_H1))
    b2 = jnp.zeros((D_H2,), dtype=jnp.float32)
    W3 = jax.random.normal(ks[5], (D_H2, D_OUT), dtype=jnp.float32) * (1.0 / np.sqrt(D_H2))
    b3 = jnp.zeros((D_OUT,), dtype=jnp.float32)
    return {"x": x, "edge_index": edge_index, "batch": batch,
            "W1": W1, "b1": b1, "W2": W2, "b2": b2, "W3": W3, "b3": b3}


def _gcn_conv(x, src, dst, norm, W, b):
    h = x @ W
    msg = h[src] * norm[:, None]
    out = jax.ops.segment_sum(msg, dst, num_segments=N)
    return out + b


def reference(x, edge_index, batch, W1, b1, W2, b2, W3, b3):
    # GCNConv with self-loops and symmetric normalization (PyG default)
    loop = jnp.arange(N, dtype=edge_index.dtype)
    src = jnp.concatenate([edge_index[0], loop])
    dst = jnp.concatenate([edge_index[1], loop])
    deg = jax.ops.segment_sum(jnp.ones_like(src, dtype=jnp.float32), dst, num_segments=N)
    dinv = jnp.where(deg > 0, jax.lax.rsqrt(jnp.maximum(deg, 1e-12)), 0.0)
    norm = dinv[src] * dinv[dst]

    h = _gcn_conv(x, src, dst, norm, W1, b1)
    h = jax.nn.relu(h)
    # F.dropout(training=self.training): identity in eval mode
    h = _gcn_conv(h, src, dst, norm, W2, b2)
    h = jax.nn.relu(h)

    # scatter mean over graph ids
    sums = jax.ops.segment_sum(h, batch, num_segments=G)
    counts = jax.ops.segment_sum(jnp.ones((N,), dtype=jnp.float32), batch, num_segments=G)
    pooled = sums / jnp.maximum(counts, 1.0)[:, None]

    out = pooled @ W3 + b3
    return out

if __name__ == "__main__":
    import jax
    _d = setup_inputs()
    print(jax.jit(kernel)(*tuple(_d.values())))

</pallas_src>

<mosaic_0001>
#map = affine_map<(d0, d1) -> (0, 0)>
#map1 = affine_map<(d0, d1) -> (0, 0, 0)>
module attributes {stable_mosaic.version = 14 : i64} {
  func.func @_sc_edge_agg(%arg0: i32, %arg1: i32, %arg2: memref<10000x16xf32, #tpu.memory_space<hbm>>, %arg3: memref<2x5000x128xi32, #tpu.memory_space<hbm>>, %arg4: memref<10016x16xf32, #tpu.memory_space<hbm>>, %arg5: memref<2x10000x16xf32, #tpu.memory_space<hbm>>, %arg6: memref<157x128xi32, #tpu.memory_space<vmem>>, %arg7: memref<157x128xi32, #tpu.memory_space<vmem>>, %arg8: memref<128x16xf32, #tpu.memory_space<vmem>>, %arg9: memref<128x16xf32, #tpu.memory_space<vmem>>, %arg10: memref<128x16xf32, #tpu.memory_space<vmem>>, %arg11: memref<128x16xf32, #tpu.memory_space<vmem>>, %arg12: memref<128x16xf32, #tpu.memory_space<vmem>>, %arg13: memref<128x16xf32, #tpu.memory_space<vmem>>, %arg14: memref<10016x16xf32, #tpu.memory_space<vmem_shared>>, %arg15: memref<10016x16xf32, #tpu.memory_space<vmem_shared>>, %arg16: memref<!tpu.dma_semaphore, #tpu.memory_space<semaphore_mem>>, %arg17: memref<!tpu.dma_semaphore, #tpu.memory_space<semaphore_mem>>, %arg18: memref<!tpu.dma_semaphore, #tpu.memory_space<semaphore_mem>>, %arg19: memref<!tpu.dma_semaphore, #tpu.memory_space<semaphore_mem>>, %arg20: memref<!tpu.dma_semaphore, #tpu.memory_space<semaphore_mem>>, %arg21: memref<!tpu.dma_semaphore, #tpu.memory_space<semaphore_mem>>, %arg22: memref<!tpu.dma_semaphore, #tpu.memory_space<semaphore_mem>>, %arg23: memref<!tpu.dma_semaphore, #tpu.memory_space<semaphore_mem>>, %arg24: memref<!tpu.dma_semaphore, #tpu.memory_space<semaphore_mem>>, %arg25: memref<!tpu.dma_semaphore, #tpu.memory_space<semaphore_mem>>, %arg26: memref<!tpu.dma_semaphore, #tpu.memory_space<semaphore_mem>>, %arg27: memref<!tpu.dma_semaphore, #tpu.memory_space<semaphore_mem>>) attributes {dimension_semantics = [#tpu.dimension_semantics<core_parallel>, #tpu.dimension_semantics<subcore_parallel>], iteration_bounds = array<i64: 2, 16>, scalar_prefetch = 0 : i64, scratch_operands = 22 : i64, tpu.core_type = #tpu.core_type<sc_vector_subcore>, window_params = [{transform_indices = #map}, {transform_indices = #map1}, {transform_indices = #map}, {transform_indices = #map1}]} {
    %mul3A = arith.constant 2 : i32
    %mul3A_0 = arith.muli %arg1, %mul3A : i32
    %add3A = arith.addi %mul3A_0, %arg0 : i32
    %mul3A_1 = arith.constant 626 : i32
    %mul3A_2 = arith.muli %arg1, %mul3A_1 : i32
    %mul3A_3 = arith.constant 626 : i32
    %mul3A_4 = arith.muli %arg1, %mul3A_3 : i32
    "tpu.region"() ({
      %run_scoped3A_97 = tpu.sem_alloc : memref<!tpu.dma_semaphore, #tpu.memory_space<semaphore_mem>>
      %dma_start3A_98 = arith.constant 0 : i32
      %dma_start3A_99 = tpu.memref_slice %arg14[%mul3A_4, %dma_start3A_98] : memref<10016x16xf32, #tpu.memory_space<vmem_shared>> -> memref<626x16xf32, #tpu.memory_space<vmem_shared>>
      %dma_start3A_100 = arith.constant 0 : i32
      %dma_start3A_101 = tpu.memref_slice %arg4[%mul3A_2, %dma_start3A_100] : memref<10016x16xf32, #tpu.memory_space<hbm>> -> memref<626x16xf32, #tpu.memory_space<hbm>>
      tpu.enqueue_dma source(%dma_start3A_101 : memref<626x16xf32, #tpu.memory_space<hbm>>) target(%dma_start3A_99 : memref<626x16xf32, #tpu.memory_space<vmem_shared>>) target_semaphore(%run_scoped3A_97 : memref<!tpu.dma_semaphore, #tpu.memory_space<semaphore_mem>>)
      %dma_wait3A_102 = arith.constant 0 : i32
      %dma_wait3A_103 = tpu.memref_slice %arg14[%mul3A_4, %dma_wait3A_102] : memref<10016x16xf32, #tpu.memory_space<vmem_shared>> -> memref<626x16xf32, #tpu.memory_space<vmem_shared>>
      %dma_wait3A_104 = arith.constant 0 : i32
      %dma_wait3A_105 = tpu.memref_slice %arg4[%mul3A_2, %dma_wait3A_104] : memref<10016x16xf32, #tpu.memory_space<hbm>> -> memref<626x16xf32, #tpu.memory_space<hbm>>
      tpu.wait_dma2 semaphore(%run_scoped3A_97 : memref<!tpu.dma_semaphore, #tpu.memory_space<semaphore_mem>>) src(%dma_wait3A_105 : memref<626x16xf32, #tpu.memory_space<hbm>>) dst(%dma_wait3A_103 : memref<626x16xf32, #tpu.memory_space<vmem_shared>>)
      tpu.yield
    }) : () -> ()
    %mul3A_5 = arith.constant 625 : i32
    %mul3A_6 = arith.muli %arg1, %mul3A_5 : i32
    %mul3A_7 = arith.constant 625 : i32
    %mul3A_8 = arith.muli %arg1, %mul3A_7 : i32
    "tpu.region"() ({
      %run_scoped3A_97 = tpu.sem_alloc : memref<!tpu.dma_semaphore, #tpu.memory_space<semaphore_mem>>
      %dma_start3A_98 = arith.constant 0 : i32
      %dma_start3A_99 = tpu.memref_slice %arg15[%mul3A_8, %dma_start3A_98] : memref<10016x16xf32, #tpu.memory_space<vmem_shared>> -> memref<625x16xf32, #tpu.memory_space<vmem_shared>>
      %dma_start3A_100 = arith.constant 0 : i32
      %dma_start3A_101 = tpu.memref_slice %arg2[%mul3A_6, %dma_start3A_100] : memref<10000x16xf32, #tpu.memory_space<hbm>> -> memref<625x16xf32, #tpu.memory_space<hbm>>
      tpu.enqueue_dma source(%dma_start3A_101 : memref<625x16xf32, #tpu.memory_space<hbm>>) target(%dma_start3A_99 : memref<625x16xf32, #tpu.memory_space<vmem_shared>>) target_semaphore(%run_scoped3A_97 : memref<!tpu.dma_semaphore, #tpu.memory_space<semaphore_mem>>)
      %dma_wait3A_102 = arith.constant 0 : i32
      %dma_wait3A_103 = tpu.memref_slice %arg15[%mul3A_8, %dma_wait3A_102] : memref<10016x16xf32, #tpu.memory_space<vmem_shared>> -> memref<625x16xf32, #tpu.memory_space<vmem_shared>>
      %dma_wait3A_104 = arith.constant 0 : i32
      %dma_wait3A_105 = tpu.memref_slice %arg2[%mul3A_6, %dma_wait3A_104] : memref<10000x16xf32, #tpu.memory_space<hbm>> -> memref<625x16xf32, #tpu.memory_space<hbm>>
      tpu.wait_dma2 semaphore(%run_scoped3A_97 : memref<!tpu.dma_semaphore, #tpu.memory_space<semaphore_mem>>) src(%dma_wait3A_105 : memref<625x16xf32, #tpu.memory_space<hbm>>) dst(%dma_wait3A_103 : memref<625x16xf32, #tpu.memory_space<vmem_shared>>)
      tpu.yield
    }) : () -> ()
    %mul3A_9 = arith.constant 156 : i32
    %mul3A_10 = arith.muli %add3A, %mul3A_9 : i32
    %run_scoped3A = arith.constant 0 : i32
    "tpu.region"() ({
      %run_scoped3A_97 = tpu.sem_alloc : memref<!tpu.dma_semaphore, #tpu.memory_space<semaphore_mem>>
      %dma_start3A_98 = arith.constant 0 : i32
      %dma_start3A_99 = arith.constant 0 : i32
      %dma_start3A_100 = tpu.memref_slice %arg6[%dma_start3A_98, %dma_start3A_99] : memref<157x128xi32, #tpu.memory_space<vmem>> -> memref<156x128xi32, #tpu.memory_space<vmem>>
      %dma_start3A_101 = arith.constant 0 : i32
      %dma_start3A_102 = tpu.memref_slice %arg3[%run_scoped3A, %mul3A_10, %dma_start3A_101] : memref<2x5000x128xi32, #tpu.memory_space<hbm>> -> memref<1x156x128xi32, #tpu.memory_space<hbm>>
      %dma_start3A_103 = tpu.memref_squeeze %dma_start3A_102 : memref<1x156x128xi32, #tpu.memory_space<hbm>> -> memref<156x128xi32, #tpu.memory_space<hbm>>
      %dma_start3A_104 = arith.constant 0 : i32
      %dma_start3A_105 = arith.constant 0 : i32
      %dma_start3A_106 = tpu.memref_slice %arg6[%dma_start3A_104, %dma_start3A_105] : memref<157x128xi32, #tpu.memory_space<vmem>> -> memref<156x128xi32, #tpu.memory_space<vmem>>
      %dma_start3A_107 = arith.constant 0 : i32
      %dma_start3A_108 = tpu.memref_slice %arg3[%run_scoped3A, %mul3A_10, %dma_start3A_107] : memref<2x5000x128xi32, #tpu.memory_space<hbm>> -> memref<1x156x128xi32, #tpu.memory_space<hbm>>
      %dma_start3A_109 = tpu.memref_squeeze %dma_start3A_108 : memref<1x156x128xi32, #tpu.memory_space<hbm>> -> memref<156x128xi32, #tpu.memory_space<hbm>>
      tpu.enqueue_dma source(%dma_start3A_109 : memref<156x128xi32, #tpu.memory_space<hbm>>) target(%dma_start3A_106 : memref<156x128xi32, #tpu.memory_space<vmem>>) target_semaphore(%run_scoped3A_97 : memref<!tpu.dma_semaphore, #tpu.memory_space<semaphore_mem>>)
      %dma_wait3A_110 = arith.constant 0 : i32
      %dma_wait3A_111 = arith.constant 0 : i32
      %dma_wait3A_112 = tpu.memref_slice %arg6[%dma_wait3A_110, %dma_wait3A_111] : memref<157x128xi32, #tpu.memory_space<vmem>> -> memref<156x128xi32, #tpu.memory_space<vmem>>
      %dma_wait3A_113 = arith.constant 0 : i32
      %dma_wait3A_114 = tpu.memref_slice %arg3[%run_scoped3A, %mul3A_10, %dma_wait3A_113] : memref<2x5000x128xi32, #tpu.memory_space<hbm>> -> memref<1x156x128xi32, #tpu.memory_space<hbm>>
      %dma_wait3A_115 = tpu.memref_squeeze %dma_wait3A_114 : memref<1x156x128xi32, #tpu.memory_space<hbm>> -> memref<156x128xi32, #tpu.memory_space<hbm>>
      %dma_wait3A_116 = arith.constant 0 : i32
      %dma_wait3A_117 = arith.constant 0 : i32
      %dma_wait3A_118 = tpu.memref_slice %arg6[%dma_wait3A_116, %dma_wait3A_117] : memref<157x128xi32, #tpu.memory_space<vmem>> -> memref<156x128xi32, #tpu.memory_space<vmem>>
      %dma_wait3A_119 = arith.constant 0 : i32
      %dma_wait3A_120 = tpu.memref_slice %arg3[%run_scoped3A, %mul3A_10, %dma_wait3A_119] : memref<2x5000x128xi32, #tpu.memory_space<hbm>> -> memref<1x156x128xi32, #tpu.memory_space<hbm>>
      %dma_wait3A_121 = tpu.memref_squeeze %dma_wait3A_120 : memref<1x156x128xi32, #tpu.memory_space<hbm>> -> memref<156x128xi32, #tpu.memory_space<hbm>>
      tpu.wait_dma2 semaphore(%run_scoped3A_97 : memref<!tpu.dma_semaphore, #tpu.memory_space<semaphore_mem>>) src(%dma_wait3A_121 : memref<156x128xi32, #tpu.memory_space<hbm>>) dst(%dma_wait3A_118 : memref<156x128xi32, #tpu.memory_space<vmem>>)
      tpu.yield
    }) : () -> ()
    %run_scoped3A_11 = arith.constant 1 : i32
    "tpu.region"() ({
      %run_scoped3A_97 = tpu.sem_alloc : memref<!tpu.dma_semaphore, #tpu.memory_space<semaphore_mem>>
      %dma_start3A_98 = arith.constant 0 : i32
      %dma_start3A_99 = arith.constant 0 : i32
      %dma_start3A_100 = tpu.memref_slice %arg7[%dma_start3A_98, %dma_start3A_99] : memref<157x128xi32, #tpu.memory_space<vmem>> -> memref<156x128xi32, #tpu.memory_space<vmem>>
      %dma_start3A_101 = arith.constant 0 : i32
      %dma_start3A_102 = tpu.memref_slice %arg3[%run_scoped3A_11, %mul3A_10, %dma_start3A_101] : memref<2x5000x128xi32, #tpu.memory_space<hbm>> -> memref<1x156x128xi32, #tpu.memory_space<hbm>>
      %dma_start3A_103 = tpu.memref_squeeze %dma_start3A_102 : memref<1x156x128xi32, #tpu.memory_space<hbm>> -> memref<156x128xi32, #tpu.memory_space<hbm>>
      %dma_start3A_104 = arith.constant 0 : i32
      %dma_start3A_105 = arith.constant 0 : i32
      %dma_start3A_106 = tpu.memref_slice %arg7[%dma_start3A_104, %dma_start3A_105] : memref<157x128xi32, #tpu.memory_space<vmem>> -> memref<156x128xi32, #tpu.memory_space<vmem>>
      %dma_start3A_107 = arith.constant 0 : i32
      %dma_start3A_108 = tpu.memref_slice %arg3[%run_scoped3A_11, %mul3A_10, %dma_start3A_107] : memref<2x5000x128xi32, #tpu.memory_space<hbm>> -> memref<1x156x128xi32, #tpu.memory_space<hbm>>
      %dma_start3A_109 = tpu.memref_squeeze %dma_start3A_108 : memref<1x156x128xi32, #tpu.memory_space<hbm>> -> memref<156x128xi32, #tpu.memory_space<hbm>>
      tpu.enqueue_dma source(%dma_start3A_109 : memref<156x128xi32, #tpu.memory_space<hbm>>) target(%dma_start3A_106 : memref<156x128xi32, #tpu.memory_space<vmem>>) target_semaphore(%run_scoped3A_97 : memref<!tpu.dma_semaphore, #tpu.memory_space<semaphore_mem>>)
      %dma_wait3A_110 = arith.constant 0 : i32
      %dma_wait3A_111 = arith.constant 0 : i32
      %dma_wait3A_112 = tpu.memref_slice %arg7[%dma_wait3A_110, %dma_wait3A_111] : memref<157x128xi32, #tpu.memory_space<vmem>> -> memref<156x128xi32, #tpu.memory_space<vmem>>
      %dma_wait3A_113 = arith.constant 0 : i32
      %dma_wait3A_114 = tpu.memref_slice %arg3[%run_scoped3A_11, %mul3A_10, %dma_wait3A_113] : memref<2x5000x128xi32, #tpu.memory_space<hbm>> -> memref<1x156x128xi32, #tpu.memory_space<hbm>>
      %dma_wait3A_115 = tpu.memref_squeeze %dma_wait3A_114 : memref<1x156x128xi32, #tpu.memory_space<hbm>> -> memref<156x128xi32, #tpu.memory_space<hbm>>
      %dma_wait3A_116 = arith.constant 0 : i32
      %dma_wait3A_117 = arith.constant 0 : i32
      %dma_wait3A_118 = tpu.memref_slice %arg7[%dma_wait3A_116, %dma_wait3A_117] : memref<157x128xi32, #tpu.memory_space<vmem>> -> memref<156x128xi32, #tpu.memory_space<vmem>>
      %dma_wait3A_119 = arith.constant 0 : i32
      %dma_wait3A_120 = tpu.memref_slice %arg3[%run_scoped3A_11, %mul3A_10, %dma_wait3A_119] : memref<2x5000x128xi32, #tpu.memory_space<hbm>> -> memref<1x156x128xi32, #tpu.memory_space<hbm>>
      %dma_wait3A_121 = tpu.memref_squeeze %dma_wait3A_120 : memref<1x156x128xi32, #tpu.memory_space<hbm>> -> memref<156x128xi32, #tpu.memory_space<hbm>>
      tpu.wait_dma2 semaphore(%run_scoped3A_97 : memref<!tpu.dma_semaphore, #tpu.memory_space<semaphore_mem>>) src(%dma_wait3A_121 : memref<156x128xi32, #tpu.memory_space<hbm>>) dst(%dma_wait3A_118 : memref<156x128xi32, #tpu.memory_space<vmem>>)
      tpu.yield
    }) : () -> ()
    %lt3A = arith.constant 8 : i32
    %lt3A_12 = arith.cmpi slt, %add3A, %lt3A : i32
    %convert_element_type3A = arith.extui %lt3A_12 : i1 to i32
    %cond3A = arith.constant 0 : i32
    %cond3A_13 = arith.cmpi ne, %convert_element_type3A, %cond3A : i32
    scf.if %cond3A_13 {
      %add3A_97 = arith.constant 4992 : i32
      %add3A_98 = arith.addi %add3A_97, %add3A : i32
      %run_scoped3A_99 = arith.constant 0 : i32
      "tpu.region"() ({
        %run_scoped3A_101 = tpu.sem_alloc : memref<!tpu.dma_semaphore, #tpu.memory_space<semaphore_mem>>
        %dma_start3A_102 = arith.constant 156 : i32
        %dma_start3A_103 = arith.constant 0 : i32
        %dma_start3A_104 = tpu.memref_slice %arg6[%dma_start3A_102, %dma_start3A_103] : memref<157x128xi32, #tpu.memory_space<vmem>> -> memref<1x128xi32, #tpu.memory_space<vmem>>
        %dma_start3A_105 = arith.constant 0 : i32
        %dma_start3A_106 = tpu.memref_slice %arg3[%run_scoped3A_99, %add3A_98, %dma_start3A_105] : memref<2x5000x128xi32, #tpu.memory_space<hbm>> -> memref<1x1x128xi32, #tpu.memory_space<hbm>>
        %dma_start3A_107 = tpu.memref_squeeze %dma_start3A_106 : memref<1x1x128xi32, #tpu.memory_space<hbm>> -> memref<1x128xi32, #tpu.memory_space<hbm>>
        %dma_start3A_108 = arith.constant 156 : i32
        %dma_start3A_109 = arith.constant 0 : i32
        %dma_start3A_110 = tpu.memref_slice %arg6[%dma_start3A_108, %dma_start3A_109] : memref<157x128xi32, #tpu.memory_space<vmem>> -> memref<1x128xi32, #tpu.memory_space<vmem>>
        %dma_start3A_111 = arith.constant 0 : i32
        %dma_start3A_112 = tpu.memref_slice %arg3[%run_scoped3A_99, %add3A_98, %dma_start3A_111] : memref<2x5000x128xi32, #tpu.memory_space<hbm>> -> memref<1x1x128xi32, #tpu.memory_space<hbm>>
        %dma_start3A_113 = tpu.memref_squeeze %dma_start3A_112 : memref<1x1x128xi32, #tpu.memory_space<hbm>> -> memref<1x128xi32, #tpu.memory_space<hbm>>
        tpu.enqueue_dma source(%dma_start3A_113 : memref<1x128xi32, #tpu.memory_space<hbm>>) target(%dma_start3A_110 : memref<1x128xi32, #tpu.memory_space<vmem>>) target_semaphore(%run_scoped3A_101 : memref<!tpu.dma_semaphore, #tpu.memory_space<semaphore_mem>>)
        %dma_wait3A_114 = arith.constant 156 : i32
        %dma_wait3A_115 = arith.constant 0 : i32
        %dma_wait3A_116 = tpu.memref_slice %arg6[%dma_wait3A_114, %dma_wait3A_115] : memref<157x128xi32, #tpu.memory_space<vmem>> -> memref<1x128xi32, #tpu.memory_space<vmem>>
        %dma_wait3A_117 = arith.constant 0 : i32
        %dma_wait3A_118 = tpu.memref_slice %arg3[%run_scoped3A_99, %add3A_98, %dma_wait3A_117] : memref<2x5000x128xi32, #tpu.memory_space<hbm>> -> memref<1x1x128xi32, #tpu.memory_space<hbm>>
        %dma_wait3A_119 = tpu.memref_squeeze %dma_wait3A_118 : memref<1x1x128xi32, #tpu.memory_space<hbm>> -> memref<1x128xi32, #tpu.memory_space<hbm>>
        %dma_wait3A_120 = arith.constant 156 : i32
        %dma_wait3A_121 = arith.constant 0 : i32
        %dma_wait3A_122 = tpu.memref_slice %arg6[%dma_wait3A_120, %dma_wait3A_121] : memref<157x128xi32, #tpu.memory_space<vmem>> -> memref<1x128xi32, #tpu.memory_space<vmem>>
        %dma_wait3A_123 = arith.constant 0 : i32
        %dma_wait3A_124 = tpu.memref_slice %arg3[%run_scoped3A_99, %add3A_98, %dma_wait3A_123] : memref<2x5000x128xi32, #tpu.memory_space<hbm>> -> memref<1x1x128xi32, #tpu.memory_space<hbm>>
        %dma_wait3A_125 = tpu.memref_squeeze %dma_wait3A_124 : memref<1x1x128xi32, #tpu.memory_space<hbm>> -> memref<1x128xi32, #tpu.memory_space<hbm>>
        tpu.wait_dma2 semaphore(%run_scoped3A_101 : memref<!tpu.dma_semaphore, #tpu.memory_space<semaphore_mem>>) src(%dma_wait3A_125 : memref<1x128xi32, #tpu.memory_space<hbm>>) dst(%dma_wait3A_122 : memref<1x128xi32, #tpu.memory_space<vmem>>)
        tpu.yield
      }) : () -> ()
      %run_scoped3A_100 = arith.constant 1 : i32
      "tpu.region"() ({
        %run_scoped3A_101 = tpu.sem_alloc : memref<!tpu.dma_semaphore, #tpu.memory_space<semaphore_mem>>
        %dma_start3A_102 = arith.constant 156 : i32
        %dma_start3A_103 = arith.constant 0 : i32
        %dma_start3A_104 = tpu.memref_slice %arg7[%dma_start3A_102, %dma_start3A_103] : memref<157x128xi32, #tpu.memory_space<vmem>> -> memref<1x128xi32, #tpu.memory_space<vmem>>
        %dma_start3A_105 = arith.constant 0 : i32
        %dma_start3A_106 = tpu.memref_slice %arg3[%run_scoped3A_100, %add3A_98, %dma_start3A_105] : memref<2x5000x128xi32, #tpu.memory_space<hbm>> -> memref<1x1x128xi32, #tpu.memory_space<hbm>>
        %dma_start3A_107 = tpu.memref_squeeze %dma_start3A_106 : memref<1x1x128xi32, #tpu.memory_space<hbm>> -> memref<1x128xi32, #tpu.memory_space<hbm>>
        %dma_start3A_108 = arith.constant 156 : i32
        %dma_start3A_109 = arith.constant 0 : i32
        %dma_start3A_110 = tpu.memref_slice %arg7[%dma_start3A_108, %dma_start3A_109] : memref<157x128xi32, #tpu.memory_space<vmem>> -> memref<1x128xi32, #tpu.memory_space<vmem>>
        %dma_start3A_111 = arith.constant 0 : i32
        %dma_start3A_112 = tpu.memref_slice %arg3[%run_scoped3A_100, %add3A_98, %dma_start3A_111] : memref<2x5000x128xi32, #tpu.memory_space<hbm>> -> memref<1x1x128xi32, #tpu.memory_space<hbm>>
        %dma_start3A_113 = tpu.memref_squeeze %dma_start3A_112 : memref<1x1x128xi32, #tpu.memory_space<hbm>> -> memref<1x128xi32, #tpu.memory_space<hbm>>
        tpu.enqueue_dma source(%dma_start3A_113 : memref<1x128xi32, #tpu.memory_space<hbm>>) target(%dma_start3A_110 : memref<1x128xi32, #tpu.memory_space<vmem>>) target_semaphore(%run_scoped3A_101 : memref<!tpu.dma_semaphore, #tpu.memory_space<semaphore_mem>>)
        %dma_wait3A_114 = arith.constant 156 : i32
        %dma_wait3A_115 = arith.constant 0 : i32
        %dma_wait3A_116 = tpu.memref_slice %arg7[%dma_wait3A_114, %dma_wait3A_115] : memref<157x128xi32, #tpu.memory_space<vmem>> -> memref<1x128xi32, #tpu.memory_space<vmem>>
        %dma_wait3A_117 = arith.constant 0 : i32
        %dma_wait3A_118 = tpu.memref_slice %arg3[%run_scoped3A_100, %add3A_98, %dma_wait3A_117] : memref<2x5000x128xi32, #tpu.memory_space<hbm>> -> memref<1x1x128xi32, #tpu.memory_space<hbm>>
        %dma_wait3A_119 = tpu.memref_squeeze %dma_wait3A_118 : memref<1x1x128xi32, #tpu.memory_space<hbm>> -> memref<1x128xi32, #tpu.memory_space<hbm>>
        %dma_wait3A_120 = arith.constant 156 : i32
        %dma_wait3A_121 = arith.constant 0 : i32
        %dma_wait3A_122 = tpu.memref_slice %arg7[%dma_wait3A_120, %dma_wait3A_121] : memref<157x128xi32, #tpu.memory_space<vmem>> -> memref<1x128xi32, #tpu.memory_space<vmem>>
        %dma_wait3A_123 = arith.constant 0 : i32
        %dma_wait3A_124 = tpu.memref_slice %arg3[%run_scoped3A_100, %add3A_98, %dma_wait3A_123] : memref<2x5000x128xi32, #tpu.memory_space<hbm>> -> memref<1x1x128xi32, #tpu.memory_space<hbm>>
        %dma_wait3A_125 = tpu.memref_squeeze %dma_wait3A_124 : memref<1x1x128xi32, #tpu.memory_space<hbm>> -> memref<1x128xi32, #tpu.memory_space<hbm>>
        tpu.wait_dma2 semaphore(%run_scoped3A_101 : memref<!tpu.dma_semaphore, #tpu.memory_space<semaphore_mem>>) src(%dma_wait3A_125 : memref<1x128xi32, #tpu.memory_space<hbm>>) dst(%dma_wait3A_122 : memref<1x128xi32, #tpu.memory_space<vmem>>)
        tpu.yield
      }) : () -> ()
    } else {
    }
    %barrier3A = arith.constant 0 : index
    tpu.barrier barrier_id(%barrier3A)
    %dma_start3A = arith.constant 0 : i32
    %dma_start3A_14 = arith.constant 0 : i32
    %dma_start3A_15 = tpu.memref_slice %arg6[%dma_start3A, %dma_start3A_14] : memref<157x128xi32, #tpu.memory_space<vmem>> -> memref<1x128xi32, #tpu.memory_space<vmem>>
    %dma_start3A_16 = tpu.memref_squeeze %dma_start3A_15 : memref<1x128xi32, #tpu.memory_space<vmem>> -> memref<128xi32, #tpu.memory_space<vmem>>
    %dma_start3A_17 = arith.constant 0 : i32
    %dma_start3A_18 = arith.constant 0 : i32
    %dma_start3A_19 = tpu.memref_slice %arg15[%dma_start3A_17, %dma_start3A_18] : memref<10016x16xf32, #tpu.memory_space<vmem_shared>> -> memref<10016x16xf32, #tpu.memory_space<vmem_shared>>
    tpu.enqueue_indirect_dma source(%dma_start3A_19 : memref<10016x16xf32, #tpu.memory_space<vmem_shared>>) target(%arg8 : memref<128x16xf32, #tpu.memory_space<vmem>>) offsets(%dma_start3A_16 : memref<128xi32, #tpu.memory_space<vmem>>) semaphore(%arg16 : memref<!tpu.dma_semaphore, #tpu.memory_space<semaphore_mem>>)
    %dma_start3A_20 = arith.constant 1 : i32
    %dma_start3A_21 = arith.constant 0 : i32
    %dma_start3A_22 = tpu.memref_slice %arg6[%dma_start3A_20, %dma_start3A_21] : memref<157x128xi32, #tpu.memory_space<vmem>> -> memref<1x128xi32, #tpu.memory_space<vmem>>
    %dma_start3A_23 = tpu.memref_squeeze %dma_start3A_22 : memref<1x128xi32, #tpu.memory_space<vmem>> -> memref<128xi32, #tpu.memory_space<vmem>>
    %dma_start3A_24 = arith.constant 0 : i32
    %dma_start3A_25 = arith.constant 0 : i32
    %dma_start3A_26 = tpu.memref_slice %arg15[%dma_start3A_24, %dma_start3A_25] : memref<10016x16xf32, #tpu.memory_space<vmem_shared>> -> memref<10016x16xf32, #tpu.memory_space<vmem_shared>>
    tpu.enqueue_indirect_dma source(%dma_start3A_26 : memref<10016x16xf32, #tpu.memory_space<vmem_shared>>) target(%arg9 : memref<128x16xf32, #tpu.memory_space<vmem>>) offsets(%dma_start3A_23 : memref<128xi32, #tpu.memory_space<vmem>>) semaphore(%arg17 : memref<!tpu.dma_semaphore, #tpu.memory_space<semaphore_mem>>)
    %dma_start3A_27 = arith.constant 2 : i32
    %dma_start3A_28 = arith.constant 0 : i32
    %dma_start3A_29 = tpu.memref_slice %arg6[%dma_start3A_27, %dma_start3A_28] : memref<157x128xi32, #tpu.memory_space<vmem>> -> memref<1x128xi32, #tpu.memory_space<vmem>>
    %dma_start3A_30 = tpu.memref_squeeze %dma_start3A_29 : memref<1x128xi32, #tpu.memory_space<vmem>> -> memref<128xi32, #tpu.memory_space<vmem>>
    %dma_start3A_31 = arith.constant 0 : i32
    %dma_start3A_32 = arith.constant 0 : i32
    %dma_start3A_33 = tpu.memref_slice %arg15[%dma_start3A_31, %dma_start3A_32] : memref<10016x16xf32, #tpu.memory_space<vmem_shared>> -> memref<10016x16xf32, #tpu.memory_space<vmem_shared>>
    tpu.enqueue_indirect_dma source(%dma_start3A_33 : memref<10016x16xf32, #tpu.memory_space<vmem_shared>>) target(%arg10 : memref<128x16xf32, #tpu.memory_space<vmem>>) offsets(%dma_start3A_30 : memref<128xi32, #tpu.memory_space<vmem>>) semaphore(%arg18 : memref<!tpu.dma_semaphore, #tpu.memory_space<semaphore_mem>>)
    %dma_start3A_34 = arith.constant 3 : i32
    %dma_start3A_35 = arith.constant 0 : i32
    %dma_start3A_36 = tpu.memref_slice %arg6[%dma_start3A_34, %dma_start3A_35] : memref<157x128xi32, #tpu.memory_space<vmem>> -> memref<1x128xi32, #tpu.memory_space<vmem>>
    %dma_start3A_37 = tpu.memref_squeeze %dma_start3A_36 : memref<1x128xi32, #tpu.memory_space<vmem>> -> memref<128xi32, #tpu.memory_space<vmem>>
    %dma_start3A_38 = arith.constant 0 : i32
    %dma_start3A_39 = arith.constant 0 : i32
    %dma_start3A_40 = tpu.memref_slice %arg15[%dma_start3A_38, %dma_start3A_39] : memref<10016x16xf32, #tpu.memory_space<vmem_shared>> -> memref<10016x16xf32, #tpu.memory_space<vmem_shared>>
    tpu.enqueue_indirect_dma source(%dma_start3A_40 : memref<10016x16xf32, #tpu.memory_space<vmem_shared>>) target(%arg11 : memref<128x16xf32, #tpu.memory_space<vmem>>) offsets(%dma_start3A_37 : memref<128xi32, #tpu.memory_space<vmem>>) semaphore(%arg19 : memref<!tpu.dma_semaphore, #tpu.memory_space<semaphore_mem>>)
    %scan3A = arith.constant 0 : i32
    %scan3A_41 = arith.constant 0 : i32
    %scan3A_42 = arith.constant 26 : i32
    %scan3A_43 = arith.addi %scan3A_41, %scan3A_42 : i32
    %scan3A_44 = arith.constant 1 : i32
    scf.for %scan3A_97 = %scan3A_41 to %scan3A_43 step %scan3A_44  : i32 {
      %mul3A_98 = arith.constant 6 : i32
      %mul3A_99 = arith.muli %scan3A_97, %mul3A_98 : i32
      %add3A_100 = arith.constant 0 : i32
      %add3A_101 = arith.addi %mul3A_99, %add3A_100 : i32
      %dma_wait3A_102 = arith.constant 0 : i32
      %dma_wait3A_103 = tpu.memref_slice %arg6[%add3A_101, %dma_wait3A_102] : memref<157x128xi32, #tpu.memory_space<vmem>> -> memref<1x128xi32, #tpu.memory_space<vmem>>
      %dma_wait3A_104 = tpu.memref_squeeze %dma_wait3A_103 : memref<1x128xi32, #tpu.memory_space<vmem>> -> memref<128xi32, #tpu.memory_space<vmem>>
      %dma_wait3A_105 = arith.constant 0 : i32
      %dma_wait3A_106 = arith.constant 0 : i32
      %dma_wait3A_107 = tpu.memref_slice %arg15[%dma_wait3A_105, %dma_wait3A_106] : memref<10016x16xf32, #tpu.memory_space<vmem_shared>> -> memref<10016x16xf32, #tpu.memory_space<vmem_shared>>
      tpu.wait_indirect_dma semaphore(%arg16 : memref<!tpu.dma_semaphore, #tpu.memory_space<semaphore_mem>>) src(%dma_wait3A_107 : memref<10016x16xf32, #tpu.memory_space<vmem_shared>>) dst(%arg8 : memref<128x16xf32, #tpu.memory_space<vmem>>)
      %dma_start3A_108 = arith.constant 0 : i32
      %dma_start3A_109 = tpu.memref_slice %arg7[%add3A_101, %dma_start3A_108] : memref<157x128xi32, #tpu.memory_space<vmem>> -> memref<1x128xi32, #tpu.memory_space<vmem>>
      %dma_start3A_110 = tpu.memref_squeeze %dma_start3A_109 : memref<1x128xi32, #tpu.memory_space<vmem>> -> memref<128xi32, #tpu.memory_space<vmem>>
      %dma_start3A_111 = arith.constant 0 : i32
      %dma_start3A_112 = arith.constant 0 : i32
      %dma_start3A_113 = tpu.memref_slice %arg14[%dma_start3A_111, %dma_start3A_112] : memref<10016x16xf32, #tpu.memory_space<vmem_shared>> -> memref<10016x16xf32, #tpu.memory_space<vmem_shared>>
      tpu.enqueue_indirect_dma source(%arg8 : memref<128x16xf32, #tpu.memory_space<vmem>>) target(%dma_start3A_113 : memref<10016x16xf32, #tpu.memory_space<vmem_shared>>) offsets(%dma_start3A_110 : memref<128xi32, #tpu.memory_space<vmem>>) semaphore(%arg22 : memref<!tpu.dma_semaphore, #tpu.memory_space<semaphore_mem>>) {add = true}
      %add3A_114 = arith.constant 4 : i32
      %add3A_115 = arith.addi %add3A_101, %add3A_114 : i32
      %ge3A = arith.constant 6 : i32
      %ge3A_116 = arith.cmpi sge, %add3A_115, %ge3A : i32
      %lt3A_117 = arith.constant 156 : i32
      %lt3A_118 = arith.cmpi slt, %add3A_115, %lt3A_117 : i32
      %and3A = arith.andi %ge3A_116, %lt3A_118 : i1
      %convert_element_type3A_119 = arith.extui %and3A : i1 to i32
      %cond3A_120 = arith.constant 0 : i32
      %cond3A_121 = arith.cmpi ne, %convert_element_type3A_119, %cond3A_120 : i32
      scf.if %cond3A_121 {
        %dma_wait3A_282 = arith.constant 0 : i32
        %dma_wait3A_283 = arith.constant 0 : i32
        %dma_wait3A_284 = tpu.memref_slice %arg7[%dma_wait3A_282, %dma_wait3A_283] : memref<157x128xi32, #tpu.memory_space<vmem>> -> memref<1x128xi32, #tpu.memory_space<vmem>>
        %dma_wait3A_285 = tpu.memref_squeeze %dma_wait3A_284 : memref<1x128xi32, #tpu.memory_space<vmem>> -> memref<128xi32, #tpu.memory_space<vmem>>
        %dma_wait3A_286 = arith.constant 0 : i32
        %dma_wait3A_287 = arith.constant 0 : i32
        %dma_wait3A_288 = tpu.memref_slice %arg14[%dma_wait3A_286, %dma_wait3A_287] : memref<10016x16xf32, #tpu.memory_space<vmem_shared>> -> memref<10016x16xf32, #tpu.memory_space<vmem_shared>>
        tpu.wait_indirect_dma semaphore(%arg26 : memref<!tpu.dma_semaphore, #tpu.memory_space<semaphore_mem>>) src(%arg12 : memref<128x16xf32, #tpu.memory_space<vmem>>) dst(%dma_wait3A_288 : memref<10016x16xf32, #tpu.memory_space<vmem_shared>>)
      } else {
      }
      %lt3A_122 = arith.constant 156 : i32
      %lt3A_123 = arith.cmpi slt, %add3A_115, %lt3A_122 : i32
      %convert_element_type3A_124 = arith.extui %lt3A_123 : i1 to i32
      %cond3A_125 = arith.constant 0 : i32
      %cond3A_126 = arith.cmpi ne, %convert_element_type3A_124, %cond3A_125 : i32
      scf.if %cond3A_126 {
        %dma_start3A_282 = arith.constant 0 : i32
        %dma_start3A_283 = tpu.memref_slice %arg6[%add3A_115, %dma_start3A_282] : memref<157x128xi32, #tpu.memory_space<vmem>> -> memref<1x128xi32, #tpu.memory_space<vmem>>
        %dma_start3A_284 = tpu.memref_squeeze %dma_start3A_283 : memref<1x128xi32, #tpu.memory_space<vmem>> -> memref<128xi32, #tpu.memory_space<vmem>>
        %dma_start3A_285 = arith.constant 0 : i32
        %dma_start3A_286 = arith.constant 0 : i32
        %dma_start3A_287 = tpu.memref_slice %arg15[%dma_start3A_285, %dma_start3A_286] : memref<10016x16xf32, #tpu.memory_space<vmem_shared>> -> memref<10016x16xf32, #tpu.memory_space<vmem_shared>>
        tpu.enqueue_indirect_dma source(%dma_start3A_287 : memref<10016x16xf32, #tpu.memory_space<vmem_shared>>) target(%arg12 : memref<128x16xf32, #tpu.memory_space<vmem>>) offsets(%dma_start3A_284 : memref<128xi32, #tpu.memory_space<vmem>>) semaphore(%arg20 : memref<!tpu.dma_semaphore, #tpu.memory_space<semaphore_mem>>)
      } else {
      }
      %mul3A_127 = arith.constant 6 : i32
      %mul3A_128 = arith.muli %scan3A_97, %mul3A_127 : i32
      %add3A_129 = arith.constant 1 : i32
      %add3A_130 = arith.addi %mul3A_128, %add3A_129 : i32
      %dma_wait3A_131 = arith.constant 0 : i32
      %dma_wait3A_132 = tpu.memref_slice %arg6[%add3A_130, %dma_wait3A_131] : memref<157x128xi32, #tpu.memory_space<vmem>> -> memref<1x128xi32, #tpu.memory_space<vmem>>
      %dma_wait3A_133 = tpu.memref_squeeze %dma_wait3A_132 : memref<1x128xi32, #tpu.memory_space<vmem>> -> memref<128xi32, #tpu.memory_space<vmem>>
      %dma_wait3A_134 = arith.constant 0 : i32
      %dma_wait3A_135 = arith.constant 0 : i32
      %dma_wait3A_136 = tpu.memref_slice %arg15[%dma_wait3A_134, %dma_wait3A_135] : memref<10016x16xf32, #tpu.memory_space<vmem_shared>> -> memref<10016x16xf32, #tpu.memory_space<vmem_shared>>
      tpu.wait_indirect_dma semaphore(%arg17 : memref<!tpu.dma_semaphore, #tpu.memory_space<semaphore_mem>>) src(%dma_wait3A_136 : memref<10016x16xf32, #tpu.memory_space<vmem_shared>>) dst(%arg9 : memref<128x16xf32, #tpu.memory_space<vmem>>)
      %dma_start3A_137 = arith.constant 0 : i32
      %dma_start3A_138 = tpu.memref_slice %arg7[%add3A_130, %dma_start3A_137] : memref<157x128xi32, #tpu.memory_space<vmem>> -> memref<1x128xi32, #tpu.memory_space<vmem>>
      %dma_start3A_139 = tpu.memref_squeeze %dma_start3A_138 : memref<1x128xi32, #tpu.memory_space<vmem>> -> memref<128xi32, #tpu.memory_space<vmem>>
      %dma_start3A_140 = arith.constant 0 : i32
      %dma_start3A_141 = arith.constant 0 : i32
      %dma_start3A_142 = tpu.memref_slice %arg14[%dma_start3A_140, %dma_start3A_141] : memref<10016x16xf32, #tpu.memory_space<vmem_shared>> -> memref<10016x16xf32, #tpu.memory_space<vmem_shared>>
      tpu.enqueue_indirect_dma source(%arg9 : memref<128x16xf32, #tpu.memory_space<vmem>>) target(%dma_start3A_142 : memref<10016x16xf32, #tpu.memory_space<vmem_shared>>) offsets(%dma_start3A_139 : memref<128xi32, #tpu.memory_space<vmem>>) semaphore(%arg23 : memref<!tpu.dma_semaphore, #tpu.memory_space<semaphore_mem>>) {add = true}
      %add3A_143 = arith.constant 4 : i32
      %add3A_144 = arith.addi %add3A_130, %add3A_143 : i32
      %ge3A_145 = arith.constant 6 : i32
      %ge3A_146 = arith.cmpi sge, %add3A_144, %ge3A_145 : i32
      %lt3A_147 = arith.constant 156 : i32
      %lt3A_148 = arith.cmpi slt, %add3A_144, %lt3A_147 : i32
      %and3A_149 = arith.andi %ge3A_146, %lt3A_148 : i1
      %convert_element_type3A_150 = arith.extui %and3A_149 : i1 to i32
      %cond3A_151 = arith.constant 0 : i32
      %cond3A_152 = arith.cmpi ne, %convert_element_type3A_150, %cond3A_151 : i32
      scf.if %cond3A_152 {
        %dma_wait3A_282 = arith.constant 0 : i32
        %dma_wait3A_283 = arith.constant 0 : i32
        %dma_wait3A_284 = tpu.memref_slice %arg7[%dma_wait3A_282, %dma_wait3A_283] : memref<157x128xi32, #tpu.memory_space<vmem>> -> memref<1x128xi32, #tpu.memory_space<vmem>>
        %dma_wait3A_285 = tpu.memref_squeeze %dma_wait3A_284 : memref<1x128xi32, #tpu.memory_space<vmem>> -> memref<128xi32, #tpu.memory_space<vmem>>
        %dma_wait3A_286 = arith.constant 0 : i32
        %dma_wait3A_287 = arith.constant 0 : i32
        %dma_wait3A_288 = tpu.memref_slice %arg14[%dma_wait3A_286, %dma_wait3A_287] : memref<10016x16xf32, #tpu.memory_space<vmem_shared>> -> memref<10016x16xf32, #tpu.memory_space<vmem_shared>>
        tpu.wait_indirect_dma semaphore(%arg27 : memref<!tpu.dma_semaphore, #tpu.memory_space<semaphore_mem>>) src(%arg13 : memref<128x16xf32, #tpu.memory_space<vmem>>) dst(%dma_wait3A_288 : memref<10016x16xf32, #tpu.memory_space<vmem_shared>>)
      } else {
      }
      %lt3A_153 = arith.constant 156 : i32
      %lt3A_154 = arith.cmpi slt, %add3A_144, %lt3A_153 : i32
      %convert_element_type3A_155 = arith.extui %lt3A_154 : i1 to i32
      %cond3A_156 = arith.constant 0 : i32
      %cond3A_157 = arith.cmpi ne, %convert_element_type3A_155, %cond3A_156 : i32
      scf.if %cond3A_157 {
        %dma_start3A_282 = arith.constant 0 : i32
        %dma_start3A_283 = tpu.memref_slice %arg6[%add3A_144, %dma_start3A_282] : memref<157x128xi32, #tpu.memory_space<vmem>> -> memref<1x128xi32, #tpu.memory_space<vmem>>
        %dma_start3A_284 = tpu.memref_squeeze %dma_start3A_283 : memref<1x128xi32, #tpu.memory_space<vmem>> -> memref<128xi32, #tpu.memory_space<vmem>>
        %dma_start3A_285 = arith.constant 0 : i32
        %dma_start3A_286 = arith.constant 0 : i32
        %dma_start3A_287 = tpu.memref_slice %arg15[%dma_start3A_285, %dma_start3A_286] : memref<10016x16xf32, #tpu.memory_space<vmem_shared>> -> memref<10016x16xf32, #tpu.memory_space<vmem_shared>>
        tpu.enqueue_indirect_dma source(%dma_start3A_287 : memref<10016x16xf32, #tpu.memory_space<vmem_shared>>) target(%arg13 : memref<128x16xf32, #tpu.memory_space<vmem>>) offsets(%dma_start3A_284 : memref<128xi32, #tpu.memory_space<vmem>>) semaphore(%arg21 : memref<!tpu.dma_semaphore, #tpu.memory_space<semaphore_mem>>)
      } else {
      }
      %mul3A_158 = arith.constant 6 : i32
      %mul3A_159 = arith.muli %scan3A_97, %mul3A_158 : i32
      %add3A_160 = arith.constant 2 : i32
      %add3A_161 = arith.addi %mul3A_159, %add3A_160 : i32
      %dma_wait3A_162 = arith.constant 0 : i32
      %dma_wait3A_163 = tpu.memref_slice %arg6[%add3A_161, %dma_wait3A_162] : memref<157x128xi32, #tpu.memory_space<vmem>> -> memref<1x128xi32, #tpu.memory_space<vmem>>
      %dma_wait3A_164 = tpu.memref_squeeze %dma_wait3A_163 : memref<1x128xi32, #tpu.memory_space<vmem>> -> memref<128xi32, #tpu.memory_space<vmem>>
      %dma_wait3A_165 = arith.constant 0 : i32
      %dma_wait3A_166 = arith.constant 0 : i32
      %dma_wait3A_167 = tpu.memref_slice %arg15[%dma_wait3A_165, %dma_wait3A_166] : memref<10016x16xf32, #tpu.memory_space<vmem_shared>> -> memref<10016x16xf32, #tpu.memory_space<vmem_shared>>
      tpu.wait_indirect_dma semaphore(%arg18 : memref<!tpu.dma_semaphore, #tpu.memory_space<semaphore_mem>>) src(%dma_wait3A_167 : memref<10016x16xf32, #tpu.memory_space<vmem_shared>>) dst(%arg10 : memref<128x16xf32, #tpu.memory_space<vmem>>)
      %dma_start3A_168 = arith.constant 0 : i32
      %dma_start3A_169 = tpu.memref_slice %arg7[%add3A_161, %dma_start3A_168] : memref<157x128xi32, #tpu.memory_space<vmem>> -> memref<1x128xi32, #tpu.memory_space<vmem>>
      %dma_start3A_170 = tpu.memref_squeeze %dma_start3A_169 : memref<1x128xi32, #tpu.memory_space<vmem>> -> memref<128xi32, #tpu.memory_space<vmem>>
      %dma_start3A_171 = arith.constant 0 : i32
      %dma_start3A_172 = arith.constant 0 : i32
      %dma_start3A_173 = tpu.memref_slice %arg14[%dma_start3A_171, %dma_start3A_172] : memref<10016x16xf32, #tpu.memory_space<vmem_shared>> -> memref<10016x16xf32, #tpu.memory_space<vmem_shared>>
      tpu.enqueue_indirect_dma source(%arg10 : memref<128x16xf32, #tpu.memory_space<vmem>>) target(%dma_start3A_173 : memref<10016x16xf32, #tpu.memory_space<vmem_shared>>) offsets(%dma_start3A_170 : memref<128xi32, #tpu.memory_space<vmem>>) semaphore(%arg24 : memref<!tpu.dma_semaphore, #tpu.memory_space<semaphore_mem>>) {add = true}
      %add3A_174 = arith.constant 4 : i32
      %add3A_175 = arith.addi %add3A_161, %add3A_174 : i32
      %ge3A_176 = arith.constant 6 : i32
      %ge3A_177 = arith.cmpi sge, %add3A_175, %ge3A_176 : i32
      %lt3A_178 = arith.constant 156 : i32
      %lt3A_179 = arith.cmpi slt, %add3A_175, %lt3A_178 : i32
      %and3A_180 = arith.andi %ge3A_177, %lt3A_179 : i1
      %convert_element_type3A_181 = arith.extui %and3A_180 : i1 to i32
      %cond3A_182 = arith.constant 0 : i32
      %cond3A_183 = arith.cmpi ne, %convert_element_type3A_181, %cond3A_182 : i32
      scf.if %cond3A_183 {
        %dma_wait3A_282 = arith.constant 0 : i32
        %dma_wait3A_283 = arith.constant 0 : i32
        %dma_wait3A_284 = tpu.memref_slice %arg7[%dma_wait3A_282, %dma_wait3A_283] : memref<157x128xi32, #tpu.memory_space<vmem>> -> memref<1x128xi32, #tpu.memory_space<vmem>>
        %dma_wait3A_285 = tpu.memref_squeeze %dma_wait3A_284 : memref<1x128xi32, #tpu.memory_space<vmem>> -> memref<128xi32, #tpu.memory_space<vmem>>
        %dma_wait3A_286 = arith.constant 0 : i32
        %dma_wait3A_287 = arith.constant 0 : i32
        %dma_wait3A_288 = tpu.memref_slice %arg14[%dma_wait3A_286, %dma_wait3A_287] : memref<10016x16xf32, #tpu.memory_space<vmem_shared>> -> memref<10016x16xf32, #tpu.memory_space<vmem_shared>>
        tpu.wait_indirect_dma semaphore(%arg22 : memref<!tpu.dma_semaphore, #tpu.memory_space<semaphore_mem>>) src(%arg8 : memref<128x16xf32, #tpu.memory_space<vmem>>) dst(%dma_wait3A_288 : memref<10016x16xf32, #tpu.memory_space<vmem_shared>>)
      } else {
      }
      %lt3A_184 = arith.constant 156 : i32
      %lt3A_185 = arith.cmpi slt, %add3A_175, %lt3A_184 : i32
      %convert_element_type3A_186 = arith.extui %lt3A_185 : i1 to i32
      %cond3A_187 = arith.constant 0 : i32
      %cond3A_188 = arith.cmpi ne, %convert_element_type3A_186, %cond3A_187 : i32
      scf.if %cond3A_188 {
        %dma_start3A_282 = arith.constant 0 : i32
        %dma_start3A_283 = tpu.memref_slice %arg6[%add3A_175, %dma_start3A_282] : memref<157x128xi32, #tpu.memory_space<vmem>> -> memref<1x128xi32, #tpu.memory_space<vmem>>
        %dma_start3A_284 = tpu.memref_squeeze %dma_start3A_283 : memref<1x128xi32, #tpu.memory_space<vmem>> -> memref<128xi32, #tpu.memory_space<vmem>>
        %dma_start3A_285 = arith.constant 0 : i32
        %dma_start3A_286 = arith.constant 0 : i32
        %dma_start3A_287 = tpu.memref_slice %arg15[%dma_start3A_285, %dma_start3A_286] : memref<10016x16xf32, #tpu.memory_space<vmem_shared>> -> memref<10016x16xf32, #tpu.memory_space<vmem_shared>>
        tpu.enqueue_indirect_dma source(%dma_start3A_287 : memref<10016x16xf32, #tpu.memory_space<vmem_shared>>) target(%arg8 : memref<128x16xf32, #tpu.memory_space<vmem>>) offsets(%dma_start3A_284 : memref<128xi32, #tpu.memory_space<vmem>>) semaphore(%arg16 : memref<!tpu.dma_semaphore, #tpu.memory_space<semaphore_mem>>)
      } else {
      }
      %mul3A_189 = arith.constant 6 : i32
      %mul3A_190 = arith.muli %scan3A_97, %mul3A_189 : i32
      %add3A_191 = arith.constant 3 : i32
      %add3A_192 = arith.addi %mul3A_190, %add3A_191 : i32
      %dma_wait3A_193 = arith.constant 0 : i32
      %dma_wait3A_194 = tpu.memref_slice %arg6[%add3A_192, %dma_wait3A_193] : memref<157x128xi32, #tpu.memory_space<vmem>> -> memref<1x128xi32, #tpu.memory_space<vmem>>
      %dma_wait3A_195 = tpu.memref_squeeze %dma_wait3A_194 : memref<1x128xi32, #tpu.memory_space<vmem>> -> memref<128xi32, #tpu.memory_space<vmem>>
      %dma_wait3A_196 = arith.constant 0 : i32
      %dma_wait3A_197 = arith.constant 0 : i32
      %dma_wait3A_198 = tpu.memref_slice %arg15[%dma_wait3A_196, %dma_wait3A_197] : memref<10016x16xf32, #tpu.memory_space<vmem_shared>> -> memref<10016x16xf32, #tpu.memory_space<vmem_shared>>
      tpu.wait_indirect_dma semaphore(%arg19 : memref<!tpu.dma_semaphore, #tpu.memory_space<semaphore_mem>>) src(%dma_wait3A_198 : memref<10016x16xf32, #tpu.memory_space<vmem_shared>>) dst(%arg11 : memref<128x16xf32, #tpu.memory_space<vmem>>)
      %dma_start3A_199 = arith.constant 0 : i32
      %dma_start3A_200 = tpu.memref_slice %arg7[%add3A_192, %dma_start3A_199] : memref<157x128xi32, #tpu.memory_space<vmem>> -> memref<1x128xi32, #tpu.memory_space<vmem>>
      %dma_start3A_201 = tpu.memref_squeeze %dma_start3A_200 : memref<1x128xi32, #tpu.memory_space<vmem>> -> memref<128xi32, #tpu.memory_space<vmem>>
      %dma_start3A_202 = arith.constant 0 : i32
      %dma_start3A_203 = arith.constant 0 : i32
      %dma_start3A_204 = tpu.memref_slice %arg14[%dma_start3A_202, %dma_start3A_203] : memref<10016x16xf32, #tpu.memory_space<vmem_shared>> -> memref<10016x16xf32, #tpu.memory_space<vmem_shared>>
      tpu.enqueue_indirect_dma source(%arg11 : memref<128x16xf32, #tpu.memory_space<vmem>>) target(%dma_start3A_204 : memref<10016x16xf32, #tpu.memory_space<vmem_shared>>) offsets(%dma_start3A_201 : memref<128xi32, #tpu.memory_space<vmem>>) semaphore(%arg25 : memref<!tpu.dma_semaphore, #tpu.memory_space<semaphore_mem>>) {add = true}
      %add3A_205 = arith.constant 4 : i32
      %add3A_206 = arith.addi %add3A_192, %add3A_205 : i32
      %ge3A_207 = arith.constant 6 : i32
      %ge3A_208 = arith.cmpi sge, %add3A_206, %ge3A_207 : i32
      %lt3A_209 = arith.constant 156 : i32
      %lt3A_210 = arith.cmpi slt, %add3A_206, %lt3A_209 : i32
      %and3A_211 = arith.andi %ge3A_208, %lt3A_210 : i1
      %convert_element_type3A_212 = arith.extui %and3A_211 : i1 to i32
      %cond3A_213 = arith.constant 0 : i32
      %cond3A_214 = arith.cmpi ne, %convert_element_type3A_212, %cond3A_213 : i32
      scf.if %cond3A_214 {
        %dma_wait3A_282 = arith.constant 0 : i32
        %dma_wait3A_283 = arith.constant 0 : i32
        %dma_wait3A_284 = tpu.memref_slice %arg7[%dma_wait3A_282, %dma_wait3A_283] : memref<157x128xi32, #tpu.memory_space<vmem>> -> memref<1x128xi32, #tpu.memory_space<vmem>>
        %dma_wait3A_285 = tpu.memref_squeeze %dma_wait3A_284 : memref<1x128xi32, #tpu.memory_space<vmem>> -> memref<128xi32, #tpu.memory_space<vmem>>
        %dma_wait3A_286 = arith.constant 0 : i32
        %dma_wait3A_287 = arith.constant 0 : i32
        %dma_wait3A_288 = tpu.memref_slice %arg14[%dma_wait3A_286, %dma_wait3A_287] : memref<10016x16xf32, #tpu.memory_space<vmem_shared>> -> memref<10016x16xf32, #tpu.memory_space<vmem_shared>>
        tpu.wait_indirect_dma semaphore(%arg23 : memref<!tpu.dma_semaphore, #tpu.memory_space<semaphore_mem>>) src(%arg9 : memref<128x16xf32, #tpu.memory_space<vmem>>) dst(%dma_wait3A_288 : memref<10016x16xf32, #tpu.memory_space<vmem_shared>>)
      } else {
      }
      %lt3A_215 = arith.constant 156 : i32
      %lt3A_216 = arith.cmpi slt, %add3A_206, %lt3A_215 : i32
      %convert_element_type3A_217 = arith.extui %lt3A_216 : i1 to i32
      %cond3A_218 = arith.constant 0 : i32
      %cond3A_219 = arith.cmpi ne, %convert_element_type3A_217, %cond3A_218 : i32
      scf.if %cond3A_219 {
        %dma_start3A_282 = arith.constant 0 : i32
        %dma_start3A_283 = tpu.memref_slice %arg6[%add3A_206, %dma_start3A_282] : memref<157x128xi32, #tpu.memory_space<vmem>> -> memref<1x128xi32, #tpu.memory_space<vmem>>
        %dma_start3A_284 = tpu.memref_squeeze %dma_start3A_283 : memref<1x128xi32, #tpu.memory_space<vmem>> -> memref<128xi32, #tpu.memory_space<vmem>>
        %dma_start3A_285 = arith.constant 0 : i32
        %dma_start3A_286 = arith.constant 0 : i32
        %dma_start3A_287 = tpu.memref_slice %arg15[%dma_start3A_285, %dma_start3A_286] : memref<10016x16xf32, #tpu.memory_space<vmem_shared>> -> memref<10016x16xf32, #tpu.memory_space<vmem_shared>>
        tpu.enqueue_indirect_dma source(%dma_start3A_287 : memref<10016x16xf32, #tpu.memory_space<vmem_shared>>) target(%arg9 : memref<128x16xf32, #tpu.memory_space<vmem>>) offsets(%dma_start3A_284 : memref<128xi32, #tpu.memory_space<vmem>>) semaphore(%arg17 : memref<!tpu.dma_semaphore, #tpu.memory_space<semaphore_mem>>)
      } else {
      }
      %mul3A_220 = arith.constant 6 : i32
      %mul3A_221 = arith.muli %scan3A_97, %mul3A_220 : i32
      %add3A_222 = arith.constant 4 : i32
      %add3A_223 = arith.addi %mul3A_221, %add3A_222 : i32
      %dma_wait3A_224 = arith.constant 0 : i32
      %dma_wait3A_225 = tpu.memref_slice %arg6[%add3A_223, %dma_wait3A_224] : memref<157x128xi32, #tpu.memory_space<vmem>> -> memref<1x128xi32, #tpu.memory_space<vmem>>
      %dma_wait3A_226 = tpu.memref_squeeze %dma_wait3A_225 : memref<1x128xi32, #tpu.memory_space<vmem>> -> memref<128xi32, #tpu.memory_space<vmem>>
      %dma_wait3A_227 = arith.constant 0 : i32
      %dma_wait3A_228 = arith.constant 0 : i32
      %dma_wait3A_229 = tpu.memref_slice %arg15[%dma_wait3A_227, %dma_wait3A_228] : memref<10016x16xf32, #tpu.memory_space<vmem_shared>> -> memref<10016x16xf32, #tpu.memory_space<vmem_shared>>
      tpu.wait_indirect_dma semaphore(%arg20 : memref<!tpu.dma_semaphore, #tpu.memory_space<semaphore_mem>>) src(%dma_wait3A_229 : memref<10016x16xf32, #tpu.memory_space<vmem_shared>>) dst(%arg12 : memref<128x16xf32, #tpu.memory_space<vmem>>)
      %dma_start3A_230 = arith.constant 0 : i32
      %dma_start3A_231 = tpu.memref_slice %arg7[%add3A_223, %dma_start3A_230] : memref<157x128xi32, #tpu.memory_space<vmem>> -> memref<1x128xi32, #tpu.memory_space<vmem>>
      %dma_start3A_232 = tpu.memref_squeeze %dma_start3A_231 : memref<1x128xi32, #tpu.memory_space<vmem>> -> memref<128xi32, #tpu.memory_space<vmem>>
      %dma_start3A_233 = arith.constant 0 : i32
      %dma_start3A_234 = arith.constant 0 : i32
      %dma_start3A_235 = tpu.memref_slice %arg14[%dma_start3A_233, %dma_start3A_234] : memref<10016x16xf32, #tpu.memory_space<vmem_shared>> -> memref<10016x16xf32, #tpu.memory_space<vmem_shared>>
      tpu.enqueue_indirect_dma source(%arg12 : memref<128x16xf32, #tpu.memory_space<vmem>>) target(%dma_start3A_235 : memref<10016x16xf32, #tpu.memory_space<vmem_shared>>) offsets(%dma_start3A_232 : memref<128xi32, #tpu.memory_space<vmem>>) semaphore(%arg26 : memref<!tpu.dma_semaphore, #tpu.memory_space<semaphore_mem>>) {add = true}
      %add3A_236 = arith.constant 4 : i32
      %add3A_237 = arith.addi %add3A_223, %add3A_236 : i32
      %ge3A_238 = arith.constant 6 : i32
      %ge3A_239 = arith.cmpi sge, %add3A_237, %ge3A_238 : i32
      %lt3A_240 = arith.constant 156 : i32
      %lt3A_241 = arith.cmpi slt, %add3A_237, %lt3A_240 : i32
      %and3A_242 = arith.andi %ge3A_239, %lt3A_241 : i1
      %convert_element_type3A_243 = arith.extui %and3A_242 : i1 to i32
      %cond3A_244 = arith.constant 0 : i32
      %cond3A_245 = arith.cmpi ne, %convert_element_type3A_243, %cond3A_244 : i32
      scf.if %cond3A_245 {
        %dma_wait3A_282 = arith.constant 0 : i32
        %dma_wait3A_283 = arith.constant 0 : i32
        %dma_wait3A_284 = tpu.memref_slice %arg7[%dma_wait3A_282, %dma_wait3A_283] : memref<157x128xi32, #tpu.memory_space<vmem>> -> memref<1x128xi32, #tpu.memory_space<vmem>>
        %dma_wait3A_285 = tpu.memref_squeeze %dma_wait3A_284 : memref<1x128xi32, #tpu.memory_space<vmem>> -> memref<128xi32, #tpu.memory_space<vmem>>
        %dma_wait3A_286 = arith.constant 0 : i32
        %dma_wait3A_287 = arith.constant 0 : i32
        %dma_wait3A_288 = tpu.memref_slice %arg14[%dma_wait3A_286, %dma_wait3A_287] : memref<10016x16xf32, #tpu.memory_space<vmem_shared>> -> memref<10016x16xf32, #tpu.memory_space<vmem_shared>>
        tpu.wait_indirect_dma semaphore(%arg24 : memref<!tpu.dma_semaphore, #tpu.memory_space<semaphore_mem>>) src(%arg10 : memref<128x16xf32, #tpu.memory_space<vmem>>) dst(%dma_wait3A_288 : memref<10016x16xf32, #tpu.memory_space<vmem_shared>>)
      } else {
      }
      %lt3A_246 = arith.constant 156 : i32
      %lt3A_247 = arith.cmpi slt, %add3A_237, %lt3A_246 : i32
      %convert_element_type3A_248 = arith.extui %lt3A_247 : i1 to i32
      %cond3A_249 = arith.constant 0 : i32
      %cond3A_250 = arith.cmpi ne, %convert_element_type3A_248, %cond3A_249 : i32
      scf.if %cond3A_250 {
        %dma_start3A_282 = arith.constant 0 : i32
        %dma_start3A_283 = tpu.memref_slice %arg6[%add3A_237, %dma_start3A_282] : memref<157x128xi32, #tpu.memory_space<vmem>> -> memref<1x128xi32, #tpu.memory_space<vmem>>
        %dma_start3A_284 = tpu.memref_squeeze %dma_start3A_283 : memref<1x128xi32, #tpu.memory_space<vmem>> -> memref<128xi32, #tpu.memory_space<vmem>>
        %dma_start3A_285 = arith.constant 0 : i32
        %dma_start3A_286 = arith.constant 0 : i32
        %dma_start3A_287 = tpu.memref_slice %arg15[%dma_start3A_285, %dma_start3A_286] : memref<10016x16xf32, #tpu.memory_space<vmem_shared>> -> memref<10016x16xf32, #tpu.memory_space<vmem_shared>>
        tpu.enqueue_indirect_dma source(%dma_start3A_287 : memref<10016x16xf32, #tpu.memory_space<vmem_shared>>) target(%arg10 : memref<128x16xf32, #tpu.memory_space<vmem>>) offsets(%dma_start3A_284 : memref<128xi32, #tpu.memory_space<vmem>>) semaphore(%arg18 : memref<!tpu.dma_semaphore, #tpu.memory_space<semaphore_mem>>)
      } else {
      }
      %mul3A_251 = arith.constant 6 : i32
      %mul3A_252 = arith.muli %scan3A_97, %mul3A_251 : i32
      %add3A_253 = arith.constant 5 : i32
      %add3A_254 = arith.addi %mul3A_252, %add3A_253 : i32
      %dma_wait3A_255 = arith.constant 0 : i32
      %dma_wait3A_256 = tpu.memref_slice %arg6[%add3A_254, %dma_wait3A_255] : memref<157x128xi32, #tpu.memory_space<vmem>> -> memref<1x128xi32, #tpu.memory_space<vmem>>
      %dma_wait3A_257 = tpu.memref_squeeze %dma_wait3A_256 : memref<1x128xi32, #tpu.memory_space<vmem>> -> memref<128xi32, #tpu.memory_space<vmem>>
      %dma_wait3A_258 = arith.constant 0 : i32
      %dma_wait3A_259 = arith.constant 0 : i32
      %dma_wait3A_260 = tpu.memref_slice %arg15[%dma_wait3A_258, %dma_wait3A_259] : memref<10016x16xf32, #tpu.memory_space<vmem_shared>> -> memref<10016x16xf32, #tpu.memory_space<vmem_shared>>
      tpu.wait_indirect_dma semaphore(%arg21 : memref<!tpu.dma_semaphore, #tpu.memory_space<semaphore_mem>>) src(%dma_wait3A_260 : memref<10016x16xf32, #tpu.memory_space<vmem_shared>>) dst(%arg13 : memref<128x16xf32, #tpu.memory_space<vmem>>)
      %dma_start3A_261 = arith.constant 0 : i32
      %dma_start3A_262 = tpu.memref_slice %arg7[%add3A_254, %dma_start3A_261] : memref<157x128xi32, #tpu.memory_space<vmem>> -> memref<1x128xi32, #tpu.memory_space<vmem>>
      %dma_start3A_263 = tpu.memref_squeeze %dma_start3A_262 : memref<1x128xi32, #tpu.memory_space<vmem>> -> memref<128xi32, #tpu.memory_space<vmem>>
      %dma_start3A_264 = arith.constant 0 : i32
      %dma_start3A_265 = arith.constant 0 : i32
      %dma_start3A_266 = tpu.memref_slice %arg14[%dma_start3A_264, %dma_start3A_265] : memref<10016x16xf32, #tpu.memory_space<vmem_shared>> -> memref<10016x16xf32, #tpu.memory_space<vmem_shared>>
      tpu.enqueue_indirect_dma source(%arg13 : memref<128x16xf32, #tpu.memory_space<vmem>>) target(%dma_start3A_266 : memref<10016x16xf32, #tpu.memory_space<vmem_shared>>) offsets(%dma_start3A_263 : memref<128xi32, #tpu.memory_space<vmem>>) semaphore(%arg27 : memref<!tpu.dma_semaphore, #tpu.memory_space<semaphore_mem>>) {add = true}
      %add3A_267 = arith.constant 4 : i32
      %add3A_268 = arith.addi %add3A_254, %add3A_267 : i32
      %ge3A_269 = arith.constant 6 : i32
      %ge3A_270 = arith.cmpi sge, %add3A_268, %ge3A_269 : i32
      %lt3A_271 = arith.constant 156 : i32
      %lt3A_272 = arith.cmpi slt, %add3A_268, %lt3A_271 : i32
      %and3A_273 = arith.andi %ge3A_270, %lt3A_272 : i1
      %convert_element_type3A_274 = arith.extui %and3A_273 : i1 to i32
      %cond3A_275 = arith.constant 0 : i32
      %cond3A_276 = arith.cmpi ne, %convert_element_type3A_274, %cond3A_275 : i32
      scf.if %cond3A_276 {
        %dma_wait3A_282 = arith.constant 0 : i32
        %dma_wait3A_283 = arith.constant 0 : i32
        %dma_wait3A_284 = tpu.memref_slice %arg7[%dma_wait3A_282, %dma_wait3A_283] : memref<157x128xi32, #tpu.memory_space<vmem>> -> memref<1x128xi32, #tpu.memory_space<vmem>>
        %dma_wait3A_285 = tpu.memref_squeeze %dma_wait3A_284 : memref<1x128xi32, #tpu.memory_space<vmem>> -> memref<128xi32, #tpu.memory_space<vmem>>
        %dma_wait3A_286 = arith.constant 0 : i32
        %dma_wait3A_287 = arith.constant 0 : i32
        %dma_wait3A_288 = tpu.memref_slice %arg14[%dma_wait3A_286, %dma_wait3A_287] : memref<10016x16xf32, #tpu.memory_space<vmem_shared>> -> memref<10016x16xf32, #tpu.memory_space<vmem_shared>>
        tpu.wait_indirect_dma semaphore(%arg25 : memref<!tpu.dma_semaphore, #tpu.memory_space<semaphore_mem>>) src(%arg11 : memref<128x16xf32, #tpu.memory_space<vmem>>) dst(%dma_wait3A_288 : memref<10016x16xf32, #tpu.memory_space<vmem_shared>>)
      } else {
      }
      %lt3A_277 = arith.constant 156 : i32
      %lt3A_278 = arith.cmpi slt, %add3A_268, %lt3A_277 : i32
      %convert_element_type3A_279 = arith.extui %lt3A_278 : i1 to i32
      %cond3A_280 = arith.constant 0 : i32
      %cond3A_281 = arith.cmpi ne, %convert_element_type3A_279, %cond3A_280 : i32
      scf.if %cond3A_281 {
        %dma_start3A_282 = arith.constant 0 : i32
        %dma_start3A_283 = tpu.memref_slice %arg6[%add3A_268, %dma_start3A_282] : memref<157x128xi32, #tpu.memory_space<vmem>> -> memref<1x128xi32, #tpu.memory_space<vmem>>
        %dma_start3A_284 = tpu.memref_squeeze %dma_start3A_283 : memref<1x128xi32, #tpu.memory_space<vmem>> -> memref<128xi32, #tpu.memory_space<vmem>>
        %dma_start3A_285 = arith.constant 0 : i32
        %dma_start3A_286 = arith.constant 0 : i32
        %dma_start3A_287 = tpu.memref_slice %arg15[%dma_start3A_285, %dma_start3A_286] : memref<10016x16xf32, #tpu.memory_space<vmem_shared>> -> memref<10016x16xf32, #tpu.memory_space<vmem_shared>>
        tpu.enqueue_indirect_dma source(%dma_start3A_287 : memref<10016x16xf32, #tpu.memory_space<vmem_shared>>) target(%arg11 : memref<128x16xf32, #tpu.memory_space<vmem>>) offsets(%dma_start3A_284 : memref<128xi32, #tpu.memory_space<vmem>>) semaphore(%arg19 : memref<!tpu.dma_semaphore, #tpu.memory_space<semaphore_mem>>)
      } else {
      }
    }
    %scan3A_45 = arith.constant 26 : i32
    %dma_wait3A = arith.constant 0 : i32
    %dma_wait3A_46 = arith.constant 0 : i32
    %dma_wait3A_47 = tpu.memref_slice %arg7[%dma_wait3A, %dma_wait3A_46] : memref<157x128xi32, #tpu.memory_space<vmem>> -> memref<1x128xi32, #tpu.memory_space<vmem>>
    %dma_wait3A_48 = tpu.memref_squeeze %dma_wait3A_47 : memref<1x128xi32, #tpu.memory_space<vmem>> -> memref<128xi32, #tpu.memory_space<vmem>>
    %dma_wait3A_49 = arith.constant 0 : i32
    %dma_wait3A_50 = arith.constant 0 : i32
    %dma_wait3A_51 = tpu.memref_slice %arg14[%dma_wait3A_49, %dma_wait3A_50] : memref<10016x16xf32, #tpu.memory_space<vmem_shared>> -> memref<10016x16xf32, #tpu.memory_space<vmem_shared>>
    tpu.wait_indirect_dma semaphore(%arg22 : memref<!tpu.dma_semaphore, #tpu.memory_space<semaphore_mem>>) src(%arg8 : memref<128x16xf32, #tpu.memory_space<vmem>>) dst(%dma_wait3A_51 : memref<10016x16xf32, #tpu.memory_space<vmem_shared>>)
    %dma_wait3A_52 = arith.constant 0 : i32
    %dma_wait3A_53 = arith.constant 0 : i32
    %dma_wait3A_54 = tpu.memref_slice %arg7[%dma_wait3A_52, %dma_wait3A_53] : memref<157x128xi32, #tpu.memory_space<vmem>> -> memref<1x128xi32, #tpu.memory_space<vmem>>
    %dma_wait3A_55 = tpu.memref_squeeze %dma_wait3A_54 : memref<1x128xi32, #tpu.memory_space<vmem>> -> memref<128xi32, #tpu.memory_space<vmem>>
    %dma_wait3A_56 = arith.constant 0 : i32
    %dma_wait3A_57 = arith.constant 0 : i32
    %dma_wait3A_58 = tpu.memref_slice %arg14[%dma_wait3A_56, %dma_wait3A_57] : memref<10016x16xf32, #tpu.memory_space<vmem_shared>> -> memref<10016x16xf32, #tpu.memory_space<vmem_shared>>
    tpu.wait_indirect_dma semaphore(%arg23 : memref<!tpu.dma_semaphore, #tpu.memory_space<semaphore_mem>>) src(%arg9 : memref<128x16xf32, #tpu.memory_space<vmem>>) dst(%dma_wait3A_58 : memref<10016x16xf32, #tpu.memory_space<vmem_shared>>)
    %dma_wait3A_59 = arith.constant 0 : i32
    %dma_wait3A_60 = arith.constant 0 : i32
    %dma_wait3A_61 = tpu.memref_slice %arg7[%dma_wait3A_59, %dma_wait3A_60] : memref<157x128xi32, #tpu.memory_space<vmem>> -> memref<1x128xi32, #tpu.memory_space<vmem>>
    %dma_wait3A_62 = tpu.memref_squeeze %dma_wait3A_61 : memref<1x128xi32, #tpu.memory_space<vmem>> -> memref<128xi32, #tpu.memory_space<vmem>>
    %dma_wait3A_63 = arith.constant 0 : i32
    %dma_wait3A_64 = arith.constant 0 : i32
    %dma_wait3A_65 = tpu.memref_slice %arg14[%dma_wait3A_63, %dma_wait3A_64] : memref<10016x16xf32, #tpu.memory_space<vmem_shared>> -> memref<10016x16xf32, #tpu.memory_space<vmem_shared>>
    tpu.wait_indirect_dma semaphore(%arg24 : memref<!tpu.dma_semaphore, #tpu.memory_space<semaphore_mem>>) src(%arg10 : memref<128x16xf32, #tpu.memory_space<vmem>>) dst(%dma_wait3A_65 : memref<10016x16xf32, #tpu.memory_space<vmem_shared>>)
    %dma_wait3A_66 = arith.constant 0 : i32
    %dma_wait3A_67 = arith.constant 0 : i32
    %dma_wait3A_68 = tpu.memref_slice %arg7[%dma_wait3A_66, %dma_wait3A_67] : memref<157x128xi32, #tpu.memory_space<vmem>> -> memref<1x128xi32, #tpu.memory_space<vmem>>
    %dma_wait3A_69 = tpu.memref_squeeze %dma_wait3A_68 : memref<1x128xi32, #tpu.memory_space<vmem>> -> memref<128xi32, #tpu.memory_space<vmem>>
    %dma_wait3A_70 = arith.constant 0 : i32
    %dma_wait3A_71 = arith.constant 0 : i32
    %dma_wait3A_72 = tpu.memref_slice %arg14[%dma_wait3A_70, %dma_wait3A_71] : memref<10016x16xf32, #tpu.memory_space<vmem_shared>> -> memref<10016x16xf32, #tpu.memory_space<vmem_shared>>
    tpu.wait_indirect_dma semaphore(%arg25 : memref<!tpu.dma_semaphore, #tpu.memory_space<semaphore_mem>>) src(%arg11 : memref<128x16xf32, #tpu.memory_space<vmem>>) dst(%dma_wait3A_72 : memref<10016x16xf32, #tpu.memory_space<vmem_shared>>)
    %dma_wait3A_73 = arith.constant 0 : i32
    %dma_wait3A_74 = arith.constant 0 : i32
    %dma_wait3A_75 = tpu.memref_slice %arg7[%dma_wait3A_73, %dma_wait3A_74] : memref<157x128xi32, #tpu.memory_space<vmem>> -> memref<1x128xi32, #tpu.memory_space<vmem>>
    %dma_wait3A_76 = tpu.memref_squeeze %dma_wait3A_75 : memref<1x128xi32, #tpu.memory_space<vmem>> -> memref<128xi32, #tpu.memory_space<vmem>>
    %dma_wait3A_77 = arith.constant 0 : i32
    %dma_wait3A_78 = arith.constant 0 : i32
    %dma_wait3A_79 = tpu.memref_slice %arg14[%dma_wait3A_77, %dma_wait3A_78] : memref<10016x16xf32, #tpu.memory_space<vmem_shared>> -> memref<10016x16xf32, #tpu.memory_space<vmem_shared>>
    tpu.wait_indirect_dma semaphore(%arg26 : memref<!tpu.dma_semaphore, #tpu.memory_space<semaphore_mem>>) src(%arg12 : memref<128x16xf32, #tpu.memory_space<vmem>>) dst(%dma_wait3A_79 : memref<10016x16xf32, #tpu.memory_space<vmem_shared>>)
    %dma_wait3A_80 = arith.constant 0 : i32
    %dma_wait3A_81 = arith.constant 0 : i32
    %dma_wait3A_82 = tpu.memref_slice %arg7[%dma_wait3A_80, %dma_wait3A_81] : memref<157x128xi32, #tpu.memory_space<vmem>> -> memref<1x128xi32, #tpu.memory_space<vmem>>
    %dma_wait3A_83 = tpu.memref_squeeze %dma_wait3A_82 : memref<1x128xi32, #tpu.memory_space<vmem>> -> memref<128xi32, #tpu.memory_space<vmem>>
    %dma_wait3A_84 = arith.constant 0 : i32
    %dma_wait3A_85 = arith.constant 0 : i32
    %dma_wait3A_86 = tpu.memref_slice %arg14[%dma_wait3A_84, %dma_wait3A_85] : memref<10016x16xf32, #tpu.memory_space<vmem_shared>> -> memref<10016x16xf32, #tpu.memory_space<vmem_shared>>
    tpu.wait_indirect_dma semaphore(%arg27 : memref<!tpu.dma_semaphore, #tpu.memory_space<semaphore_mem>>) src(%arg13 : memref<128x16xf32, #tpu.memory_space<vmem>>) dst(%dma_wait3A_86 : memref<10016x16xf32, #tpu.memory_space<vmem_shared>>)
    %lt3A_87 = arith.constant 8 : i32
    %lt3A_88 = arith.cmpi slt, %add3A, %lt3A_87 : i32
    %convert_element_type3A_89 = arith.extui %lt3A_88 : i1 to i32
    %cond3A_90 = arith.constant 0 : i32
    %cond3A_91 = arith.cmpi ne, %convert_element_type3A_89, %cond3A_90 : i32
    scf.if %cond3A_91 {
      %dma_start3A_97 = arith.constant 156 : i32
      %dma_start3A_98 = arith.constant 0 : i32
      %dma_start3A_99 = tpu.memref_slice %arg6[%dma_start3A_97, %dma_start3A_98] : memref<157x128xi32, #tpu.memory_space<vmem>> -> memref<1x128xi32, #tpu.memory_space<vmem>>
      %dma_start3A_100 = tpu.memref_squeeze %dma_start3A_99 : memref<1x128xi32, #tpu.memory_space<vmem>> -> memref<128xi32, #tpu.memory_space<vmem>>
      %dma_start3A_101 = arith.constant 0 : i32
      %dma_start3A_102 = arith.constant 0 : i32
      %dma_start3A_103 = tpu.memref_slice %arg15[%dma_start3A_101, %dma_start3A_102] : memref<10016x16xf32, #tpu.memory_space<vmem_shared>> -> memref<10016x16xf32, #tpu.memory_space<vmem_shared>>
      tpu.enqueue_indirect_dma source(%dma_start3A_103 : memref<10016x16xf32, #tpu.memory_space<vmem_shared>>) target(%arg8 : memref<128x16xf32, #tpu.memory_space<vmem>>) offsets(%dma_start3A_100 : memref<128xi32, #tpu.memory_space<vmem>>) semaphore(%arg16 : memref<!tpu.dma_semaphore, #tpu.memory_space<semaphore_mem>>)
      %dma_wait3A_104 = arith.constant 156 : i32
      %dma_wait3A_105 = arith.constant 0 : i32
      %dma_wait3A_106 = tpu.memref_slice %arg6[%dma_wait3A_104, %dma_wait3A_105] : memref<157x128xi32, #tpu.memory_space<vmem>> -> memref<1x128xi32, #tpu.memory_space<vmem>>
      %dma_wait3A_107 = tpu.memref_squeeze %dma_wait3A_106 : memref<1x128xi32, #tpu.memory_space<vmem>> -> memref<128xi32, #tpu.memory_space<vmem>>
      %dma_wait3A_108 = arith.constant 0 : i32
      %dma_wait3A_109 = arith.constant 0 : i32
      %dma_wait3A_110 = tpu.memref_slice %arg15[%dma_wait3A_108, %dma_wait3A_109] : memref<10016x16xf32, #tpu.memory_space<vmem_shared>> -> memref<10016x16xf32, #tpu.memory_space<vmem_shared>>
      tpu.wait_indirect_dma semaphore(%arg16 : memref<!tpu.dma_semaphore, #tpu.memory_space<semaphore_mem>>) src(%dma_wait3A_110 : memref<10016x16xf32, #tpu.memory_space<vmem_shared>>) dst(%arg8 : memref<128x16xf32, #tpu.memory_space<vmem>>)
      %dma_start3A_111 = arith.constant 156 : i32
      %dma_start3A_112 = arith.constant 0 : i32
      %dma_start3A_113 = tpu.memref_slice %arg7[%dma_start3A_111, %dma_start3A_112] : memref<157x128xi32, #tpu.memory_space<vmem>> -> memref<1x128xi32, #tpu.memory_space<vmem>>
      %dma_start3A_114 = tpu.memref_squeeze %dma_start3A_113 : memref<1x128xi32, #tpu.memory_space<vmem>> -> memref<128xi32, #tpu.memory_space<vmem>>
      %dma_start3A_115 = arith.constant 0 : i32
      %dma_start3A_116 = arith.constant 0 : i32
      %dma_start3A_117 = tpu.memref_slice %arg14[%dma_start3A_115, %dma_start3A_116] : memref<10016x16xf32, #tpu.memory_space<vmem_shared>> -> memref<10016x16xf32, #tpu.memory_space<vmem_shared>>
      tpu.enqueue_indirect_dma source(%arg8 : memref<128x16xf32, #tpu.memory_space<vmem>>) target(%dma_start3A_117 : memref<10016x16xf32, #tpu.memory_space<vmem_shared>>) offsets(%dma_start3A_114 : memref<128xi32, #tpu.memory_space<vmem>>) semaphore(%arg22 : memref<!tpu.dma_semaphore, #tpu.memory_space<semaphore_mem>>) {add = true}
      %dma_wait3A_118 = arith.constant 156 : i32
      %dma_wait3A_119 = arith.constant 0 : i32
      %dma_wait3A_120 = tpu.memref_slice %arg7[%dma_wait3A_118, %dma_wait3A_119] : memref<157x128xi32, #tpu.memory_space<vmem>> -> memref<1x128xi32, #tpu.memory_space<vmem>>
      %dma_wait3A_121 = tpu.memref_squeeze %dma_wait3A_120 : memref<1x128xi32, #tpu.memory_space<vmem>> -> memref<128xi32, #tpu.memory_space<vmem>>
      %dma_wait3A_122 = arith.constant 0 : i32
      %dma_wait3A_123 = arith.constant 0 : i32
      %dma_wait3A_124 = tpu.memref_slice %arg14[%dma_wait3A_122, %dma_wait3A_123] : memref<10016x16xf32, #tpu.memory_space<vmem_shared>> -> memref<10016x16xf32, #tpu.memory_space<vmem_shared>>
      tpu.wait_indirect_dma semaphore(%arg22 : memref<!tpu.dma_semaphore, #tpu.memory_space<semaphore_mem>>) src(%arg8 : memref<128x16xf32, #tpu.memory_space<vmem>>) dst(%dma_wait3A_124 : memref<10016x16xf32, #tpu.memory_space<vmem_shared>>)
    } else {
    }
    %barrier3A_92 = arith.constant 0 : index
    tpu.barrier barrier_id(%barrier3A_92)
    %mul3A_93 = arith.constant 625 : i32
    %mul3A_94 = arith.muli %arg1, %mul3A_93 : i32
    %mul3A_95 = arith.constant 625 : i32
    %mul3A_96 = arith.muli %arg1, %mul3A_95 : i32
    "tpu.region"() ({
      %run_scoped3A_97 = tpu.sem_alloc : memref<!tpu.dma_semaphore, #tpu.memory_space<semaphore_mem>>
      %dma_start3A_98 = arith.constant 0 : i32
      %dma_start3A_99 = tpu.memref_slice %arg5[%arg0, %mul3A_96, %dma_start3A_98] : memref<2x10000x16xf32, #tpu.memory_space<hbm>> -> memref<1x625x16xf32, #tpu.memory_space<hbm>>
      %dma_start3A_100 = tpu.memref_squeeze %dma_start3A_99 : memref<1x625x16xf32, #tpu.memory_space<hbm>> -> memref<625x16xf32, #tpu.memory_space<hbm>>
      %dma_start3A_101 = arith.constant 0 : i32
      %dma_start3A_102 = tpu.memref_slice %arg14[%mul3A_94, %dma_start3A_101] : memref<10016x16xf32, #tpu.memory_space<vmem_shared>> -> memref<625x16xf32, #tpu.memory_space<vmem_shared>>
      tpu.enqueue_dma source(%dma_start3A_102 : memref<625x16xf32, #tpu.memory_space<vmem_shared>>) target(%dma_start3A_100 : memref<625x16xf32, #tpu.memory_space<hbm>>) target_semaphore(%run_scoped3A_97 : memref<!tpu.dma_semaphore, #tpu.memory_space<semaphore_mem>>)
      %dma_wait3A_103 = arith.constant 0 : i32
      %dma_wait3A_104 = tpu.memref_slice %arg5[%arg0, %mul3A_96, %dma_wait3A_103] : memref<2x10000x16xf32, #tpu.memory_space<hbm>> -> memref<1x625x16xf32, #tpu.memory_space<hbm>>
      %dma_wait3A_105 = tpu.memref_squeeze %dma_wait3A_104 : memref<1x625x16xf32, #tpu.memory_space<hbm>> -> memref<625x16xf32, #tpu.memory_space<hbm>>
      %dma_wait3A_106 = arith.constant 0 : i32
      %dma_wait3A_107 = tpu.memref_slice %arg14[%mul3A_94, %dma_wait3A_106] : memref<10016x16xf32, #tpu.memory_space<vmem_shared>> -> memref<625x16xf32, #tpu.memory_space<vmem_shared>>
      tpu.wait_dma2 semaphore(%run_scoped3A_97 : memref<!tpu.dma_semaphore, #tpu.memory_space<semaphore_mem>>) src(%dma_wait3A_107 : memref<625x16xf32, #tpu.memory_space<vmem_shared>>) dst(%dma_wait3A_105 : memref<625x16xf32, #tpu.memory_space<hbm>>)
      tpu.yield
    }) : () -> ()
    return
  }
}

#map = affine_map<(d0, d1) -> (0, 0)>
#map1 = affine_map<(d0, d1) -> (0, 0, 0)>
module attributes {stable_mosaic.version = 14 : i64} {
  func.func @_sc_edge_agg(%arg0: i32, %arg1: i32, %arg2: memref<10000x16xf32, #tpu.memory_space<hbm>>, %arg3: memref<2x5000x128xi32, #tpu.memory_space<hbm>>, %arg4: memref<10016x16xf32, #tpu.memory_space<hbm>>, %arg5: memref<2x10000x16xf32, #tpu.memory_space<hbm>>, %arg6: memref<157x128xi32, #tpu.memory_space<vmem>>, %arg7: memref<157x128xi32, #tpu.memory_space<vmem>>, %arg8: memref<128x16xf32, #tpu.memory_space<vmem>>, %arg9: memref<128x16xf32, #tpu.memory_space<vmem>>, %arg10: memref<128x16xf32, #tpu.memory_space<vmem>>, %arg11: memref<128x16xf32, #tpu.memory_space<vmem>>, %arg12: memref<128x16xf32, #tpu.memory_space<vmem>>, %arg13: memref<128x16xf32, #tpu.memory_space<vmem>>, %arg14: memref<10016x16xf32, #tpu.memory_space<vmem_shared>>, %arg15: memref<10016x16xf32, #tpu.memory_space<vmem_shared>>, %arg16: memref<!tpu.dma_semaphore, #tpu.memory_space<semaphore_mem>>, %arg17: memref<!tpu.dma_semaphore, #tpu.memory_space<semaphore_mem>>, %arg18: memref<!tpu.dma_semaphore, #tpu.memory_space<semaphore_mem>>, %arg19: memref<!tpu.dma_semaphore, #tpu.memory_space<semaphore_mem>>, %arg20: memref<!tpu.dma_semaphore, #tpu.memory_space<semaphore_mem>>, %arg21: memref<!tpu.dma_semaphore, #tpu.memory_space<semaphore_mem>>, %arg22: memref<!tpu.dma_semaphore, #tpu.memory_space<semaphore_mem>>, %arg23: memref<!tpu.dma_semaphore, #tpu.memory_space<semaphore_mem>>, %arg24: memref<!tpu.dma_semaphore, #tpu.memory_space<semaphore_mem>>, %arg25: memref<!tpu.dma_semaphore, #tpu.memory_space<semaphore_mem>>, %arg26: memref<!tpu.dma_semaphore, #tpu.memory_space<semaphore_mem>>, %arg27: memref<!tpu.dma_semaphore, #tpu.memory_space<semaphore_mem>>) attributes {dimension_semantics = [#tpu.dimension_semantics<core_parallel>, #tpu.dimension_semantics<subcore_parallel>], iteration_bounds = array<i64: 2, 16>, scalar_prefetch = 0 : i64, scratch_operands = 22 : i64, tpu.core_type = #tpu.core_type<sc_vector_subcore>, window_params = [{transform_indices = #map}, {transform_indices = #map1}, {transform_indices = #map}, {transform_indices = #map1}]} {
    %mul3A = arith.constant 2 : i32
    %mul3A_0 = arith.muli %arg1, %mul3A : i32
    %add3A = arith.addi %mul3A_0, %arg0 : i32
    %mul3A_1 = arith.constant 626 : i32
    %mul3A_2 = arith.muli %arg1, %mul3A_1 : i32
    %mul3A_3 = arith.constant 626 : i32
    %mul3A_4 = arith.muli %arg1, %mul3A_3 : i32
    "tpu.region"() ({
      %run_scoped3A_97 = tpu.sem_alloc : memref<!tpu.dma_semaphore, #tpu.memory_space<semaphore_mem>>
      %dma_start3A_98 = arith.constant 0 : i32
      %dma_start3A_99 = tpu.memref_slice %arg14[%mul3A_4, %dma_start3A_98] : memref<10016x16xf32, #tpu.memory_space<vmem_shared>> -> memref<626x16xf32, #tpu.memory_space<vmem_shared>>
      %dma_start3A_100 = arith.constant 0 : i32
      %dma_start3A_101 = tpu.memref_slice %arg4[%mul3A_2, %dma_start3A_100] : memref<10016x16xf32, #tpu.memory_space<hbm>> -> memref<626x16xf32, #tpu.memory_space<hbm>>
      tpu.enqueue_dma source(%dma_start3A_101 : memref<626x16xf32, #tpu.memory_space<hbm>>) target(%dma_start3A_99 : memref<626x16xf32, #tpu.memory_space<vmem_shared>>) target_semaphore(%run_scoped3A_97 : memref<!tpu.dma_semaphore, #tpu.memory_space<semaphore_mem>>)
      %dma_wait3A_102 = arith.constant 0 : i32
      %dma_wait3A_103 = tpu.memref_slice %arg14[%mul3A_4, %dma_wait3A_102] : memref<10016x16xf32, #tpu.memory_space<vmem_shared>> -> memref<626x16xf32, #tpu.memory_space<vmem_shared>>
      %dma_wait3A_104 = arith.constant 0 : i32
      %dma_wait3A_105 = tpu.memref_slice %arg4[%mul3A_2, %dma_wait3A_104] : memref<10016x16xf32, #tpu.memory_space<hbm>> -> memref<626x16xf32, #tpu.memory_space<hbm>>
      tpu.wait_dma2 semaphore(%run_scoped3A_97 : memref<!tpu.dma_semaphore, #tpu.memory_space<semaphore_mem>>) src(%dma_wait3A_105 : memref<626x16xf32, #tpu.memory_space<hbm>>) dst(%dma_wait3A_103 : memref<626x16xf32, #tpu.memory_space<vmem_shared>>)
      tpu.yield
    }) : () -> ()
    %mul3A_5 = arith.constant 625 : i32
    %mul3A_6 = arith.muli %arg1, %mul3A_5 : i32
    %mul3A_7 = arith.constant 625 : i32
    %mul3A_8 = arith.muli %arg1, %mul3A_7 : i32
    "tpu.region"() ({
      %run_scoped3A_97 = tpu.sem_alloc : memref<!tpu.dma_semaphore, #tpu.memory_space<semaphore_mem>>
      %dma_start3A_98 = arith.constant 0 : i32
      %dma_start3A_99 = tpu.memref_slice %arg15[%mul3A_8, %dma_start3A_98] : memref<10016x16xf32, #tpu.memory_space<vmem_shared>> -> memref<625x16xf32, #tpu.memory_space<vmem_shared>>
      %dma_start3A_100 = arith.constant 0 : i32
      %dma_start3A_101 = tpu.memref_slice %arg2[%mul3A_6, %dma_start3A_100] : memref<10000x16xf32, #tpu.memory_space<hbm>> -> memref<625x16xf32, #tpu.memory_space<hbm>>
      tpu.enqueue_dma source(%dma_start3A_101 : memref<625x16xf32, #tpu.memory_space<hbm>>) target(%dma_start3A_99 : memref<625x16xf32, #tpu.memory_space<vmem_shared>>) target_semaphore(%run_scoped3A_97 : memref<!tpu.dma_semaphore, #tpu.memory_space<semaphore_mem>>)
      %dma_wait3A_102 = arith.constant 0 : i32
      %dma_wait3A_103 = tpu.memref_slice %arg15[%mul3A_8, %dma_wait3A_102] : memref<10016x16xf32, #tpu.memory_space<vmem_shared>> -> memref<625x16xf32, #tpu.memory_space<vmem_shared>>
      %dma_wait3A_104 = arith.constant 0 : i32
      %dma_wait3A_105 = tpu.memref_slice %arg2[%mul3A_6, %dma_wait3A_104] : memref<10000x16xf32, #tpu.memory_space<hbm>> -> memref<625x16xf32, #tpu.memory_space<hbm>>
      tpu.wait_dma2 semaphore(%run_scoped3A_97 : memref<!tpu.dma_semaphore, #tpu.memory_space<semaphore_mem>>) src(%dma_wait3A_105 : memref<625x16xf32, #tpu.memory_space<hbm>>) dst(%dma_wait3A_103 : memref<625x16xf32, #tpu.memory_space<vmem_shared>>)
      tpu.yield
    }) : () -> ()
    %mul3A_9 = arith.constant 156 : i32
    %mul3A_10 = arith.muli %add3A, %mul3A_9 : i32
    %run_scoped3A = arith.constant 0 : i32
    "tpu.region"() ({
      %run_scoped3A_97 = tpu.sem_alloc : memref<!tpu.dma_semaphore, #tpu.memory_space<semaphore_mem>>
      %dma_start3A_98 = arith.constant 0 : i32
      %dma_start3A_99 = arith.constant 0 : i32
      %dma_start3A_100 = tpu.memref_slice %arg6[%dma_start3A_98, %dma_start3A_99] : memref<157x128xi32, #tpu.memory_space<vmem>> -> memref<156x128xi32, #tpu.memory_space<vmem>>
      %dma_start3A_101 = arith.constant 0 : i32
      %dma_start3A_102 = tpu.memref_slice %arg3[%run_scoped3A, %mul3A_10, %dma_start3A_101] : memref<2x5000x128xi32, #tpu.memory_space<hbm>> -> memref<1x156x128xi32, #tpu.memory_space<hbm>>
      %dma_start3A_103 = tpu.memref_squeeze %dma_start3A_102 : memref<1x156x128xi32, #tpu.memory_space<hbm>> -> memref<156x128xi32, #tpu.memory_space<hbm>>
      %dma_start3A_104 = arith.constant 0 : i32
      %dma_start3A_105 = arith.constant 0 : i32
      %dma_start3A_106 = tpu.memref_slice %arg6[%dma_start3A_104, %dma_start3A_105] : memref<157x128xi32, #tpu.memory_space<vmem>> -> memref<156x128xi32, #tpu.memory_space<vmem>>
      %dma_start3A_107 = arith.constant 0 : i32
      %dma_start3A_108 = tpu.memref_slice %arg3[%run_scoped3A, %mul3A_10, %dma_start3A_107] : memref<2x5000x128xi32, #tpu.memory_space<hbm>> -> memref<1x156x128xi32, #tpu.memory_space<hbm>>
      %dma_start3A_109 = tpu.memref_squeeze %dma_start3A_108 : memref<1x156x128xi32, #tpu.memory_space<hbm>> -> memref<156x128xi32, #tpu.memory_space<hbm>>
      tpu.enqueue_dma source(%dma_start3A_109 : memref<156x128xi32, #tpu.memory_space<hbm>>) target(%dma_start3A_106 : memref<156x128xi32, #tpu.memory_space<vmem>>) target_semaphore(%run_scoped3A_97 : memref<!tpu.dma_semaphore, #tpu.memory_space<semaphore_mem>>)
      %dma_wait3A_110 = arith.constant 0 : i32
      %dma_wait3A_111 = arith.constant 0 : i32
      %dma_wait3A_112 = tpu.memref_slice %arg6[%dma_wait3A_110, %dma_wait3A_111] : memref<157x128xi32, #tpu.memory_space<vmem>> -> memref<156x128xi32, #tpu.memory_space<vmem>>
      %dma_wait3A_113 = arith.constant 0 : i32
      %dma_wait3A_114 = tpu.memref_slice %arg3[%run_scoped3A, %mul3A_10, %dma_wait3A_113] : memref<2x5000x128xi32, #tpu.memory_space<hbm>> -> memref<1x156x128xi32, #tpu.memory_space<hbm>>
      %dma_wait3A_115 = tpu.memref_squeeze %dma_wait3A_114 : memref<1x156x128xi32, #tpu.memory_space<hbm>> -> memref<156x128xi32, #tpu.memory_space<hbm>>
      %dma_wait3A_116 = arith.constant 0 : i32
      %dma_wait3A_117 = arith.constant 0 : i32
      %dma_wait3A_118 = tpu.memref_slice %arg6[%dma_wait3A_116, %dma_wait3A_117] : memref<157x128xi32, #tpu.memory_space<vmem>> -> memref<156x128xi32, #tpu.memory_space<vmem>>
      %dma_wait3A_119 = arith.constant 0 : i32
      %dma_wait3A_120 = tpu.memref_slice %arg3[%run_scoped3A, %mul3A_10, %dma_wait3A_119] : memref<2x5000x128xi32, #tpu.memory_space<hbm>> -> memref<1x156x128xi32, #tpu.memory_space<hbm>>
      %dma_wait3A_121 = tpu.memref_squeeze %dma_wait3A_120 : memref<1x156x128xi32, #tpu.memory_space<hbm>> -> memref<156x128xi32, #tpu.memory_space<hbm>>
      tpu.wait_dma2 semaphore(%run_scoped3A_97 : memref<!tpu.dma_semaphore, #tpu.memory_space<semaphore_mem>>) src(%dma_wait3A_121 : memref<156x128xi32, #tpu.memory_space<hbm>>) dst(%dma_wait3A_118 : memref<156x128xi32, #tpu.memory_space<vmem>>)
      tpu.yield
    }) : () -> ()
    %run_scoped3A_11 = arith.constant 1 : i32
    "tpu.region"() ({
      %run_scoped3A_97 = tpu.sem_alloc : memref<!tpu.dma_semaphore, #tpu.memory_space<semaphore_mem>>
      %dma_start3A_98 = arith.constant 0 : i32
      %dma_start3A_99 = arith.constant 0 : i32
      %dma_start3A_100 = tpu.memref_slice %arg7[%dma_start3A_98, %dma_start3A_99] : memref<157x128xi32, #tpu.memory_space<vmem>> -> memref<156x128xi32, #tpu.memory_space<vmem>>
      %dma_start3A_101 = arith.constant 0 : i32
      %dma_start3A_102 = tpu.memref_slice %arg3[%run_scoped3A_11, %mul3A_10, %dma_start3A_101] : memref<2x5000x128xi32, #tpu.memory_space<hbm>> -> memref<1x156x128xi32, #tpu.memory_space<hbm>>
      %dma_start3A_103 = tpu.memref_squeeze %dma_start3A_102 : memref<1x156x128xi32, #tpu.memory_space<hbm>> -> memref<156x128xi32, #tpu.memory_space<hbm>>
      %dma_start3A_104 = arith.constant 0 : i32
      %dma_start3A_105 = arith.constant 0 : i32
      %dma_start3A_106 = tpu.memref_slice %arg7[%dma_start3A_104, %dma_start3A_105] : memref<157x128xi32, #tpu.memory_space<vmem>> -> memref<156x128xi32, #tpu.memory_space<vmem>>
      %dma_start3A_107 = arith.constant 0 : i32
      %dma_start3A_108 = tpu.memref_slice %arg3[%run_scoped3A_11, %mul3A_10, %dma_start3A_107] : memref<2x5000x128xi32, #tpu.memory_space<hbm>> -> memref<1x156x128xi32, #tpu.memory_space<hbm>>
      %dma_start3A_109 = tpu.memref_squeeze %dma_start3A_108 : memref<1x156x128xi32, #tpu.memory_space<hbm>> -> memref<156x128xi32, #tpu.memory_space<hbm>>
      tpu.enqueue_dma source(%dma_start3A_109 : memref<156x128xi32, #tpu.memory_space<hbm>>) target(%dma_start3A_106 : memref<156x128xi32, #tpu.memory_space<vmem>>) target_semaphore(%run_scoped3A_97 : memref<!tpu.dma_semaphore, #tpu.memory_space<semaphore_mem>>)
      %dma_wait3A_110 = arith.constant 0 : i32
      %dma_wait3A_111 = arith.constant 0 : i32
      %dma_wait3A_112 = tpu.memref_slice %arg7[%dma_wait3A_110, %dma_wait3A_111] : memref<157x128xi32, #tpu.memory_space<vmem>> -> memref<156x128xi32, #tpu.memory_space<vmem>>
      %dma_wait3A_113 = arith.constant 0 : i32
      %dma_wait3A_114 = tpu.memref_slice %arg3[%run_scoped3A_11, %mul3A_10, %dma_wait3A_113] : memref<2x5000x128xi32, #tpu.memory_space<hbm>> -> memref<1x156x128xi32, #tpu.memory_space<hbm>>
      %dma_wait3A_115 = tpu.memref_squeeze %dma_wait3A_114 : memref<1x156x128xi32, #tpu.memory_space<hbm>> -> memref<156x128xi32, #tpu.memory_space<hbm>>
      %dma_wait3A_116 = arith.constant 0 : i32
      %dma_wait3A_117 = arith.constant 0 : i32
      %dma_wait3A_118 = tpu.memref_slice %arg7[%dma_wait3A_116, %dma_wait3A_117] : memref<157x128xi32, #tpu.memory_space<vmem>> -> memref<156x128xi32, #tpu.memory_space<vmem>>
      %dma_wait3A_119 = arith.constant 0 : i32
      %dma_wait3A_120 = tpu.memref_slice %arg3[%run_scoped3A_11, %mul3A_10, %dma_wait3A_119] : memref<2x5000x128xi32, #tpu.memory_space<hbm>> -> memref<1x156x128xi32, #tpu.memory_space<hbm>>
      %dma_wait3A_121 = tpu.memref_squeeze %dma_wait3A_120 : memref<1x156x128xi32, #tpu.memory_space<hbm>> -> memref<156x128xi32, #tpu.memory_space<hbm>>
      tpu.wait_dma2 semaphore(%run_scoped3A_97 : memref<!tpu.dma_semaphore, #tpu.memory_space<semaphore_mem>>) src(%dma_wait3A_121 : memref<156x128xi32, #tpu.memory_space<hbm>>) dst(%dma_wait3A_118 : memref<156x128xi32, #tpu.memory_space<vmem>>)
      tpu.yield
    }) : () -> ()
    %lt3A = arith.constant 8 : i32
    %lt3A_12 = arith.cmpi slt, %add3A, %lt3A : i32
    %convert_element_type3A = arith.extui %lt3A_12 : i1 to i32
    %cond3A = arith.constant 0 : i32
    %cond3A_13 = arith.cmpi ne, %convert_element_type3A, %cond3A : i32
    scf.if %cond3A_13 {
      %add3A_97 = arith.constant 4992 : i32
      %add3A_98 = arith.addi %add3A_97, %add3A : i32
      %run_scoped3A_99 = arith.constant 0 : i32
      "tpu.region"() ({
        %run_scoped3A_101 = tpu.sem_alloc : memref<!tpu.dma_semaphore, #tpu.memory_space<semaphore_mem>>
        %dma_start3A_102 = arith.constant 156 : i32
        %dma_start3A_103 = arith.constant 0 : i32
        %dma_start3A_104 = tpu.memref_slice %arg6[%dma_start3A_102, %dma_start3A_103] : memref<157x128xi32, #tpu.memory_space<vmem>> -> memref<1x128xi32, #tpu.memory_space<vmem>>
        %dma_start3A_105 = arith.constant 0 : i32
        %dma_start3A_106 = tpu.memref_slice %arg3[%run_scoped3A_99, %add3A_98, %dma_start3A_105] : memref<2x5000x128xi32, #tpu.memory_space<hbm>> -> memref<1x1x128xi32, #tpu.memory_space<hbm>>
        %dma_start3A_107 = tpu.memref_squeeze %dma_start3A_106 : memref<1x1x128xi32, #tpu.memory_space<hbm>> -> memref<1x128xi32, #tpu.memory_space<hbm>>
        %dma_start3A_108 = arith.constant 156 : i32
        %dma_start3A_109 = arith.constant 0 : i32
        %dma_start3A_110 = tpu.memref_slice %arg6[%dma_start3A_108, %dma_start3A_109] : memref<157x128xi32, #tpu.memory_space<vmem>> -> memref<1x128xi32, #tpu.memory_space<vmem>>
        %dma_start3A_111 = arith.constant 0 : i32
        %dma_start3A_112 = tpu.memref_slice %arg3[%run_scoped3A_99, %add3A_98, %dma_start3A_111] : memref<2x5000x128xi32, #tpu.memory_space<hbm>> -> memref<1x1x128xi32, #tpu.memory_space<hbm>>
        %dma_start3A_113 = tpu.memref_squeeze %dma_start3A_112 : memref<1x1x128xi32, #tpu.memory_space<hbm>> -> memref<1x128xi32, #tpu.memory_space<hbm>>
        tpu.enqueue_dma source(%dma_start3A_113 : memref<1x128xi32, #tpu.memory_space<hbm>>) target(%dma_start3A_110 : memref<1x128xi32, #tpu.memory_space<vmem>>) target_semaphore(%run_scoped3A_101 : memref<!tpu.dma_semaphore, #tpu.memory_space<semaphore_mem>>)
        %dma_wait3A_114 = arith.constant 156 : i32
        %dma_wait3A_115 = arith.constant 0 : i32
        %dma_wait3A_116 = tpu.memref_slice %arg6[%dma_wait3A_114, %dma_wait3A_115] : memref<157x128xi32, #tpu.memory_space<vmem>> -> memref<1x128xi32, #tpu.memory_space<vmem>>
        %dma_wait3A_117 = arith.constant 0 : i32
        %dma_wait3A_118 = tpu.memref_slice %arg3[%run_scoped3A_99, %add3A_98, %dma_wait3A_117] : memref<2x5000x128xi32, #tpu.memory_space<hbm>> -> memref<1x1x128xi32, #tpu.memory_space<hbm>>
        %dma_wait3A_119 = tpu.memref_squeeze %dma_wait3A_118 : memref<1x1x128xi32, #tpu.memory_space<hbm>> -> memref<1x128xi32, #tpu.memory_space<hbm>>
        %dma_wait3A_120 = arith.constant 156 : i32
        %dma_wait3A_121 = arith.constant 0 : i32
        %dma_wait3A_122 = tpu.memref_slice %arg6[%dma_wait3A_120, %dma_wait3A_121] : memref<157x128xi32, #tpu.memory_space<vmem>> -> memref<1x128xi32, #tpu.memory_space<vmem>>
        %dma_wait3A_123 = arith.constant 0 : i32
        %dma_wait3A_124 = tpu.memref_slice %arg3[%run_scoped3A_99, %add3A_98, %dma_wait3A_123] : memref<2x5000x128xi32, #tpu.memory_space<hbm>> -> memref<1x1x128xi32, #tpu.memory_space<hbm>>
        %dma_wait3A_125 = tpu.memref_squeeze %dma_wait3A_124 : memref<1x1x128xi32, #tpu.memory_space<hbm>> -> memref<1x128xi32, #tpu.memory_space<hbm>>
        tpu.wait_dma2 semaphore(%run_scoped3A_101 : memref<!tpu.dma_semaphore, #tpu.memory_space<semaphore_mem>>) src(%dma_wait3A_125 : memref<1x128xi32, #tpu.memory_space<hbm>>) dst(%dma_wait3A_122 : memref<1x128xi32, #tpu.memory_space<vmem>>)
        tpu.yield
      }) : () -> ()
      %run_scoped3A_100 = arith.constant 1 : i32
      "tpu.region"() ({
        %run_scoped3A_101 = tpu.sem_alloc : memref<!tpu.dma_semaphore, #tpu.memory_space<semaphore_mem>>
        %dma_start3A_102 = arith.constant 156 : i32
        %dma_start3A_103 = arith.constant 0 : i32
        %dma_start3A_104 = tpu.memref_slice %arg7[%dma_start3A_102, %dma_start3A_103] : memref<157x128xi32, #tpu.memory_space<vmem>> -> memref<1x128xi32, #tpu.memory_space<vmem>>
        %dma_start3A_105 = arith.constant 0 : i32
        %dma_start3A_106 = tpu.memref_slice %arg3[%run_scoped3A_100, %add3A_98, %dma_start3A_105] : memref<2x5000x128xi32, #tpu.memory_space<hbm>> -> memref<1x1x128xi32, #tpu.memory_space<hbm>>
        %dma_start3A_107 = tpu.memref_squeeze %dma_start3A_106 : memref<1x1x128xi32, #tpu.memory_space<hbm>> -> memref<1x128xi32, #tpu.memory_space<hbm>>
        %dma_start3A_108 = arith.constant 156 : i32
        %dma_start3A_109 = arith.constant 0 : i32
        %dma_start3A_110 = tpu.memref_slice %arg7[%dma_start3A_108, %dma_start3A_109] : memref<157x128xi32, #tpu.memory_space<vmem>> -> memref<1x128xi32, #tpu.memory_space<vmem>>
        %dma_start3A_111 = arith.constant 0 : i32
        %dma_start3A_112 = tpu.memref_slice %arg3[%run_scoped3A_100, %add3A_98, %dma_start3A_111] : memref<2x5000x128xi32, #tpu.memory_space<hbm>> -> memref<1x1x128xi32, #tpu.memory_space<hbm>>
        %dma_start3A_113 = tpu.memref_squeeze %dma_start3A_112 : memref<1x1x128xi32, #tpu.memory_space<hbm>> -> memref<1x128xi32, #tpu.memory_space<hbm>>
        tpu.enqueue_dma source(%dma_start3A_113 : memref<1x128xi32, #tpu.memory_space<hbm>>) target(%dma_start3A_110 : memref<1x128xi32, #tpu.memory_space<vmem>>) target_semaphore(%run_scoped3A_101 : memref<!tpu.dma_semaphore, #tpu.memory_space<semaphore_mem>>)
        %dma_wait3A_114 = arith.constant 156 : i32
        %dma_wait3A_115 = arith.constant 0 : i32
        %dma_wait3A_116 = tpu.memref_slice %arg7[%dma_wait3A_114, %dma_wait3A_115] : memref<157x128xi32, #tpu.memory_space<vmem>> -> memref<1x128xi32, #tpu.memory_space<vmem>>
        %dma_wait3A_117 = arith.constant 0 : i32
        %dma_wait3A_118 = tpu.memref_slice %arg3[%run_scoped3A_100, %add3A_98, %dma_wait3A_117] : memref<2x5000x128xi32, #tpu.memory_space<hbm>> -> memref<1x1x128xi32, #tpu.memory_space<hbm>>
        %dma_wait3A_119 = tpu.memref_squeeze %dma_wait3A_118 : memref<1x1x128xi32, #tpu.memory_space<hbm>> -> memref<1x128xi32, #tpu.memory_space<hbm>>
        %dma_wait3A_120 = arith.constant 156 : i32
        %dma_wait3A_121 = arith.constant 0 : i32
        %dma_wait3A_122 = tpu.memref_slice %arg7[%dma_wait3A_120, %dma_wait3A_121] : memref<157x128xi32, #tpu.memory_space<vmem>> -> memref<1x128xi32, #tpu.memory_space<vmem>>
        %dma_wait3A_123 = arith.constant 0 : i32
        %dma_wait3A_124 = tpu.memref_slice %arg3[%run_scoped3A_100, %add3A_98, %dma_wait3A_123] : memref<2x5000x128xi32, #tpu.memory_space<hbm>> -> memref<1x1x128xi32, #tpu.memory_space<hbm>>
        %dma_wait3A_125 = tpu.memref_squeeze %dma_wait3A_124 : memref<1x1x128xi32, #tpu.memory_space<hbm>> -> memref<1x128xi32, #tpu.memory_space<hbm>>
        tpu.wait_dma2 semaphore(%run_scoped3A_101 : memref<!tpu.dma_semaphore, #tpu.memory_space<semaphore_mem>>) src(%dma_wait3A_125 : memref<1x128xi32, #tpu.memory_space<hbm>>) dst(%dma_wait3A_122 : memref<1x128xi32, #tpu.memory_space<vmem>>)
        tpu.yield
      }) : () -> ()
    } else {
    }
    %barrier3A = arith.constant 0 : index
    tpu.barrier barrier_id(%barrier3A)
    %dma_start3A = arith.constant 0 : i32
    %dma_start3A_14 = arith.constant 0 : i32
    %dma_start3A_15 = tpu.memref_slice %arg6[%dma_start3A, %dma_start3A_14] : memref<157x128xi32, #tpu.memory_space<vmem>> -> memref<1x128xi32, #tpu.memory_space<vmem>>
    %dma_start3A_16 = tpu.memref_squeeze %dma_start3A_15 : memref<1x128xi32, #tpu.memory_space<vmem>> -> memref<128xi32, #tpu.memory_space<vmem>>
    %dma_start3A_17 = arith.constant 0 : i32
    %dma_start3A_18 = arith.constant 0 : i32
    %dma_start3A_19 = tpu.memref_slice %arg15[%dma_start3A_17, %dma_start3A_18] : memref<10016x16xf32, #tpu.memory_space<vmem_shared>> -> memref<10016x16xf32, #tpu.memory_space<vmem_shared>>
    tpu.enqueue_indirect_dma source(%dma_start3A_19 : memref<10016x16xf32, #tpu.memory_space<vmem_shared>>) target(%arg8 : memref<128x16xf32, #tpu.memory_space<vmem>>) offsets(%dma_start3A_16 : memref<128xi32, #tpu.memory_space<vmem>>) semaphore(%arg16 : memref<!tpu.dma_semaphore, #tpu.memory_space<semaphore_mem>>)
    %dma_start3A_20 = arith.constant 1 : i32
    %dma_start3A_21 = arith.constant 0 : i32
    %dma_start3A_22 = tpu.memref_slice %arg6[%dma_start3A_20, %dma_start3A_21] : memref<157x128xi32, #tpu.memory_space<vmem>> -> memref<1x128xi32, #tpu.memory_space<vmem>>
    %dma_start3A_23 = tpu.memref_squeeze %dma_start3A_22 : memref<1x128xi32, #tpu.memory_space<vmem>> -> memref<128xi32, #tpu.memory_space<vmem>>
    %dma_start3A_24 = arith.constant 0 : i32
    %dma_start3A_25 = arith.constant 0 : i32
    %dma_start3A_26 = tpu.memref_slice %arg15[%dma_start3A_24, %dma_start3A_25] : memref<10016x16xf32, #tpu.memory_space<vmem_shared>> -> memref<10016x16xf32, #tpu.memory_space<vmem_shared>>
    tpu.enqueue_indirect_dma source(%dma_start3A_26 : memref<10016x16xf32, #tpu.memory_space<vmem_shared>>) target(%arg9 : memref<128x16xf32, #tpu.memory_space<vmem>>) offsets(%dma_start3A_23 : memref<128xi32, #tpu.memory_space<vmem>>) semaphore(%arg17 : memref<!tpu.dma_semaphore, #tpu.memory_space<semaphore_mem>>)
    %dma_start3A_27 = arith.constant 2 : i32
    %dma_start3A_28 = arith.constant 0 : i32
    %dma_start3A_29 = tpu.memref_slice %arg6[%dma_start3A_27, %dma_start3A_28] : memref<157x128xi32, #tpu.memory_space<vmem>> -> memref<1x128xi32, #tpu.memory_space<vmem>>
    %dma_start3A_30 = tpu.memref_squeeze %dma_start3A_29 : memref<1x128xi32, #tpu.memory_space<vmem>> -> memref<128xi32, #tpu.memory_space<vmem>>
    %dma_start3A_31 = arith.constant 0 : i32
    %dma_start3A_32 = arith.constant 0 : i32
    %dma_start3A_33 = tpu.memref_slice %arg15[%dma_start3A_31, %dma_start3A_32] : memref<10016x16xf32, #tpu.memory_space<vmem_shared>> -> memref<10016x16xf32, #tpu.memory_space<vmem_shared>>
    tpu.enqueue_indirect_dma source(%dma_start3A_33 : memref<10016x16xf32, #tpu.memory_space<vmem_shared>>) target(%arg10 : memref<128x16xf32, #tpu.memory_space<vmem>>) offsets(%dma_start3A_30 : memref<128xi32, #tpu.memory_space<vmem>>) semaphore(%arg18 : memref<!tpu.dma_semaphore, #tpu.memory_space<semaphore_mem>>)
    %dma_start3A_34 = arith.constant 3 : i32
    %dma_start3A_35 = arith.constant 0 : i32
    %dma_start3A_36 = tpu.memref_slice %arg6[%dma_start3A_34, %dma_start3A_35] : memref<157x128xi32, #tpu.memory_space<vmem>> -> memref<1x128xi32, #tpu.memory_space<vmem>>
    %dma_start3A_37 = tpu.memref_squeeze %dma_start3A_36 : memref<1x128xi32, #tpu.memory_space<vmem>> -> memref<128xi32, #tpu.memory_space<vmem>>
    %dma_start3A_38 = arith.constant 0 : i32
    %dma_start3A_39 = arith.constant 0 : i32
    %dma_start3A_40 = tpu.memref_slice %arg15[%dma_start3A_38, %dma_start3A_39] : memref<10016x16xf32, #tpu.memory_space<vmem_shared>> -> memref<10016x16xf32, #tpu.memory_space<vmem_shared>>
    tpu.enqueue_indirect_dma source(%dma_start3A_40 : memref<10016x16xf32, #tpu.memory_space<vmem_shared>>) target(%arg11 : memref<128x16xf32, #tpu.memory_space<vmem>>) offsets(%dma_start3A_37 : memref<128xi32, #tpu.memory_space<vmem>>) semaphore(%arg19 : memref<!tpu.dma_semaphore, #tpu.memory_space<semaphore_mem>>)
    %scan3A = arith.constant 0 : i32
    %scan3A_41 = arith.constant 0 : i32
    %scan3A_42 = arith.constant 26 : i32
    %scan3A_43 = arith.addi %scan3A_41, %scan3A_42 : i32
    %scan3A_44 = arith.constant 1 : i32
    scf.for %scan3A_97 = %scan3A_41 to %scan3A_43 step %scan3A_44  : i32 {
      %mul3A_98 = arith.constant 6 : i32
      %mul3A_99 = arith.muli %scan3A_97, %mul3A_98 : i32
      %add3A_100 = arith.constant 0 : i32
      %add3A_101 = arith.addi %mul3A_99, %add3A_100 : i32
      %dma_wait3A_102 = arith.constant 0 : i32
      %dma_wait3A_103 = tpu.memref_slice %arg6[%add3A_101, %dma_wait3A_102] : memref<157x128xi32, #tpu.memory_space<vmem>> -> memref<1x128xi32, #tpu.memory_space<vmem>>
      %dma_wait3A_104 = tpu.memref_squeeze %dma_wait3A_103 : memref<1x128xi32, #tpu.memory_space<vmem>> -> memref<128xi32, #tpu.memory_space<vmem>>
      %dma_wait3A_105 = arith.constant 0 : i32
      %dma_wait3A_106 = arith.constant 0 : i32
      %dma_wait3A_107 = tpu.memref_slice %arg15[%dma_wait3A_105, %dma_wait3A_106] : memref<10016x16xf32, #tpu.memory_space<vmem_shared>> -> memref<10016x16xf32, #tpu.memory_space<vmem_shared>>
      tpu.wait_indirect_dma semaphore(%arg16 : memref<!tpu.dma_semaphore, #tpu.memory_space<semaphore_mem>>) src(%dma_wait3A_107 : memref<10016x16xf32, #tpu.memory_space<vmem_shared>>) dst(%arg8 : memref<128x16xf32, #tpu.memory_space<vmem>>)
      %dma_start3A_108 = arith.constant 0 : i32
      %dma_start3A_109 = tpu.memref_slice %arg7[%add3A_101, %dma_start3A_108] : memref<157x128xi32, #tpu.memory_space<vmem>> -> memref<1x128xi32, #tpu.memory_space<vmem>>
      %dma_start3A_110 = tpu.memref_squeeze %dma_start3A_109 : memref<1x128xi32, #tpu.memory_space<vmem>> -> memref<128xi32, #tpu.memory_space<vmem>>
      %dma_start3A_111 = arith.constant 0 : i32
      %dma_start3A_112 = arith.constant 0 : i32
      %dma_start3A_113 = tpu.memref_slice %arg14[%dma_start3A_111, %dma_start3A_112] : memref<10016x16xf32, #tpu.memory_space<vmem_shared>> -> memref<10016x16xf32, #tpu.memory_space<vmem_shared>>
      tpu.enqueue_indirect_dma source(%arg8 : memref<128x16xf32, #tpu.memory_space<vmem>>) target(%dma_start3A_113 : memref<10016x16xf32, #tpu.memory_space<vmem_shared>>) offsets(%dma_start3A_110 : memref<128xi32, #tpu.memory_space<vmem>>) semaphore(%arg22 : memref<!tpu.dma_semaphore, #tpu.memory_space<semaphore_mem>>) {add = true}
      %add3A_114 = arith.constant 4 : i32
      %add3A_115 = arith.addi %add3A_101, %add3A_114 : i32
      %ge3A = arith.constant 6 : i32
      %ge3A_116 = arith.cmpi sge, %add3A_115, %ge3A : i32
      %lt3A_117 = arith.constant 156 : i32
      %lt3A_118 = arith.cmpi slt, %add3A_115, %lt3A_117 : i32
      %and3A = arith.andi %ge3A_116, %lt3A_118 : i1
      %convert_element_type3A_119 = arith.extui %and3A : i1 to i32
      %cond3A_120 = arith.constant 0 : i32
      %cond3A_121 = arith.cmpi ne, %convert_element_type3A_119, %cond3A_120 : i32
      scf.if %cond3A_121 {
        %dma_wait3A_282 = arith.constant 0 : i32
        %dma_wait3A_283 = arith.constant 0 : i32
        %dma_wait3A_284 = tpu.memref_slice %arg7[%dma_wait3A_282, %dma_wait3A_283] : memref<157x128xi32, #tpu.memory_space<vmem>> -> memref<1x128xi32, #tpu.memory_space<vmem>>
        %dma_wait3A_285 = tpu.memref_squeeze %dma_wait3A_284 : memref<1x128xi32, #tpu.memory_space<vmem>> -> memref<128xi32, #tpu.memory_space<vmem>>
        %dma_wait3A_286 = arith.constant 0 : i32
        %dma_wait3A_287 = arith.constant 0 : i32
        %dma_wait3A_288 = tpu.memref_slice %arg14[%dma_wait3A_286, %dma_wait3A_287] : memref<10016x16xf32, #tpu.memory_space<vmem_shared>> -> memref<10016x16xf32, #tpu.memory_space<vmem_shared>>
        tpu.wait_indirect_dma semaphore(%arg26 : memref<!tpu.dma_semaphore, #tpu.memory_space<semaphore_mem>>) src(%arg12 : memref<128x16xf32, #tpu.memory_space<vmem>>) dst(%dma_wait3A_288 : memref<10016x16xf32, #tpu.memory_space<vmem_shared>>)
      } else {
      }
      %lt3A_122 = arith.constant 156 : i32
      %lt3A_123 = arith.cmpi slt, %add3A_115, %lt3A_122 : i32
      %convert_element_type3A_124 = arith.extui %lt3A_123 : i1 to i32
      %cond3A_125 = arith.constant 0 : i32
      %cond3A_126 = arith.cmpi ne, %convert_element_type3A_124, %cond3A_125 : i32
      scf.if %cond3A_126 {
        %dma_start3A_282 = arith.constant 0 : i32
        %dma_start3A_283 = tpu.memref_slice %arg6[%add3A_115, %dma_start3A_282] : memref<157x128xi32, #tpu.memory_space<vmem>> -> memref<1x128xi32, #tpu.memory_space<vmem>>
        %dma_start3A_284 = tpu.memref_squeeze %dma_start3A_283 : memref<1x128xi32, #tpu.memory_space<vmem>> -> memref<128xi32, #tpu.memory_space<vmem>>
        %dma_start3A_285 = arith.constant 0 : i32
        %dma_start3A_286 = arith.constant 0 : i32
        %dma_start3A_287 = tpu.memref_slice %arg15[%dma_start3A_285, %dma_start3A_286] : memref<10016x16xf32, #tpu.memory_space<vmem_shared>> -> memref<10016x16xf32, #tpu.memory_space<vmem_shared>>
        tpu.enqueue_indirect_dma source(%dma_start3A_287 : memref<10016x16xf32, #tpu.memory_space<vmem_shared>>) target(%arg12 : memref<128x16xf32, #tpu.memory_space<vmem>>) offsets(%dma_start3A_284 : memref<128xi32, #tpu.memory_space<vmem>>) semaphore(%arg20 : memref<!tpu.dma_semaphore, #tpu.memory_space<semaphore_mem>>)
      } else {
      }
      %mul3A_127 = arith.constant 6 : i32
      %mul3A_128 = arith.muli %scan3A_97, %mul3A_127 : i32
      %add3A_129 = arith.constant 1 : i32
      %add3A_130 = arith.addi %mul3A_128, %add3A_129 : i32
      %dma_wait3A_131 = arith.constant 0 : i32
      %dma_wait3A_132 = tpu.memref_slice %arg6[%add3A_130, %dma_wait3A_131] : memref<157x128xi32, #tpu.memory_space<vmem>> -> memref<1x128xi32, #tpu.memory_space<vmem>>
      %dma_wait3A_133 = tpu.memref_squeeze %dma_wait3A_132 : memref<1x128xi32, #tpu.memory_space<vmem>> -> memref<128xi32, #tpu.memory_space<vmem>>
      %dma_wait3A_134 = arith.constant 0 : i32
      %dma_wait3A_135 = arith.constant 0 : i32
      %dma_wait3A_136 = tpu.memref_slice %arg15[%dma_wait3A_134, %dma_wait3A_135] : memref<10016x16xf32, #tpu.memory_space<vmem_shared>> -> memref<10016x16xf32, #tpu.memory_space<vmem_shared>>
      tpu.wait_indirect_dma semaphore(%arg17 : memref<!tpu.dma_semaphore, #tpu.memory_space<semaphore_mem>>) src(%dma_wait3A_136 : memref<10016x16xf32, #tpu.memory_space<vmem_shared>>) dst(%arg9 : memref<128x16xf32, #tpu.memory_space<vmem>>)
      %dma_start3A_137 = arith.constant 0 : i32
      %dma_start3A_138 = tpu.memref_slice %arg7[%add3A_130, %dma_start3A_137] : memref<157x128xi32, #tpu.memory_space<vmem>> -> memref<1x128xi32, #tpu.memory_space<vmem>>
      %dma_start3A_139 = tpu.memref_squeeze %dma_start3A_138 : memref<1x128xi32, #tpu.memory_space<vmem>> -> memref<128xi32, #tpu.memory_space<vmem>>
      %dma_start3A_140 = arith.constant 0 : i32
      %dma_start3A_141 = arith.constant 0 : i32
      %dma_start3A_142 = tpu.memref_slice %arg14[%dma_start3A_140, %dma_start3A_141] : memref<10016x16xf32, #tpu.memory_space<vmem_shared>> -> memref<10016x16xf32, #tpu.memory_space<vmem_shared>>
      tpu.enqueue_indirect_dma source(%arg9 : memref<128x16xf32, #tpu.memory_space<vmem>>) target(%dma_start3A_142 : memref<10016x16xf32, #tpu.memory_space<vmem_shared>>) offsets(%dma_start3A_139 : memref<128xi32, #tpu.memory_space<vmem>>) semaphore(%arg23 : memref<!tpu.dma_semaphore, #tpu.memory_space<semaphore_mem>>) {add = true}
      %add3A_143 = arith.constant 4 : i32
      %add3A_144 = arith.addi %add3A_130, %add3A_143 : i32
      %ge3A_145 = arith.constant 6 : i32
      %ge3A_146 = arith.cmpi sge, %add3A_144, %ge3A_145 : i32
      %lt3A_147 = arith.constant 156 : i32
      %lt3A_148 = arith.cmpi slt, %add3A_144, %lt3A_147 : i32
      %and3A_149 = arith.andi %ge3A_146, %lt3A_148 : i1
      %convert_element_type3A_150 = arith.extui %and3A_149 : i1 to i32
      %cond3A_151 = arith.constant 0 : i32
      %cond3A_152 = arith.cmpi ne, %convert_element_type3A_150, %cond3A_151 : i32
      scf.if %cond3A_152 {
        %dma_wait3A_282 = arith.constant 0 : i32
        %dma_wait3A_283 = arith.constant 0 : i32
        %dma_wait3A_284 = tpu.memref_slice %arg7[%dma_wait3A_282, %dma_wait3A_283] : memref<157x128xi32, #tpu.memory_space<vmem>> -> memref<1x128xi32, #tpu.memory_space<vmem>>
        %dma_wait3A_285 = tpu.memref_squeeze %dma_wait3A_284 : memref<1x128xi32, #tpu.memory_space<vmem>> -> memref<128xi32, #tpu.memory_space<vmem>>
        %dma_wait3A_286 = arith.constant 0 : i32
        %dma_wait3A_287 = arith.constant 0 : i32
        %dma_wait3A_288 = tpu.memref_slice %arg14[%dma_wait3A_286, %dma_wait3A_287] : memref<10016x16xf32, #tpu.memory_space<vmem_shared>> -> memref<10016x16xf32, #tpu.memory_space<vmem_shared>>
        tpu.wait_indirect_dma semaphore(%arg27 : memref<!tpu.dma_semaphore, #tpu.memory_space<semaphore_mem>>) src(%arg13 : memref<128x16xf32, #tpu.memory_space<vmem>>) dst(%dma_wait3A_288 : memref<10016x16xf32, #tpu.memory_space<vmem_shared>>)
      } else {
      }
      %lt3A_153 = arith.constant 156 : i32
      %lt3A_154 = arith.cmpi slt, %add3A_144, %lt3A_153 : i32
      %convert_element_type3A_155 = arith.extui %lt3A_154 : i1 to i32
      %cond3A_156 = arith.constant 0 : i32
      %cond3A_157 = arith.cmpi ne, %convert_element_type3A_155, %cond3A_156 : i32
      scf.if %cond3A_157 {
        %dma_start3A_282 = arith.constant 0 : i32
        %dma_start3A_283 = tpu.memref_slice %arg6[%add3A_144, %dma_start3A_282] : memref<157x128xi32, #tpu.memory_space<vmem>> -> memref<1x128xi32, #tpu.memory_space<vmem>>
        %dma_start3A_284 = tpu.memref_squeeze %dma_start3A_283 : memref<1x128xi32, #tpu.memory_space<vmem>> -> memref<128xi32, #tpu.memory_space<vmem>>
        %dma_start3A_285 = arith.constant 0 : i32
        %dma_start3A_286 = arith.constant 0 : i32
        %dma_start3A_287 = tpu.memref_slice %arg15[%dma_start3A_285, %dma_start3A_286] : memref<10016x16xf32, #tpu.memory_space<vmem_shared>> -> memref<10016x16xf32, #tpu.memory_space<vmem_shared>>
        tpu.enqueue_indirect_dma source(%dma_start3A_287 : memref<10016x16xf32, #tpu.memory_space<vmem_shared>>) target(%arg13 : memref<128x16xf32, #tpu.memory_space<vmem>>) offsets(%dma_start3A_284 : memref<128xi32, #tpu.memory_space<vmem>>) semaphore(%arg21 : memref<!tpu.dma_semaphore, #tpu.memory_space<semaphore_mem>>)
      } else {
      }
      %mul3A_158 = arith.constant 6 : i32
      %mul3A_159 = arith.muli %scan3A_97, %mul3A_158 : i32
      %add3A_160 = arith.constant 2 : i32
      %add3A_161 = arith.addi %mul3A_159, %add3A_160 : i32
      %dma_wait3A_162 = arith.constant 0 : i32
      %dma_wait3A_163 = tpu.memref_slice %arg6[%add3A_161, %dma_wait3A_162] : memref<157x128xi32, #tpu.memory_space<vmem>> -> memref<1x128xi32, #tpu.memory_space<vmem>>
      %dma_wait3A_164 = tpu.memref_squeeze %dma_wait3A_163 : memref<1x128xi32, #tpu.memory_space<vmem>> -> memref<128xi32, #tpu.memory_space<vmem>>
      %dma_wait3A_165 = arith.constant 0 : i32
      %dma_wait3A_166 = arith.constant 0 : i32
      %dma_wait3A_167 = tpu.memref_slice %arg15[%dma_wait3A_165, %dma_wait3A_166] : memref<10016x16xf32, #tpu.memory_space<vmem_shared>> -> memref<10016x16xf32, #tpu.memory_space<vmem_shared>>
      tpu.wait_indirect_dma semaphore(%arg18 : memref<!tpu.dma_semaphore, #tpu.memory_space<semaphore_mem>>) src(%dma_wait3A_167 : memref<10016x16xf32, #tpu.memory_space<vmem_shared>>) dst(%arg10 : memref<128x16xf32, #tpu.memory_space<vmem>>)
      %dma_start3A_168 = arith.constant 0 : i32
      %dma_start3A_169 = tpu.memref_slice %arg7[%add3A_161, %dma_start3A_168] : memref<157x128xi32, #tpu.memory_space<vmem>> -> memref<1x128xi32, #tpu.memory_space<vmem>>
      %dma_start3A_170 = tpu.memref_squeeze %dma_start3A_169 : memref<1x128xi32, #tpu.memory_space<vmem>> -> memref<128xi32, #tpu.memory_space<vmem>>
      %dma_start3A_171 = arith.constant 0 : i32
      %dma_start3A_172 = arith.constant 0 : i32
      %dma_start3A_173 = tpu.memref_slice %arg14[%dma_start3A_171, %dma_start3A_172] : memref<10016x16xf32, #tpu.memory_space<vmem_shared>> -> memref<10016x16xf32, #tpu.memory_space<vmem_shared>>
      tpu.enqueue_indirect_dma source(%arg10 : memref<128x16xf32, #tpu.memory_space<vmem>>) target(%dma_start3A_173 : memref<10016x16xf32, #tpu.memory_space<vmem_shared>>) offsets(%dma_start3A_170 : memref<128xi32, #tpu.memory_space<vmem>>) semaphore(%arg24 : memref<!tpu.dma_semaphore, #tpu.memory_space<semaphore_mem>>) {add = true}
      %add3A_174 = arith.constant 4 : i32
      %add3A_175 = arith.addi %add3A_161, %add3A_174 : i32
      %ge3A_176 = arith.constant 6 : i32
      %ge3A_177 = arith.cmpi sge, %add3A_175, %ge3A_176 : i32
      %lt3A_178 = arith.constant 156 : i32
      %lt3A_179 = arith.cmpi slt, %add3A_175, %lt3A_178 : i32
      %and3A_180 = arith.andi %ge3A_177, %lt3A_179 : i1
      %convert_element_type3A_181 = arith.extui %and3A_180 : i1 to i32
      %cond3A_182 = arith.constant 0 : i32
      %cond3A_183 = arith.cmpi ne, %convert_element_type3A_181, %cond3A_182 : i32
      scf.if %cond3A_183 {
        %dma_wait3A_282 = arith.constant 0 : i32
        %dma_wait3A_283 = arith.constant 0 : i32
        %dma_wait3A_284 = tpu.memref_slice %arg7[%dma_wait3A_282, %dma_wait3A_283] : memref<157x128xi32, #tpu.memory_space<vmem>> -> memref<1x128xi32, #tpu.memory_space<vmem>>
        %dma_wait3A_285 = tpu.memref_squeeze %dma_wait3A_284 : memref<1x128xi32, #tpu.memory_space<vmem>> -> memref<128xi32, #tpu.memory_space<vmem>>
        %dma_wait3A_286 = arith.constant 0 : i32
        %dma_wait3A_287 = arith.constant 0 : i32
        %dma_wait3A_288 = tpu.memref_slice %arg14[%dma_wait3A_286, %dma_wait3A_287] : memref<10016x16xf32, #tpu.memory_space<vmem_shared>> -> memref<10016x16xf32, #tpu.memory_space<vmem_shared>>
        tpu.wait_indirect_dma semaphore(%arg22 : memref<!tpu.dma_semaphore, #tpu.memory_space<semaphore_mem>>) src(%arg8 : memref<128x16xf32, #tpu.memory_space<vmem>>) dst(%dma_wait3A_288 : memref<10016x16xf32, #tpu.memory_space<vmem_shared>>)
      } else {
      }
      %lt3A_184 = arith.constant 156 : i32
      %lt3A_185 = arith.cmpi slt, %add3A_175, %lt3A_184 : i32
      %convert_element_type3A_186 = arith.extui %lt3A_185 : i1 to i32
      %cond3A_187 = arith.constant 0 : i32
      %cond3A_188 = arith.cmpi ne, %convert_element_type3A_186, %cond3A_187 : i32
      scf.if %cond3A_188 {
        %dma_start3A_282 = arith.constant 0 : i32
        %dma_start3A_283 = tpu.memref_slice %arg6[%add3A_175, %dma_start3A_282] : memref<157x128xi32, #tpu.memory_space<vmem>> -> memref<1x128xi32, #tpu.memory_space<vmem>>
        %dma_start3A_284 = tpu.memref_squeeze %dma_start3A_283 : memref<1x128xi32, #tpu.memory_space<vmem>> -> memref<128xi32, #tpu.memory_space<vmem>>
        %dma_start3A_285 = arith.constant 0 : i32
        %dma_start3A_286 = arith.constant 0 : i32
        %dma_start3A_287 = tpu.memref_slice %arg15[%dma_start3A_285, %dma_start3A_286] : memref<10016x16xf32, #tpu.memory_space<vmem_shared>> -> memref<10016x16xf32, #tpu.memory_space<vmem_shared>>
        tpu.enqueue_indirect_dma source(%dma_start3A_287 : memref<10016x16xf32, #tpu.memory_space<vmem_shared>>) target(%arg8 : memref<128x16xf32, #tpu.memory_space<vmem>>) offsets(%dma_start3A_284 : memref<128xi32, #tpu.memory_space<vmem>>) semaphore(%arg16 : memref<!tpu.dma_semaphore, #tpu.memory_space<semaphore_mem>>)
      } else {
      }
      %mul3A_189 = arith.constant 6 : i32
      %mul3A_190 = arith.muli %scan3A_97, %mul3A_189 : i32
      %add3A_191 = arith.constant 3 : i32
      %add3A_192 = arith.addi %mul3A_190, %add3A_191 : i32
      %dma_wait3A_193 = arith.constant 0 : i32
      %dma_wait3A_194 = tpu.memref_slice %arg6[%add3A_192, %dma_wait3A_193] : memref<157x128xi32, #tpu.memory_space<vmem>> -> memref<1x128xi32, #tpu.memory_space<vmem>>
      %dma_wait3A_195 = tpu.memref_squeeze %dma_wait3A_194 : memref<1x128xi32, #tpu.memory_space<vmem>> -> memref<128xi32, #tpu.memory_space<vmem>>
      %dma_wait3A_196 = arith.constant 0 : i32
      %dma_wait3A_197 = arith.constant 0 : i32
      %dma_wait3A_198 = tpu.memref_slice %arg15[%dma_wait3A_196, %dma_wait3A_197] : memref<10016x16xf32, #tpu.memory_space<vmem_shared>> -> memref<10016x16xf32, #tpu.memory_space<vmem_shared>>
      tpu.wait_indirect_dma semaphore(%arg19 : memref<!tpu.dma_semaphore, #tpu.memory_space<semaphore_mem>>) src(%dma_wait3A_198 : memref<10016x16xf32, #tpu.memory_space<vmem_shared>>) dst(%arg11 : memref<128x16xf32, #tpu.memory_space<vmem>>)
      %dma_start3A_199 = arith.constant 0 : i32
      %dma_start3A_200 = tpu.memref_slice %arg7[%add3A_192, %dma_start3A_199] : memref<157x128xi32, #tpu.memory_space<vmem>> -> memref<1x128xi32, #tpu.memory_space<vmem>>
      %dma_start3A_201 = tpu.memref_squeeze %dma_start3A_200 : memref<1x128xi32, #tpu.memory_space<vmem>> -> memref<128xi32, #tpu.memory_space<vmem>>
      %dma_start3A_202 = arith.constant 0 : i32
      %dma_start3A_203 = arith.constant 0 : i32
      %dma_start3A_204 = tpu.memref_slice %arg14[%dma_start3A_202, %dma_start3A_203] : memref<10016x16xf32, #tpu.memory_space<vmem_shared>> -> memref<10016x16xf32, #tpu.memory_space<vmem_shared>>
      tpu.enqueue_indirect_dma source(%arg11 : memref<128x16xf32, #tpu.memory_space<vmem>>) target(%dma_start3A_204 : memref<10016x16xf32, #tpu.memory_space<vmem_shared>>) offsets(%dma_start3A_201 : memref<128xi32, #tpu.memory_space<vmem>>) semaphore(%arg25 : memref<!tpu.dma_semaphore, #tpu.memory_space<semaphore_mem>>) {add = true}
      %add3A_205 = arith.constant 4 : i32
      %add3A_206 = arith.addi %add3A_192, %add3A_205 : i32
      %ge3A_207 = arith.constant 6 : i32
      %ge3A_208 = arith.cmpi sge, %add3A_206, %ge3A_207 : i32
      %lt3A_209 = arith.constant 156 : i32
      %lt3A_210 = arith.cmpi slt, %add3A_206, %lt3A_209 : i32
      %and3A_211 = arith.andi %ge3A_208, %lt3A_210 : i1
      %convert_element_type3A_212 = arith.extui %and3A_211 : i1 to i32
      %cond3A_213 = arith.constant 0 : i32
      %cond3A_214 = arith.cmpi ne, %convert_element_type3A_212, %cond3A_213 : i32
      scf.if %cond3A_214 {
        %dma_wait3A_282 = arith.constant 0 : i32
        %dma_wait3A_283 = arith.constant 0 : i32
        %dma_wait3A_284 = tpu.memref_slice %arg7[%dma_wait3A_282, %dma_wait3A_283] : memref<157x128xi32, #tpu.memory_space<vmem>> -> memref<1x128xi32, #tpu.memory_space<vmem>>
        %dma_wait3A_285 = tpu.memref_squeeze %dma_wait3A_284 : memref<1x128xi32, #tpu.memory_space<vmem>> -> memref<128xi32, #tpu.memory_space<vmem>>
        %dma_wait3A_286 = arith.constant 0 : i32
        %dma_wait3A_287 = arith.constant 0 : i32
        %dma_wait3A_288 = tpu.memref_slice %arg14[%dma_wait3A_286, %dma_wait3A_287] : memref<10016x16xf32, #tpu.memory_space<vmem_shared>> -> memref<10016x16xf32, #tpu.memory_space<vmem_shared>>
        tpu.wait_indirect_dma semaphore(%arg23 : memref<!tpu.dma_semaphore, #tpu.memory_space<semaphore_mem>>) src(%arg9 : memref<128x16xf32, #tpu.memory_space<vmem>>) dst(%dma_wait3A_288 : memref<10016x16xf32, #tpu.memory_space<vmem_shared>>)
      } else {
      }
      %lt3A_215 = arith.constant 156 : i32
      %lt3A_216 = arith.cmpi slt, %add3A_206, %lt3A_215 : i32
      %convert_element_type3A_217 = arith.extui %lt3A_216 : i1 to i32
      %cond3A_218 = arith.constant 0 : i32
      %cond3A_219 = arith.cmpi ne, %convert_element_type3A_217, %cond3A_218 : i32
      scf.if %cond3A_219 {
        %dma_start3A_282 = arith.constant 0 : i32
        %dma_start3A_283 = tpu.memref_slice %arg6[%add3A_206, %dma_start3A_282] : memref<157x128xi32, #tpu.memory_space<vmem>> -> memref<1x128xi32, #tpu.memory_space<vmem>>
        %dma_start3A_284 = tpu.memref_squeeze %dma_start3A_283 : memref<1x128xi32, #tpu.memory_space<vmem>> -> memref<128xi32, #tpu.memory_space<vmem>>
        %dma_start3A_285 = arith.constant 0 : i32
        %dma_start3A_286 = arith.constant 0 : i32
        %dma_start3A_287 = tpu.memref_slice %arg15[%dma_start3A_285, %dma_start3A_286] : memref<10016x16xf32, #tpu.memory_space<vmem_shared>> -> memref<10016x16xf32, #tpu.memory_space<vmem_shared>>
        tpu.enqueue_indirect_dma source(%dma_start3A_287 : memref<10016x16xf32, #tpu.memory_space<vmem_shared>>) target(%arg9 : memref<128x16xf32, #tpu.memory_space<vmem>>) offsets(%dma_start3A_284 : memref<128xi32, #tpu.memory_space<vmem>>) semaphore(%arg17 : memref<!tpu.dma_semaphore, #tpu.memory_space<semaphore_mem>>)
      } else {
      }
      %mul3A_220 = arith.constant 6 : i32
      %mul3A_221 = arith.muli %scan3A_97, %mul3A_220 : i32
      %add3A_222 = arith.constant 4 : i32
      %add3A_223 = arith.addi %mul3A_221, %add3A_222 : i32
      %dma_wait3A_224 = arith.constant 0 : i32
      %dma_wait3A_225 = tpu.memref_slice %arg6[%add3A_223, %dma_wait3A_224] : memref<157x128xi32, #tpu.memory_space<vmem>> -> memref<1x128xi32, #tpu.memory_space<vmem>>
      %dma_wait3A_226 = tpu.memref_squeeze %dma_wait3A_225 : memref<1x128xi32, #tpu.memory_space<vmem>> -> memref<128xi32, #tpu.memory_space<vmem>>
      %dma_wait3A_227 = arith.constant 0 : i32
      %dma_wait3A_228 = arith.constant 0 : i32
      %dma_wait3A_229 = tpu.memref_slice %arg15[%dma_wait3A_227, %dma_wait3A_228] : memref<10016x16xf32, #tpu.memory_space<vmem_shared>> -> memref<10016x16xf32, #tpu.memory_space<vmem_shared>>
      tpu.wait_indirect_dma semaphore(%arg20 : memref<!tpu.dma_semaphore, #tpu.memory_space<semaphore_mem>>) src(%dma_wait3A_229 : memref<10016x16xf32, #tpu.memory_space<vmem_shared>>) dst(%arg12 : memref<128x16xf32, #tpu.memory_space<vmem>>)
      %dma_start3A_230 = arith.constant 0 : i32
      %dma_start3A_231 = tpu.memref_slice %arg7[%add3A_223, %dma_start3A_230] : memref<157x128xi32, #tpu.memory_space<vmem>> -> memref<1x128xi32, #tpu.memory_space<vmem>>
      %dma_start3A_232 = tpu.memref_squeeze %dma_start3A_231 : memref<1x128xi32, #tpu.memory_space<vmem>> -> memref<128xi32, #tpu.memory_space<vmem>>
      %dma_start3A_233 = arith.constant 0 : i32
      %dma_start3A_234 = arith.constant 0 : i32
      %dma_start3A_235 = tpu.memref_slice %arg14[%dma_start3A_233, %dma_start3A_234] : memref<10016x16xf32, #tpu.memory_space<vmem_shared>> -> memref<10016x16xf32, #tpu.memory_space<vmem_shared>>
      tpu.enqueue_indirect_dma source(%arg12 : memref<128x16xf32, #tpu.memory_space<vmem>>) target(%dma_start3A_235 : memref<10016x16xf32, #tpu.memory_space<vmem_shared>>) offsets(%dma_start3A_232 : memref<128xi32, #tpu.memory_space<vmem>>) semaphore(%arg26 : memref<!tpu.dma_semaphore, #tpu.memory_space<semaphore_mem>>) {add = true}
      %add3A_236 = arith.constant 4 : i32
      %add3A_237 = arith.addi %add3A_223, %add3A_236 : i32
      %ge3A_238 = arith.constant 6 : i32
      %ge3A_239 = arith.cmpi sge, %add3A_237, %ge3A_238 : i32
      %lt3A_240 = arith.constant 156 : i32
      %lt3A_241 = arith.cmpi slt, %add3A_237, %lt3A_240 : i32
      %and3A_242 = arith.andi %ge3A_239, %lt3A_241 : i1
      %convert_element_type3A_243 = arith.extui %and3A_242 : i1 to i32
      %cond3A_244 = arith.constant 0 : i32
      %cond3A_245 = arith.cmpi ne, %convert_element_type3A_243, %cond3A_244 : i32
      scf.if %cond3A_245 {
        %dma_wait3A_282 = arith.constant 0 : i32
        %dma_wait3A_283 = arith.constant 0 : i32
        %dma_wait3A_284 = tpu.memref_slice %arg7[%dma_wait3A_282, %dma_wait3A_283] : memref<157x128xi32, #tpu.memory_space<vmem>> -> memref<1x128xi32, #tpu.memory_space<vmem>>
        %dma_wait3A_285 = tpu.memref_squeeze %dma_wait3A_284 : memref<1x128xi32, #tpu.memory_space<vmem>> -> memref<128xi32, #tpu.memory_space<vmem>>
        %dma_wait3A_286 = arith.constant 0 : i32
        %dma_wait3A_287 = arith.constant 0 : i32
        %dma_wait3A_288 = tpu.memref_slice %arg14[%dma_wait3A_286, %dma_wait3A_287] : memref<10016x16xf32, #tpu.memory_space<vmem_shared>> -> memref<10016x16xf32, #tpu.memory_space<vmem_shared>>
        tpu.wait_indirect_dma semaphore(%arg24 : memref<!tpu.dma_semaphore, #tpu.memory_space<semaphore_mem>>) src(%arg10 : memref<128x16xf32, #tpu.memory_space<vmem>>) dst(%dma_wait3A_288 : memref<10016x16xf32, #tpu.memory_space<vmem_shared>>)
      } else {
      }
      %lt3A_246 = arith.constant 156 : i32
      %lt3A_247 = arith.cmpi slt, %add3A_237, %lt3A_246 : i32
      %convert_element_type3A_248 = arith.extui %lt3A_247 : i1 to i32
      %cond3A_249 = arith.constant 0 : i32
      %cond3A_250 = arith.cmpi ne, %convert_element_type3A_248, %cond3A_249 : i32
      scf.if %cond3A_250 {
        %dma_start3A_282 = arith.constant 0 : i32
        %dma_start3A_283 = tpu.memref_slice %arg6[%add3A_237, %dma_start3A_282] : memref<157x128xi32, #tpu.memory_space<vmem>> -> memref<1x128xi32, #tpu.memory_space<vmem>>
        %dma_start3A_284 = tpu.memref_squeeze %dma_start3A_283 : memref<1x128xi32, #tpu.memory_space<vmem>> -> memref<128xi32, #tpu.memory_space<vmem>>
        %dma_start3A_285 = arith.constant 0 : i32
        %dma_start3A_286 = arith.constant 0 : i32
        %dma_start3A_287 = tpu.memref_slice %arg15[%dma_start3A_285, %dma_start3A_286] : memref<10016x16xf32, #tpu.memory_space<vmem_shared>> -> memref<10016x16xf32, #tpu.memory_space<vmem_shared>>
        tpu.enqueue_indirect_dma source(%dma_start3A_287 : memref<10016x16xf32, #tpu.memory_space<vmem_shared>>) target(%arg10 : memref<128x16xf32, #tpu.memory_space<vmem>>) offsets(%dma_start3A_284 : memref<128xi32, #tpu.memory_space<vmem>>) semaphore(%arg18 : memref<!tpu.dma_semaphore, #tpu.memory_space<semaphore_mem>>)
      } else {
      }
      %mul3A_251 = arith.constant 6 : i32
      %mul3A_252 = arith.muli %scan3A_97, %mul3A_251 : i32
      %add3A_253 = arith.constant 5 : i32
      %add3A_254 = arith.addi %mul3A_252, %add3A_253 : i32
      %dma_wait3A_255 = arith.constant 0 : i32
      %dma_wait3A_256 = tpu.memref_slice %arg6[%add3A_254, %dma_wait3A_255] : memref<157x128xi32, #tpu.memory_space<vmem>> -> memref<1x128xi32, #tpu.memory_space<vmem>>
      %dma_wait3A_257 = tpu.memref_squeeze %dma_wait3A_256 : memref<1x128xi32, #tpu.memory_space<vmem>> -> memref<128xi32, #tpu.memory_space<vmem>>
      %dma_wait3A_258 = arith.constant 0 : i32
      %dma_wait3A_259 = arith.constant 0 : i32
      %dma_wait3A_260 = tpu.memref_slice %arg15[%dma_wait3A_258, %dma_wait3A_259] : memref<10016x16xf32, #tpu.memory_space<vmem_shared>> -> memref<10016x16xf32, #tpu.memory_space<vmem_shared>>
      tpu.wait_indirect_dma semaphore(%arg21 : memref<!tpu.dma_semaphore, #tpu.memory_space<semaphore_mem>>) src(%dma_wait3A_260 : memref<10016x16xf32, #tpu.memory_space<vmem_shared>>) dst(%arg13 : memref<128x16xf32, #tpu.memory_space<vmem>>)
      %dma_start3A_261 = arith.constant 0 : i32
      %dma_start3A_262 = tpu.memref_slice %arg7[%add3A_254, %dma_start3A_261] : memref<157x128xi32, #tpu.memory_space<vmem>> -> memref<1x128xi32, #tpu.memory_space<vmem>>
      %dma_start3A_263 = tpu.memref_squeeze %dma_start3A_262 : memref<1x128xi32, #tpu.memory_space<vmem>> -> memref<128xi32, #tpu.memory_space<vmem>>
      %dma_start3A_264 = arith.constant 0 : i32
      %dma_start3A_265 = arith.constant 0 : i32
      %dma_start3A_266 = tpu.memref_slice %arg14[%dma_start3A_264, %dma_start3A_265] : memref<10016x16xf32, #tpu.memory_space<vmem_shared>> -> memref<10016x16xf32, #tpu.memory_space<vmem_shared>>
      tpu.enqueue_indirect_dma source(%arg13 : memref<128x16xf32, #tpu.memory_space<vmem>>) target(%dma_start3A_266 : memref<10016x16xf32, #tpu.memory_space<vmem_shared>>) offsets(%dma_start3A_263 : memref<128xi32, #tpu.memory_space<vmem>>) semaphore(%arg27 : memref<!tpu.dma_semaphore, #tpu.memory_space<semaphore_mem>>) {add = true}
      %add3A_267 = arith.constant 4 : i32
      %add3A_268 = arith.addi %add3A_254, %add3A_267 : i32
      %ge3A_269 = arith.constant 6 : i32
      %ge3A_270 = arith.cmpi sge, %add3A_268, %ge3A_269 : i32
      %lt3A_271 = arith.constant 156 : i32
      %lt3A_272 = arith.cmpi slt, %add3A_268, %lt3A_271 : i32
      %and3A_273 = arith.andi %ge3A_270, %lt3A_272 : i1
      %convert_element_type3A_274 = arith.extui %and3A_273 : i1 to i32
      %cond3A_275 = arith.constant 0 : i32
      %cond3A_276 = arith.cmpi ne, %convert_element_type3A_274, %cond3A_275 : i32
      scf.if %cond3A_276 {
        %dma_wait3A_282 = arith.constant 0 : i32
        %dma_wait3A_283 = arith.constant 0 : i32
        %dma_wait3A_284 = tpu.memref_slice %arg7[%dma_wait3A_282, %dma_wait3A_283] : memref<157x128xi32, #tpu.memory_space<vmem>> -> memref<1x128xi32, #tpu.memory_space<vmem>>
        %dma_wait3A_285 = tpu.memref_squeeze %dma_wait3A_284 : memref<1x128xi32, #tpu.memory_space<vmem>> -> memref<128xi32, #tpu.memory_space<vmem>>
        %dma_wait3A_286 = arith.constant 0 : i32
        %dma_wait3A_287 = arith.constant 0 : i32
        %dma_wait3A_288 = tpu.memref_slice %arg14[%dma_wait3A_286, %dma_wait3A_287] : memref<10016x16xf32, #tpu.memory_space<vmem_shared>> -> memref<10016x16xf32, #tpu.memory_space<vmem_shared>>
        tpu.wait_indirect_dma semaphore(%arg25 : memref<!tpu.dma_semaphore, #tpu.memory_space<semaphore_mem>>) src(%arg11 : memref<128x16xf32, #tpu.memory_space<vmem>>) dst(%dma_wait3A_288 : memref<10016x16xf32, #tpu.memory_space<vmem_shared>>)
      } else {
      }
      %lt3A_277 = arith.constant 156 : i32
      %lt3A_278 = arith.cmpi slt, %add3A_268, %lt3A_277 : i32
      %convert_element_type3A_279 = arith.extui %lt3A_278 : i1 to i32
      %cond3A_280 = arith.constant 0 : i32
      %cond3A_281 = arith.cmpi ne, %convert_element_type3A_279, %cond3A_280 : i32
      scf.if %cond3A_281 {
        %dma_start3A_282 = arith.constant 0 : i32
        %dma_start3A_283 = tpu.memref_slice %arg6[%add3A_268, %dma_start3A_282] : memref<157x128xi32, #tpu.memory_space<vmem>> -> memref<1x128xi32, #tpu.memory_space<vmem>>
        %dma_start3A_284 = tpu.memref_squeeze %dma_start3A_283 : memref<1x128xi32, #tpu.memory_space<vmem>> -> memref<128xi32, #tpu.memory_space<vmem>>
        %dma_start3A_285 = arith.constant 0 : i32
        %dma_start3A_286 = arith.constant 0 : i32
        %dma_start3A_287 = tpu.memref_slice %arg15[%dma_start3A_285, %dma_start3A_286] : memref<10016x16xf32, #tpu.memory_space<vmem_shared>> -> memref<10016x16xf32, #tpu.memory_space<vmem_shared>>
        tpu.enqueue_indirect_dma source(%dma_start3A_287 : memref<10016x16xf32, #tpu.memory_space<vmem_shared>>) target(%arg11 : memref<128x16xf32, #tpu.memory_space<vmem>>) offsets(%dma_start3A_284 : memref<128xi32, #tpu.memory_space<vmem>>) semaphore(%arg19 : memref<!tpu.dma_semaphore, #tpu.memory_space<semaphore_mem>>)
      } else {
      }
    }
    %scan3A_45 = arith.constant 26 : i32
    %dma_wait3A = arith.constant 0 : i32
    %dma_wait3A_46 = arith.constant 0 : i32
    %dma_wait3A_47 = tpu.memref_slice %arg7[%dma_wait3A, %dma_wait3A_46] : memref<157x128xi32, #tpu.memory_space<vmem>> -> memref<1x128xi32, #tpu.memory_space<vmem>>
    %dma_wait3A_48 = tpu.memref_squeeze %dma_wait3A_47 : memref<1x128xi32, #tpu.memory_space<vmem>> -> memref<128xi32, #tpu.memory_space<vmem>>
    %dma_wait3A_49 = arith.constant 0 : i32
    %dma_wait3A_50 = arith.constant 0 : i32
    %dma_wait3A_51 = tpu.memref_slice %arg14[%dma_wait3A_49, %dma_wait3A_50] : memref<10016x16xf32, #tpu.memory_space<vmem_shared>> -> memref<10016x16xf32, #tpu.memory_space<vmem_shared>>
    tpu.wait_indirect_dma semaphore(%arg22 : memref<!tpu.dma_semaphore, #tpu.memory_space<semaphore_mem>>) src(%arg8 : memref<128x16xf32, #tpu.memory_space<vmem>>) dst(%dma_wait3A_51 : memref<10016x16xf32, #tpu.memory_space<vmem_shared>>)
    %dma_wait3A_52 = arith.constant 0 : i32
    %dma_wait3A_53 = arith.constant 0 : i32
    %dma_wait3A_54 = tpu.memref_slice %arg7[%dma_wait3A_52, %dma_wait3A_53] : memref<157x128xi32, #tpu.memory_space<vmem>> -> memref<1x128xi32, #tpu.memory_space<vmem>>
    %dma_wait3A_55 = tpu.memref_squeeze %dma_wait3A_54 : memref<1x128xi32, #tpu.memory_space<vmem>> -> memref<128xi32, #tpu.memory_space<vmem>>
    %dma_wait3A_56 = arith.constant 0 : i32
    %dma_wait3A_57 = arith.constant 0 : i32
    %dma_wait3A_58 = tpu.memref_slice %arg14[%dma_wait3A_56, %dma_wait3A_57] : memref<10016x16xf32, #tpu.memory_space<vmem_shared>> -> memref<10016x16xf32, #tpu.memory_space<vmem_shared>>
    tpu.wait_indirect_dma semaphore(%arg23 : memref<!tpu.dma_semaphore, #tpu.memory_space<semaphore_mem>>) src(%arg9 : memref<128x16xf32, #tpu.memory_space<vmem>>) dst(%dma_wait3A_58 : memref<10016x16xf32, #tpu.memory_space<vmem_shared>>)
    %dma_wait3A_59 = arith.constant 0 : i32
    %dma_wait3A_60 = arith.constant 0 : i32
    %dma_wait3A_61 = tpu.memref_slice %arg7[%dma_wait3A_59, %dma_wait3A_60] : memref<157x128xi32, #tpu.memory_space<vmem>> -> memref<1x128xi32, #tpu.memory_space<vmem>>
    %dma_wait3A_62 = tpu.memref_squeeze %dma_wait3A_61 : memref<1x128xi32, #tpu.memory_space<vmem>> -> memref<128xi32, #tpu.memory_space<vmem>>
    %dma_wait3A_63 = arith.constant 0 : i32
    %dma_wait3A_64 = arith.constant 0 : i32
    %dma_wait3A_65 = tpu.memref_slice %arg14[%dma_wait3A_63, %dma_wait3A_64] : memref<10016x16xf32, #tpu.memory_space<vmem_shared>> -> memref<10016x16xf32, #tpu.memory_space<vmem_shared>>
    tpu.wait_indirect_dma semaphore(%arg24 : memref<!tpu.dma_semaphore, #tpu.memory_space<semaphore_mem>>) src(%arg10 : memref<128x16xf32, #tpu.memory_space<vmem>>) dst(%dma_wait3A_65 : memref<10016x16xf32, #tpu.memory_space<vmem_shared>>)
    %dma_wait3A_66 = arith.constant 0 : i32
    %dma_wait3A_67 = arith.constant 0 : i32
    %dma_wait3A_68 = tpu.memref_slice %arg7[%dma_wait3A_66, %dma_wait3A_67] : memref<157x128xi32, #tpu.memory_space<vmem>> -> memref<1x128xi32, #tpu.memory_space<vmem>>
    %dma_wait3A_69 = tpu.memref_squeeze %dma_wait3A_68 : memref<1x128xi32, #tpu.memory_space<vmem>> -> memref<128xi32, #tpu.memory_space<vmem>>
    %dma_wait3A_70 = arith.constant 0 : i32
    %dma_wait3A_71 = arith.constant 0 : i32
    %dma_wait3A_72 = tpu.memref_slice %arg14[%dma_wait3A_70, %dma_wait3A_71] : memref<10016x16xf32, #tpu.memory_space<vmem_shared>> -> memref<10016x16xf32, #tpu.memory_space<vmem_shared>>
    tpu.wait_indirect_dma semaphore(%arg25 : memref<!tpu.dma_semaphore, #tpu.memory_space<semaphore_mem>>) src(%arg11 : memref<128x16xf32, #tpu.memory_space<vmem>>) dst(%dma_wait3A_72 : memref<10016x16xf32, #tpu.memory_space<vmem_shared>>)
    %dma_wait3A_73 = arith.constant 0 : i32
    %dma_wait3A_74 = arith.constant 0 : i32
    %dma_wait3A_75 = tpu.memref_slice %arg7[%dma_wait3A_73, %dma_wait3A_74] : memref<157x128xi32, #tpu.memory_space<vmem>> -> memref<1x128xi32, #tpu.memory_space<vmem>>
    %dma_wait3A_76 = tpu.memref_squeeze %dma_wait3A_75 : memref<1x128xi32, #tpu.memory_space<vmem>> -> memref<128xi32, #tpu.memory_space<vmem>>
    %dma_wait3A_77 = arith.constant 0 : i32
    %dma_wait3A_78 = arith.constant 0 : i32
    %dma_wait3A_79 = tpu.memref_slice %arg14[%dma_wait3A_77, %dma_wait3A_78] : memref<10016x16xf32, #tpu.memory_space<vmem_shared>> -> memref<10016x16xf32, #tpu.memory_space<vmem_shared>>
    tpu.wait_indirect_dma semaphore(%arg26 : memref<!tpu.dma_semaphore, #tpu.memory_space<semaphore_mem>>) src(%arg12 : memref<128x16xf32, #tpu.memory_space<vmem>>) dst(%dma_wait3A_79 : memref<10016x16xf32, #tpu.memory_space<vmem_shared>>)
    %dma_wait3A_80 = arith.constant 0 : i32
    %dma_wait3A_81 = arith.constant 0 : i32
    %dma_wait3A_82 = tpu.memref_slice %arg7[%dma_wait3A_80, %dma_wait3A_81] : memref<157x128xi32, #tpu.memory_space<vmem>> -> memref<1x128xi32, #tpu.memory_space<vmem>>
    %dma_wait3A_83 = tpu.memref_squeeze %dma_wait3A_82 : memref<1x128xi32, #tpu.memory_space<vmem>> -> memref<128xi32, #tpu.memory_space<vmem>>
    %dma_wait3A_84 = arith.constant 0 : i32
    %dma_wait3A_85 = arith.constant 0 : i32
    %dma_wait3A_86 = tpu.memref_slice %arg14[%dma_wait3A_84, %dma_wait3A_85] : memref<10016x16xf32, #tpu.memory_space<vmem_shared>> -> memref<10016x16xf32, #tpu.memory_space<vmem_shared>>
    tpu.wait_indirect_dma semaphore(%arg27 : memref<!tpu.dma_semaphore, #tpu.memory_space<semaphore_mem>>) src(%arg13 : memref<128x16xf32, #tpu.memory_space<vmem>>) dst(%dma_wait3A_86 : memref<10016x16xf32, #tpu.memory_space<vmem_shared>>)
    %lt3A_87 = arith.constant 8 : i32
    %lt3A_88 = arith.cmpi slt, %add3A, %lt3A_87 : i32
    %convert_element_type3A_89 = arith.extui %lt3A_88 : i1 to i32
    %cond3A_90 = arith.constant 0 : i32
    %cond3A_91 = arith.cmpi ne, %convert_element_type3A_89, %cond3A_90 : i32
    scf.if %cond3A_91 {
      %dma_start3A_97 = arith.constant 156 : i32
      %dma_start3A_98 = arith.constant 0 : i32
      %dma_start3A_99 = tpu.memref_slice %arg6[%dma_start3A_97, %dma_start3A_98] : memref<157x128xi32, #tpu.memory_space<vmem>> -> memref<1x128xi32, #tpu.memory_space<vmem>>
      %dma_start3A_100 = tpu.memref_squeeze %dma_start3A_99 : memref<1x128xi32, #tpu.memory_space<vmem>> -> memref<128xi32, #tpu.memory_space<vmem>>
      %dma_start3A_101 = arith.constant 0 : i32
      %dma_start3A_102 = arith.constant 0 : i32
      %dma_start3A_103 = tpu.memref_slice %arg15[%dma_start3A_101, %dma_start3A_102] : memref<10016x16xf32, #tpu.memory_space<vmem_shared>> -> memref<10016x16xf32, #tpu.memory_space<vmem_shared>>
      tpu.enqueue_indirect_dma source(%dma_start3A_103 : memref<10016x16xf32, #tpu.memory_space<vmem_shared>>) target(%arg8 : memref<128x16xf32, #tpu.memory_space<vmem>>) offsets(%dma_start3A_100 : memref<128xi32, #tpu.memory_space<vmem>>) semaphore(%arg16 : memref<!tpu.dma_semaphore, #tpu.memory_space<semaphore_mem>>)
      %dma_wait3A_104 = arith.constant 156 : i32
      %dma_wait3A_105 = arith.constant 0 : i32
      %dma_wait3A_106 = tpu.memref_slice %arg6[%dma_wait3A_104, %dma_wait3A_105] : memref<157x128xi32, #tpu.memory_space<vmem>> -> memref<1x128xi32, #tpu.memory_space<vmem>>
      %dma_wait3A_107 = tpu.memref_squeeze %dma_wait3A_106 : memref<1x128xi32, #tpu.memory_space<vmem>> -> memref<128xi32, #tpu.memory_space<vmem>>
      %dma_wait3A_108 = arith.constant 0 : i32
      %dma_wait3A_109 = arith.constant 0 : i32
      %dma_wait3A_110 = tpu.memref_slice %arg15[%dma_wait3A_108, %dma_wait3A_109] : memref<10016x16xf32, #tpu.memory_space<vmem_shared>> -> memref<10016x16xf32, #tpu.memory_space<vmem_shared>>
      tpu.wait_indirect_dma semaphore(%arg16 : memref<!tpu.dma_semaphore, #tpu.memory_space<semaphore_mem>>) src(%dma_wait3A_110 : memref<10016x16xf32, #tpu.memory_space<vmem_shared>>) dst(%arg8 : memref<128x16xf32, #tpu.memory_space<vmem>>)
      %dma_start3A_111 = arith.constant 156 : i32
      %dma_start3A_112 = arith.constant 0 : i32
      %dma_start3A_113 = tpu.memref_slice %arg7[%dma_start3A_111, %dma_start3A_112] : memref<157x128xi32, #tpu.memory_space<vmem>> -> memref<1x128xi32, #tpu.memory_space<vmem>>
      %dma_start3A_114 = tpu.memref_squeeze %dma_start3A_113 : memref<1x128xi32, #tpu.memory_space<vmem>> -> memref<128xi32, #tpu.memory_space<vmem>>
      %dma_start3A_115 = arith.constant 0 : i32
      %dma_start3A_116 = arith.constant 0 : i32
      %dma_start3A_117 = tpu.memref_slice %arg14[%dma_start3A_115, %dma_start3A_116] : memref<10016x16xf32, #tpu.memory_space<vmem_shared>> -> memref<10016x16xf32, #tpu.memory_space<vmem_shared>>
      tpu.enqueue_indirect_dma source(%arg8 : memref<128x16xf32, #tpu.memory_space<vmem>>) target(%dma_start3A_117 : memref<10016x16xf32, #tpu.memory_space<vmem_shared>>) offsets(%dma_start3A_114 : memref<128xi32, #tpu.memory_space<vmem>>) semaphore(%arg22 : memref<!tpu.dma_semaphore, #tpu.memory_space<semaphore_mem>>) {add = true}
      %dma_wait3A_118 = arith.constant 156 : i32
      %dma_wait3A_119 = arith.constant 0 : i32
      %dma_wait3A_120 = tpu.memref_slice %arg7[%dma_wait3A_118, %dma_wait3A_119] : memref<157x128xi32, #tpu.memory_space<vmem>> -> memref<1x128xi32, #tpu.memory_space<vmem>>
      %dma_wait3A_121 = tpu.memref_squeeze %dma_wait3A_120 : memref<1x128xi32, #tpu.memory_space<vmem>> -> memref<128xi32, #tpu.memory_space<vmem>>
      %dma_wait3A_122 = arith.constant 0 : i32
      %dma_wait3A_123 = arith.constant 0 : i32
      %dma_wait3A_124 = tpu.memref_slice %arg14[%dma_wait3A_122, %dma_wait3A_123] : memref<10016x16xf32, #tpu.memory_space<vmem_shared>> -> memref<10016x16xf32, #tpu.memory_space<vmem_shared>>
      tpu.wait_indirect_dma semaphore(%arg22 : memref<!tpu.dma_semaphore, #tpu.memory_space<semaphore_mem>>) src(%arg8 : memref<128x16xf32, #tpu.memory_space<vmem>>) dst(%dma_wait3A_124 : memref<10016x16xf32, #tpu.memory_space<vmem_shared>>)
    } else {
    }
    %barrier3A_92 = arith.constant 0 : index
    tpu.barrier barrier_id(%barrier3A_92)
    %mul3A_93 = arith.constant 625 : i32
    %mul3A_94 = arith.muli %arg1, %mul3A_93 : i32
    %mul3A_95 = arith.constant 625 : i32
    %mul3A_96 = arith.muli %arg1, %mul3A_95 : i32
    "tpu.region"() ({
      %run_scoped3A_97 = tpu.sem_alloc : memref<!tpu.dma_semaphore, #tpu.memory_space<semaphore_mem>>
      %dma_start3A_98 = arith.constant 0 : i32
      %dma_start3A_99 = tpu.memref_slice %arg5[%arg0, %mul3A_96, %dma_start3A_98] : memref<2x10000x16xf32, #tpu.memory_space<hbm>> -> memref<1x625x16xf32, #tpu.memory_space<hbm>>
      %dma_start3A_100 = tpu.memref_squeeze %dma_start3A_99 : memref<1x625x16xf32, #tpu.memory_space<hbm>> -> memref<625x16xf32, #tpu.memory_space<hbm>>
      %dma_start3A_101 = arith.constant 0 : i32
      %dma_start3A_102 = tpu.memref_slice %arg14[%mul3A_94, %dma_start3A_101] : memref<10016x16xf32, #tpu.memory_space<vmem_shared>> -> memref<625x16xf32, #tpu.memory_space<vmem_shared>>
      tpu.enqueue_dma source(%dma_start3A_102 : memref<625x16xf32, #tpu.memory_space<vmem_shared>>) target(%dma_start3A_100 : memref<625x16xf32, #tpu.memory_space<hbm>>) target_semaphore(%run_scoped3A_97 : memref<!tpu.dma_semaphore, #tpu.memory_space<semaphore_mem>>)
      %dma_wait3A_103 = arith.constant 0 : i32
      %dma_wait3A_104 = tpu.memref_slice %arg5[%arg0, %mul3A_96, %dma_wait3A_103] : memref<2x10000x16xf32, #tpu.memory_space<hbm>> -> memref<1x625x16xf32, #tpu.memory_space<hbm>>
      %dma_wait3A_105 = tpu.memref_squeeze %dma_wait3A_104 : memref<1x625x16xf32, #tpu.memory_space<hbm>> -> memref<625x16xf32, #tpu.memory_space<hbm>>
      %dma_wait3A_106 = arith.constant 0 : i32
      %dma_wait3A_107 = tpu.memref_slice %arg14[%mul3A_94, %dma_wait3A_106] : memref<10016x16xf32, #tpu.memory_space<vmem_shared>> -> memref<625x16xf32, #tpu.memory_space<vmem_shared>>
      tpu.wait_dma2 semaphore(%run_scoped3A_97 : memref<!tpu.dma_semaphore, #tpu.memory_space<semaphore_mem>>) src(%dma_wait3A_107 : memref<625x16xf32, #tpu.memory_space<vmem_shared>>) dst(%dma_wait3A_105 : memref<625x16xf32, #tpu.memory_space<hbm>>)
      tpu.yield
    }) : () -> ()
    return
  }
}

#map = affine_map<(d0, d1) -> (0, 0, 0)>
#map1 = affine_map<(d0, d1) -> (0, 0)>
module attributes {stable_mosaic.version = 14 : i64} {
  func.func @_sc_degree(%arg0: i32, %arg1: i32, %arg2: memref<2x5000x128xi32, #tpu.memory_space<hbm>>, %arg3: memref<512x16xf32, #tpu.memory_space<hbm>>, %arg4: memref<10016x16xf32, #tpu.memory_space<hbm>>, %arg5: memref<2x10000x16xf32, #tpu.memory_space<hbm>>, %arg6: memref<157x128xi32, #tpu.memory_space<vmem>>, %arg7: memref<512x16xf32, #tpu.memory_space<vmem>>, %arg8: memref<10016x16xf32, #tpu.memory_space<vmem_shared>>, %arg9: memref<!tpu.dma_semaphore, #tpu.memory_space<semaphore_mem>>) attributes {dimension_semantics = [#tpu.dimension_semantics<core_parallel>, #tpu.dimension_semantics<subcore_parallel>], iteration_bounds = array<i64: 2, 16>, scalar_prefetch = 0 : i64, scratch_operands = 4 : i64, tpu.core_type = #tpu.core_type<sc_vector_subcore>, window_params = [{transform_indices = #map}, {transform_indices = #map1}, {transform_indices = #map1}, {transform_indices = #map}]} {
    %mul3A = arith.constant 2 : i32
    %mul3A_0 = arith.muli %arg1, %mul3A : i32
    %add3A = arith.addi %mul3A_0, %arg0 : i32
    %mul3A_1 = arith.constant 626 : i32
    %mul3A_2 = arith.muli %arg1, %mul3A_1 : i32
    %mul3A_3 = arith.constant 626 : i32
    %mul3A_4 = arith.muli %arg1, %mul3A_3 : i32
    "tpu.region"() ({
      %run_scoped3A_29 = tpu.sem_alloc : memref<!tpu.dma_semaphore, #tpu.memory_space<semaphore_mem>>
      %dma_start3A = arith.constant 0 : i32
      %dma_start3A_30 = tpu.memref_slice %arg8[%mul3A_4, %dma_start3A] : memref<10016x16xf32, #tpu.memory_space<vmem_shared>> -> memref<626x16xf32, #tpu.memory_space<vmem_shared>>
      %dma_start3A_31 = arith.constant 0 : i32
      %dma_start3A_32 = tpu.memref_slice %arg4[%mul3A_2, %dma_start3A_31] : memref<10016x16xf32, #tpu.memory_space<hbm>> -> memref<626x16xf32, #tpu.memory_space<hbm>>
      tpu.enqueue_dma source(%dma_start3A_32 : memref<626x16xf32, #tpu.memory_space<hbm>>) target(%dma_start3A_30 : memref<626x16xf32, #tpu.memory_space<vmem_shared>>) target_semaphore(%run_scoped3A_29 : memref<!tpu.dma_semaphore, #tpu.memory_space<semaphore_mem>>)
      %dma_wait3A = arith.constant 0 : i32
      %dma_wait3A_33 = tpu.memref_slice %arg8[%mul3A_4, %dma_wait3A] : memref<10016x16xf32, #tpu.memory_space<vmem_shared>> -> memref<626x16xf32, #tpu.memory_space<vmem_shared>>
      %dma_wait3A_34 = arith.constant 0 : i32
      %dma_wait3A_35 = tpu.memref_slice %arg4[%mul3A_2, %dma_wait3A_34] : memref<10016x16xf32, #tpu.memory_space<hbm>> -> memref<626x16xf32, #tpu.memory_space<hbm>>
      tpu.wait_dma2 semaphore(%run_scoped3A_29 : memref<!tpu.dma_semaphore, #tpu.memory_space<semaphore_mem>>) src(%dma_wait3A_35 : memref<626x16xf32, #tpu.memory_space<hbm>>) dst(%dma_wait3A_33 : memref<626x16xf32, #tpu.memory_space<vmem_shared>>)
      tpu.yield
    }) : () -> ()
    "tpu.region"() ({
      %run_scoped3A_29 = tpu.sem_alloc : memref<!tpu.dma_semaphore, #tpu.memory_space<semaphore_mem>>
      tpu.enqueue_dma source(%arg3 : memref<512x16xf32, #tpu.memory_space<hbm>>) target(%arg7 : memref<512x16xf32, #tpu.memory_space<vmem>>) target_semaphore(%run_scoped3A_29 : memref<!tpu.dma_semaphore, #tpu.memory_space<semaphore_mem>>)
      tpu.wait_dma2 semaphore(%run_scoped3A_29 : memref<!tpu.dma_semaphore, #tpu.memory_space<semaphore_mem>>) src(%arg3 : memref<512x16xf32, #tpu.memory_space<hbm>>) dst(%arg7 : memref<512x16xf32, #tpu.memory_space<vmem>>)
      tpu.yield
    }) : () -> ()
    %mul3A_5 = arith.constant 156 : i32
    %mul3A_6 = arith.muli %add3A, %mul3A_5 : i32
    %run_scoped3A = arith.constant 1 : i32
    "tpu.region"() ({
      %run_scoped3A_29 = tpu.sem_alloc : memref<!tpu.dma_semaphore, #tpu.memory_space<semaphore_mem>>
      %dma_start3A = arith.constant 0 : i32
      %dma_start3A_30 = arith.constant 0 : i32
      %dma_start3A_31 = tpu.memref_slice %arg6[%dma_start3A, %dma_start3A_30] : memref<157x128xi32, #tpu.memory_space<vmem>> -> memref<156x128xi32, #tpu.memory_space<vmem>>
      %dma_start3A_32 = arith.constant 0 : i32
      %dma_start3A_33 = tpu.memref_slice %arg2[%run_scoped3A, %mul3A_6, %dma_start3A_32] : memref<2x5000x128xi32, #tpu.memory_space<hbm>> -> memref<1x156x128xi32, #tpu.memory_space<hbm>>
      %dma_start3A_34 = tpu.memref_squeeze %dma_start3A_33 : memref<1x156x128xi32, #tpu.memory_space<hbm>> -> memref<156x128xi32, #tpu.memory_space<hbm>>
      %dma_start3A_35 = arith.constant 0 : i32
      %dma_start3A_36 = arith.constant 0 : i32
      %dma_start3A_37 = tpu.memref_slice %arg6[%dma_start3A_35, %dma_start3A_36] : memref<157x128xi32, #tpu.memory_space<vmem>> -> memref<156x128xi32, #tpu.memory_space<vmem>>
      %dma_start3A_38 = arith.constant 0 : i32
      %dma_start3A_39 = tpu.memref_slice %arg2[%run_scoped3A, %mul3A_6, %dma_start3A_38] : memref<2x5000x128xi32, #tpu.memory_space<hbm>> -> memref<1x156x128xi32, #tpu.memory_space<hbm>>
      %dma_start3A_40 = tpu.memref_squeeze %dma_start3A_39 : memref<1x156x128xi32, #tpu.memory_space<hbm>> -> memref<156x128xi32, #tpu.memory_space<hbm>>
      tpu.enqueue_dma source(%dma_start3A_40 : memref<156x128xi32, #tpu.memory_space<hbm>>) target(%dma_start3A_37 : memref<156x128xi32, #tpu.memory_space<vmem>>) target_semaphore(%run_scoped3A_29 : memref<!tpu.dma_semaphore, #tpu.memory_space<semaphore_mem>>)
      %dma_wait3A = arith.constant 0 : i32
      %dma_wait3A_41 = arith.constant 0 : i32
      %dma_wait3A_42 = tpu.memref_slice %arg6[%dma_wait3A, %dma_wait3A_41] : memref<157x128xi32, #tpu.memory_space<vmem>> -> memref<156x128xi32, #tpu.memory_space<vmem>>
      %dma_wait3A_43 = arith.constant 0 : i32
      %dma_wait3A_44 = tpu.memref_slice %arg2[%run_scoped3A, %mul3A_6, %dma_wait3A_43] : memref<2x5000x128xi32, #tpu.memory_space<hbm>> -> memref<1x156x128xi32, #tpu.memory_space<hbm>>
      %dma_wait3A_45 = tpu.memref_squeeze %dma_wait3A_44 : memref<1x156x128xi32, #tpu.memory_space<hbm>> -> memref<156x128xi32, #tpu.memory_space<hbm>>
      %dma_wait3A_46 = arith.constant 0 : i32
      %dma_wait3A_47 = arith.constant 0 : i32
      %dma_wait3A_48 = tpu.memref_slice %arg6[%dma_wait3A_46, %dma_wait3A_47] : memref<157x128xi32, #tpu.memory_space<vmem>> -> memref<156x128xi32, #tpu.memory_space<vmem>>
      %dma_wait3A_49 = arith.constant 0 : i32
      %dma_wait3A_50 = tpu.memref_slice %arg2[%run_scoped3A, %mul3A_6, %dma_wait3A_49] : memref<2x5000x128xi32, #tpu.memory_space<hbm>> -> memref<1x156x128xi32, #tpu.memory_space<hbm>>
      %dma_wait3A_51 = tpu.memref_squeeze %dma_wait3A_50 : memref<1x156x128xi32, #tpu.memory_space<hbm>> -> memref<156x128xi32, #tpu.memory_space<hbm>>
      tpu.wait_dma2 semaphore(%run_scoped3A_29 : memref<!tpu.dma_semaphore, #tpu.memory_space<semaphore_mem>>) src(%dma_wait3A_51 : memref<156x128xi32, #tpu.memory_space<hbm>>) dst(%dma_wait3A_48 : memref<156x128xi32, #tpu.memory_space<vmem>>)
      tpu.yield
    }) : () -> ()
    %lt3A = arith.constant 8 : i32
    %lt3A_7 = arith.cmpi slt, %add3A, %lt3A : i32
    %convert_element_type3A = arith.extui %lt3A_7 : i1 to i32
    %cond3A = arith.constant 0 : i32
    %cond3A_8 = arith.cmpi ne, %convert_element_type3A, %cond3A : i32
    scf.if %cond3A_8 {
      %add3A_29 = arith.constant 4992 : i32
      %add3A_30 = arith.addi %add3A_29, %add3A : i32
      %run_scoped3A_31 = arith.constant 1 : i32
      "tpu.region"() ({
        %run_scoped3A_32 = tpu.sem_alloc : memref<!tpu.dma_semaphore, #tpu.memory_space<semaphore_mem>>
        %dma_start3A = arith.constant 156 : i32
        %dma_start3A_33 = arith.constant 0 : i32
        %dma_start3A_34 = tpu.memref_slice %arg6[%dma_start3A, %dma_start3A_33] : memref<157x128xi32, #tpu.memory_space<vmem>> -> memref<1x128xi32, #tpu.memory_space<vmem>>
        %dma_start3A_35 = arith.constant 0 : i32
        %dma_start3A_36 = tpu.memref_slice %arg2[%run_scoped3A_31, %add3A_30, %dma_start3A_35] : memref<2x5000x128xi32, #tpu.memory_space<hbm>> -> memref<1x1x128xi32, #tpu.memory_space<hbm>>
        %dma_start3A_37 = tpu.memref_squeeze %dma_start3A_36 : memref<1x1x128xi32, #tpu.memory_space<hbm>> -> memref<1x128xi32, #tpu.memory_space<hbm>>
        %dma_start3A_38 = arith.constant 156 : i32
        %dma_start3A_39 = arith.constant 0 : i32
        %dma_start3A_40 = tpu.memref_slice %arg6[%dma_start3A_38, %dma_start3A_39] : memref<157x128xi32, #tpu.memory_space<vmem>> -> memref<1x128xi32, #tpu.memory_space<vmem>>
        %dma_start3A_41 = arith.constant 0 : i32
        %dma_start3A_42 = tpu.memref_slice %arg2[%run_scoped3A_31, %add3A_30, %dma_start3A_41] : memref<2x5000x128xi32, #tpu.memory_space<hbm>> -> memref<1x1x128xi32, #tpu.memory_space<hbm>>
        %dma_start3A_43 = tpu.memref_squeeze %dma_start3A_42 : memref<1x1x128xi32, #tpu.memory_space<hbm>> -> memref<1x128xi32, #tpu.memory_space<hbm>>
        tpu.enqueue_dma source(%dma_start3A_43 : memref<1x128xi32, #tpu.memory_space<hbm>>) target(%dma_start3A_40 : memref<1x128xi32, #tpu.memory_space<vmem>>) target_semaphore(%run_scoped3A_32 : memref<!tpu.dma_semaphore, #tpu.memory_space<semaphore_mem>>)
        %dma_wait3A = arith.constant 156 : i32
        %dma_wait3A_44 = arith.constant 0 : i32
        %dma_wait3A_45 = tpu.memref_slice %arg6[%dma_wait3A, %dma_wait3A_44] : memref<157x128xi32, #tpu.memory_space<vmem>> -> memref<1x128xi32, #tpu.memory_space<vmem>>
        %dma_wait3A_46 = arith.constant 0 : i32
        %dma_wait3A_47 = tpu.memref_slice %arg2[%run_scoped3A_31, %add3A_30, %dma_wait3A_46] : memref<2x5000x128xi32, #tpu.memory_space<hbm>> -> memref<1x1x128xi32, #tpu.memory_space<hbm>>
        %dma_wait3A_48 = tpu.memref_squeeze %dma_wait3A_47 : memref<1x1x128xi32, #tpu.memory_space<hbm>> -> memref<1x128xi32, #tpu.memory_space<hbm>>
        %dma_wait3A_49 = arith.constant 156 : i32
        %dma_wait3A_50 = arith.constant 0 : i32
        %dma_wait3A_51 = tpu.memref_slice %arg6[%dma_wait3A_49, %dma_wait3A_50] : memref<157x128xi32, #tpu.memory_space<vmem>> -> memref<1x128xi32, #tpu.memory_space<vmem>>
        %dma_wait3A_52 = arith.constant 0 : i32
        %dma_wait3A_53 = tpu.memref_slice %arg2[%run_scoped3A_31, %add3A_30, %dma_wait3A_52] : memref<2x5000x128xi32, #tpu.memory_space<hbm>> -> memref<1x1x128xi32, #tpu.memory_space<hbm>>
        %dma_wait3A_54 = tpu.memref_squeeze %dma_wait3A_53 : memref<1x1x128xi32, #tpu.memory_space<hbm>> -> memref<1x128xi32, #tpu.memory_space<hbm>>
        tpu.wait_dma2 semaphore(%run_scoped3A_32 : memref<!tpu.dma_semaphore, #tpu.memory_space<semaphore_mem>>) src(%dma_wait3A_54 : memref<1x128xi32, #tpu.memory_space<hbm>>) dst(%dma_wait3A_51 : memref<1x128xi32, #tpu.memory_space<vmem>>)
        tpu.yield
      }) : () -> ()
    } else {
    }
    %barrier3A = arith.constant 0 : index
    tpu.barrier barrier_id(%barrier3A)
    %scan3A = arith.constant 0 : i32
    %scan3A_9 = arith.constant 0 : i32
    %scan3A_10 = arith.constant 39 : i32
    %scan3A_11 = arith.addi %scan3A_9, %scan3A_10 : i32
    %scan3A_12 = arith.constant 1 : i32
    scf.for %scan3A_29 = %scan3A_9 to %scan3A_11 step %scan3A_12  : i32 {
      %mul3A_30 = arith.constant 4 : i32
      %mul3A_31 = arith.muli %scan3A_29, %mul3A_30 : i32
      %add3A_32 = arith.constant 0 : i32
      %add3A_33 = arith.addi %mul3A_31, %add3A_32 : i32
      %dma_start3A = arith.constant 0 : i32
      %dma_start3A_34 = arith.constant 0 : i32
      %dma_start3A_35 = tpu.memref_slice %arg7[%dma_start3A, %dma_start3A_34] : memref<512x16xf32, #tpu.memory_space<vmem>> -> memref<128x16xf32, #tpu.memory_space<vmem>>
      %dma_start3A_36 = arith.constant 0 : i32
      %dma_start3A_37 = tpu.memref_slice %arg6[%add3A_33, %dma_start3A_36] : memref<157x128xi32, #tpu.memory_space<vmem>> -> memref<1x128xi32, #tpu.memory_space<vmem>>
      %dma_start3A_38 = tpu.memref_squeeze %dma_start3A_37 : memref<1x128xi32, #tpu.memory_space<vmem>> -> memref<128xi32, #tpu.memory_space<vmem>>
      %dma_start3A_39 = arith.constant 0 : i32
      %dma_start3A_40 = arith.constant 0 : i32
      %dma_start3A_41 = tpu.memref_slice %arg8[%dma_start3A_39, %dma_start3A_40] : memref<10016x16xf32, #tpu.memory_space<vmem_shared>> -> memref<10016x16xf32, #tpu.memory_space<vmem_shared>>
      tpu.enqueue_indirect_dma source(%dma_start3A_35 : memref<128x16xf32, #tpu.memory_space<vmem>>) target(%dma_start3A_41 : memref<10016x16xf32, #tpu.memory_space<vmem_shared>>) offsets(%dma_start3A_38 : memref<128xi32, #tpu.memory_space<vmem>>) semaphore(%arg9 : memref<!tpu.dma_semaphore, #tpu.memory_space<semaphore_mem>>) {add = true}
      %mul3A_42 = arith.constant 4 : i32
      %mul3A_43 = arith.muli %scan3A_29, %mul3A_42 : i32
      %add3A_44 = arith.constant 1 : i32
      %add3A_45 = arith.addi %mul3A_43, %add3A_44 : i32
      %dma_start3A_46 = arith.constant 0 : i32
      %dma_start3A_47 = arith.constant 0 : i32
      %dma_start3A_48 = tpu.memref_slice %arg7[%dma_start3A_46, %dma_start3A_47] : memref<512x16xf32, #tpu.memory_space<vmem>> -> memref<128x16xf32, #tpu.memory_space<vmem>>
      %dma_start3A_49 = arith.constant 0 : i32
      %dma_start3A_50 = tpu.memref_slice %arg6[%add3A_45, %dma_start3A_49] : memref<157x128xi32, #tpu.memory_space<vmem>> -> memref<1x128xi32, #tpu.memory_space<vmem>>
      %dma_start3A_51 = tpu.memref_squeeze %dma_start3A_50 : memref<1x128xi32, #tpu.memory_space<vmem>> -> memref<128xi32, #tpu.memory_space<vmem>>
      %dma_start3A_52 = arith.constant 0 : i32
      %dma_start3A_53 = arith.constant 0 : i32
      %dma_start3A_54 = tpu.memref_slice %arg8[%dma_start3A_52, %dma_start3A_53] : memref<10016x16xf32, #tpu.memory_space<vmem_shared>> -> memref<10016x16xf32, #tpu.memory_space<vmem_shared>>
      tpu.enqueue_indirect_dma source(%dma_start3A_48 : memref<128x16xf32, #tpu.memory_space<vmem>>) target(%dma_start3A_54 : memref<10016x16xf32, #tpu.memory_space<vmem_shared>>) offsets(%dma_start3A_51 : memref<128xi32, #tpu.memory_space<vmem>>) semaphore(%arg9 : memref<!tpu.dma_semaphore, #tpu.memory_space<semaphore_mem>>) {add = true}
      %mul3A_55 = arith.constant 4 : i32
      %mul3A_56 = arith.muli %scan3A_29, %mul3A_55 : i32
      %add3A_57 = arith.constant 2 : i32
      %add3A_58 = arith.addi %mul3A_56, %add3A_57 : i32
      %dma_start3A_59 = arith.constant 0 : i32
      %dma_start3A_60 = arith.constant 0 : i32
      %dma_start3A_61 = tpu.memref_slice %arg7[%dma_start3A_59, %dma_start3A_60] : memref<512x16xf32, #tpu.memory_space<vmem>> -> memref<128x16xf32, #tpu.memory_space<vmem>>
      %dma_start3A_62 = arith.constant 0 : i32
      %dma_start3A_63 = tpu.memref_slice %arg6[%add3A_58, %dma_start3A_62] : memref<157x128xi32, #tpu.memory_space<vmem>> -> memref<1x128xi32, #tpu.memory_space<vmem>>
      %dma_start3A_64 = tpu.memref_squeeze %dma_start3A_63 : memref<1x128xi32, #tpu.memory_space<vmem>> -> memref<128xi32, #tpu.memory_space<vmem>>
      %dma_start3A_65 = arith.constant 0 : i32
      %dma_start3A_66 = arith.constant 0 : i32
      %dma_start3A_67 = tpu.memref_slice %arg8[%dma_start3A_65, %dma_start3A_66] : memref<10016x16xf32, #tpu.memory_space<vmem_shared>> -> memref<10016x16xf32, #tpu.memory_space<vmem_shared>>
      tpu.enqueue_indirect_dma source(%dma_start3A_61 : memref<128x16xf32, #tpu.memory_space<vmem>>) target(%dma_start3A_67 : memref<10016x16xf32, #tpu.memory_space<vmem_shared>>) offsets(%dma_start3A_64 : memref<128xi32, #tpu.memory_space<vmem>>) semaphore(%arg9 : memref<!tpu.dma_semaphore, #tpu.memory_space<semaphore_mem>>) {add = true}
      %mul3A_68 = arith.constant 4 : i32
      %mul3A_69 = arith.muli %scan3A_29, %mul3A_68 : i32
      %add3A_70 = arith.constant 3 : i32
      %add3A_71 = arith.addi %mul3A_69, %add3A_70 : i32
      %dma_start3A_72 = arith.constant 0 : i32
      %dma_start3A_73 = arith.constant 0 : i32
      %dma_start3A_74 = tpu.memref_slice %arg7[%dma_start3A_72, %dma_start3A_73] : memref<512x16xf32, #tpu.memory_space<vmem>> -> memref<128x16xf32, #tpu.memory_space<vmem>>
      %dma_start3A_75 = arith.constant 0 : i32
      %dma_start3A_76 = tpu.memref_slice %arg6[%add3A_71, %dma_start3A_75] : memref<157x128xi32, #tpu.memory_space<vmem>> -> memref<1x128xi32, #tpu.memory_space<vmem>>
      %dma_start3A_77 = tpu.memref_squeeze %dma_start3A_76 : memref<1x128xi32, #tpu.memory_space<vmem>> -> memref<128xi32, #tpu.memory_space<vmem>>
      %dma_start3A_78 = arith.constant 0 : i32
      %dma_start3A_79 = arith.constant 0 : i32
      %dma_start3A_80 = tpu.memref_slice %arg8[%dma_start3A_78, %dma_start3A_79] : memref<10016x16xf32, #tpu.memory_space<vmem_shared>> -> memref<10016x16xf32, #tpu.memory_space<vmem_shared>>
      tpu.enqueue_indirect_dma source(%dma_start3A_74 : memref<128x16xf32, #tpu.memory_space<vmem>>) target(%dma_start3A_80 : memref<10016x16xf32, #tpu.memory_space<vmem_shared>>) offsets(%dma_start3A_77 : memref<128xi32, #tpu.memory_space<vmem>>) semaphore(%arg9 : memref<!tpu.dma_semaphore, #tpu.memory_space<semaphore_mem>>) {add = true}
    }
    %scan3A_13 = arith.constant 39 : i32
    %lt3A_14 = arith.constant 8 : i32
    %lt3A_15 = arith.cmpi slt, %add3A, %lt3A_14 : i32
    %convert_element_type3A_16 = arith.extui %lt3A_15 : i1 to i32
    %cond3A_17 = arith.constant 0 : i32
    %cond3A_18 = arith.cmpi ne, %convert_element_type3A_16, %cond3A_17 : i32
    scf.if %cond3A_18 {
      %dma_start3A = arith.constant 156 : i32
      %dma_start3A_29 = arith.constant 0 : i32
      %dma_start3A_30 = arith.constant 0 : i32
      %dma_start3A_31 = tpu.memref_slice %arg7[%dma_start3A_29, %dma_start3A_30] : memref<512x16xf32, #tpu.memory_space<vmem>> -> memref<128x16xf32, #tpu.memory_space<vmem>>
      %dma_start3A_32 = arith.constant 0 : i32
      %dma_start3A_33 = tpu.memref_slice %arg6[%dma_start3A, %dma_start3A_32] : memref<157x128xi32, #tpu.memory_space<vmem>> -> memref<1x128xi32, #tpu.memory_space<vmem>>
      %dma_start3A_34 = tpu.memref_squeeze %dma_start3A_33 : memref<1x128xi32, #tpu.memory_space<vmem>> -> memref<128xi32, #tpu.memory_space<vmem>>
      %dma_start3A_35 = arith.constant 0 : i32
      %dma_start3A_36 = arith.constant 0 : i32
      %dma_start3A_37 = tpu.memref_slice %arg8[%dma_start3A_35, %dma_start3A_36] : memref<10016x16xf32, #tpu.memory_space<vmem_shared>> -> memref<10016x16xf32, #tpu.memory_space<vmem_shared>>
      tpu.enqueue_indirect_dma source(%dma_start3A_31 : memref<128x16xf32, #tpu.memory_space<vmem>>) target(%dma_start3A_37 : memref<10016x16xf32, #tpu.memory_space<vmem_shared>>) offsets(%dma_start3A_34 : memref<128xi32, #tpu.memory_space<vmem>>) semaphore(%arg9 : memref<!tpu.dma_semaphore, #tpu.memory_space<semaphore_mem>>) {add = true}
    } else {
    }
    tpu.wait_dma2 semaphore(%arg9 : memref<!tpu.dma_semaphore, #tpu.memory_space<semaphore_mem>>) src(%arg3 : memref<512x16xf32, #tpu.memory_space<hbm>>) dst(%arg7 : memref<512x16xf32, #tpu.memory_space<vmem>>)
    tpu.wait_dma2 semaphore(%arg9 : memref<!tpu.dma_semaphore, #tpu.memory_space<semaphore_mem>>) src(%arg3 : memref<512x16xf32, #tpu.memory_space<hbm>>) dst(%arg7 : memref<512x16xf32, #tpu.memory_space<vmem>>)
    tpu.wait_dma2 semaphore(%arg9 : memref<!tpu.dma_semaphore, #tpu.memory_space<semaphore_mem>>) src(%arg3 : memref<512x16xf32, #tpu.memory_space<hbm>>) dst(%arg7 : memref<512x16xf32, #tpu.memory_space<vmem>>)
    tpu.wait_dma2 semaphore(%arg9 : memref<!tpu.dma_semaphore, #tpu.memory_space<semaphore_mem>>) src(%arg3 : memref<512x16xf32, #tpu.memory_space<hbm>>) dst(%arg7 : memref<512x16xf32, #tpu.memory_space<vmem>>)
    tpu.wait_dma2 semaphore(%arg9 : memref<!tpu.dma_semaphore, #tpu.memory_space<semaphore_mem>>) src(%arg3 : memref<512x16xf32, #tpu.memory_space<hbm>>) dst(%arg7 : memref<512x16xf32, #tpu.memory_space<vmem>>)
    tpu.wait_dma2 semaphore(%arg9 : memref<!tpu.dma_semaphore, #tpu.memory_space<semaphore_mem>>) src(%arg3 : memref<512x16xf32, #tpu.memory_space<hbm>>) dst(%arg7 : memref<512x16xf32, #tpu.memory_space<vmem>>)
    tpu.wait_dma2 semaphore(%arg9 : memref<!tpu.dma_semaphore, #tpu.memory_space<semaphore_mem>>) src(%arg3 : memref<512x16xf32, #tpu.memory_space<hbm>>) dst(%arg7 : memref<512x16xf32, #tpu.memory_space<vmem>>)
    tpu.wait_dma2 semaphore(%arg9 : memref<!tpu.dma_semaphore, #tpu.memory_space<semaphore_mem>>) src(%arg3 : memref<512x16xf32, #tpu.memory_space<hbm>>) dst(%arg7 : memref<512x16xf32, #tpu.memory_space<vmem>>)
    tpu.wait_dma2 semaphore(%arg9 : memref<!tpu.dma_semaphore, #tpu.memory_space<semaphore_mem>>) src(%arg3 : memref<512x16xf32, #tpu.memory_space<hbm>>) dst(%arg7 : memref<512x16xf32, #tpu.memory_space<vmem>>)
    tpu.wait_dma2 semaphore(%arg9 : memref<!tpu.dma_semaphore, #tpu.memory_space<semaphore_mem>>) src(%arg3 : memref<512x16xf32, #tpu.memory_space<hbm>>) dst(%arg7 : memref<512x16xf32, #tpu.memory_space<vmem>>)
    tpu.wait_dma2 semaphore(%arg9 : memref<!tpu.dma_semaphore, #tpu.memory_space<semaphore_mem>>) src(%arg3 : memref<512x16xf32, #tpu.memory_space<hbm>>) dst(%arg7 : memref<512x16xf32, #tpu.memory_space<vmem>>)
    tpu.wait_dma2 semaphore(%arg9 : memref<!tpu.dma_semaphore, #tpu.memory_space<semaphore_mem>>) src(%arg3 : memref<512x16xf32, #tpu.memory_space<hbm>>) dst(%arg7 : memref<512x16xf32, #tpu.memory_space<vmem>>)
    tpu.wait_dma2 semaphore(%arg9 : memref<!tpu.dma_semaphore, #tpu.memory_space<semaphore_mem>>) src(%arg3 : memref<512x16xf32, #tpu.memory_space<hbm>>) dst(%arg7 : memref<512x16xf32, #tpu.memory_space<vmem>>)
    tpu.wait_dma2 semaphore(%arg9 : memref<!tpu.dma_semaphore, #tpu.memory_space<semaphore_mem>>) src(%arg3 : memref<512x16xf32, #tpu.memory_space<hbm>>) dst(%arg7 : memref<512x16xf32, #tpu.memory_space<vmem>>)
    tpu.wait_dma2 semaphore(%arg9 : memref<!tpu.dma_semaphore, #tpu.memory_space<semaphore_mem>>) src(%arg3 : memref<512x16xf32, #tpu.memory_space<hbm>>) dst(%arg7 : memref<512x16xf32, #tpu.memory_space<vmem>>)
    tpu.wait_dma2 semaphore(%arg9 : memref<!tpu.dma_semaphore, #tpu.memory_space<semaphore_mem>>) src(%arg3 : memref<512x16xf32, #tpu.memory_space<hbm>>) dst(%arg7 : memref<512x16xf32, #tpu.memory_space<vmem>>)
    tpu.wait_dma2 semaphore(%arg9 : memref<!tpu.dma_semaphore, #tpu.memory_space<semaphore_mem>>) src(%arg3 : memref<512x16xf32, #tpu.memory_space<hbm>>) dst(%arg7 : memref<512x16xf32, #tpu.memory_space<vmem>>)
    tpu.wait_dma2 semaphore(%arg9 : memref<!tpu.dma_semaphore, #tpu.memory_space<semaphore_mem>>) src(%arg3 : memref<512x16xf32, #tpu.memory_space<hbm>>) dst(%arg7 : memref<512x16xf32, #tpu.memory_space<vmem>>)
    tpu.wait_dma2 semaphore(%arg9 : memref<!tpu.dma_semaphore, #tpu.memory_space<semaphore_mem>>) src(%arg3 : memref<512x16xf32, #tpu.memory_space<hbm>>) dst(%arg7 : memref<512x16xf32, #tpu.memory_space<vmem>>)
    tpu.wait_dma2 semaphore(%arg9 : memref<!tpu.dma_semaphore, #tpu.memory_space<semaphore_mem>>) src(%arg3 : memref<512x16xf32, #tpu.memory_space<hbm>>) dst(%arg7 : memref<512x16xf32, #tpu.memory_space<vmem>>)
    tpu.wait_dma2 semaphore(%arg9 : memref<!tpu.dma_semaphore, #tpu.memory_space<semaphore_mem>>) src(%arg3 : memref<512x16xf32, #tpu.memory_space<hbm>>) dst(%arg7 : memref<512x16xf32, #tpu.memory_space<vmem>>)
    tpu.wait_dma2 semaphore(%arg9 : memref<!tpu.dma_semaphore, #tpu.memory_space<semaphore_mem>>) src(%arg3 : memref<512x16xf32, #tpu.memory_space<hbm>>) dst(%arg7 : memref<512x16xf32, #tpu.memory_space<vmem>>)
    tpu.wait_dma2 semaphore(%arg9 : memref<!tpu.dma_semaphore, #tpu.memory_space<semaphore_mem>>) src(%arg3 : memref<512x16xf32, #tpu.memory_space<hbm>>) dst(%arg7 : memref<512x16xf32, #tpu.memory_space<vmem>>)
    tpu.wait_dma2 semaphore(%arg9 : memref<!tpu.dma_semaphore, #tpu.memory_space<semaphore_mem>>) src(%arg3 : memref<512x16xf32, #tpu.memory_space<hbm>>) dst(%arg7 : memref<512x16xf32, #tpu.memory_space<vmem>>)
    tpu.wait_dma2 semaphore(%arg9 : memref<!tpu.dma_semaphore, #tpu.memory_space<semaphore_mem>>) src(%arg3 : memref<512x16xf32, #tpu.memory_space<hbm>>) dst(%arg7 : memref<512x16xf32, #tpu.memory_space<vmem>>)
    tpu.wait_dma2 semaphore(%arg9 : memref<!tpu.dma_semaphore, #tpu.memory_space<semaphore_mem>>) src(%arg3 : memref<512x16xf32, #tpu.memory_space<hbm>>) dst(%arg7 : memref<512x16xf32, #tpu.memory_space<vmem>>)
    tpu.wait_dma2 semaphore(%arg9 : memref<!tpu.dma_semaphore, #tpu.memory_space<semaphore_mem>>) src(%arg3 : memref<512x16xf32, #tpu.memory_space<hbm>>) dst(%arg7 : memref<512x16xf32, #tpu.memory_space<vmem>>)
    tpu.wait_dma2 semaphore(%arg9 : memref<!tpu.dma_semaphore, #tpu.memory_space<semaphore_mem>>) src(%arg3 : memref<512x16xf32, #tpu.memory_space<hbm>>) dst(%arg7 : memref<512x16xf32, #tpu.memory_space<vmem>>)
    tpu.wait_dma2 semaphore(%arg9 : memref<!tpu.dma_semaphore, #tpu.memory_space<semaphore_mem>>) src(%arg3 : memref<512x16xf32, #tpu.memory_space<hbm>>) dst(%arg7 : memref<512x16xf32, #tpu.memory_space<vmem>>)
    tpu.wait_dma2 semaphore(%arg9 : memref<!tpu.dma_semaphore, #tpu.memory_space<semaphore_mem>>) src(%arg3 : memref<512x16xf32, #tpu.memory_space<hbm>>) dst(%arg7 : memref<512x16xf32, #tpu.memory_space<vmem>>)
    tpu.wait_dma2 semaphore(%arg9 : memref<!tpu.dma_semaphore, #tpu.memory_space<semaphore_mem>>) src(%arg3 : memref<512x16xf32, #tpu.memory_space<hbm>>) dst(%arg7 : memref<512x16xf32, #tpu.memory_space<vmem>>)
    tpu.wait_dma2 semaphore(%arg9 : memref<!tpu.dma_semaphore, #tpu.memory_space<semaphore_mem>>) src(%arg3 : memref<512x16xf32, #tpu.memory_space<hbm>>) dst(%arg7 : memref<512x16xf32, #tpu.memory_space<vmem>>)
    tpu.wait_dma2 semaphore(%arg9 : memref<!tpu.dma_semaphore, #tpu.memory_space<semaphore_mem>>) src(%arg3 : memref<512x16xf32, #tpu.memory_space<hbm>>) dst(%arg7 : memref<512x16xf32, #tpu.memory_space<vmem>>)
    tpu.wait_dma2 semaphore(%arg9 : memref<!tpu.dma_semaphore, #tpu.memory_space<semaphore_mem>>) src(%arg3 : memref<512x16xf32, #tpu.memory_space<hbm>>) dst(%arg7 : memref<512x16xf32, #tpu.memory_space<vmem>>)
    tpu.wait_dma2 semaphore(%arg9 : memref<!tpu.dma_semaphore, #tpu.memory_space<semaphore_mem>>) src(%arg3 : memref<512x16xf32, #tpu.memory_space<hbm>>) dst(%arg7 : memref<512x16xf32, #tpu.memory_space<vmem>>)
    tpu.wait_dma2 semaphore(%arg9 : memref<!tpu.dma_semaphore, #tpu.memory_space<semaphore_mem>>) src(%arg3 : memref<512x16xf32, #tpu.memory_space<hbm>>) dst(%arg7 : memref<512x16xf32, #tpu.memory_space<vmem>>)
    tpu.wait_dma2 semaphore(%arg9 : memref<!tpu.dma_semaphore, #tpu.memory_space<semaphore_mem>>) src(%arg3 : memref<512x16xf32, #tpu.memory_space<hbm>>) dst(%arg7 : memref<512x16xf32, #tpu.memory_space<vmem>>)
    tpu.wait_dma2 semaphore(%arg9 : memref<!tpu.dma_semaphore, #tpu.memory_space<semaphore_mem>>) src(%arg3 : memref<512x16xf32, #tpu.memory_space<hbm>>) dst(%arg7 : memref<512x16xf32, #tpu.memory_space<vmem>>)
    tpu.wait_dma2 semaphore(%arg9 : memref<!tpu.dma_semaphore, #tpu.memory_space<semaphore_mem>>) src(%arg3 : memref<512x16xf32, #tpu.memory_space<hbm>>) dst(%arg7 : memref<512x16xf32, #tpu.memory_space<vmem>>)
    %lt3A_19 = arith.constant 8 : i32
    %lt3A_20 = arith.cmpi slt, %add3A, %lt3A_19 : i32
    %convert_element_type3A_21 = arith.extui %lt3A_20 : i1 to i32
    %cond3A_22 = arith.constant 0 : i32
    %cond3A_23 = arith.cmpi ne, %convert_element_type3A_21, %cond3A_22 : i32
    scf.if %cond3A_23 {
      %dma_wait3A = arith.constant 156 : i32
      %dma_wait3A_29 = arith.constant 0 : i32
      %dma_wait3A_30 = arith.constant 0 : i32
      %dma_wait3A_31 = tpu.memref_slice %arg7[%dma_wait3A_29, %dma_wait3A_30] : memref<512x16xf32, #tpu.memory_space<vmem>> -> memref<128x16xf32, #tpu.memory_space<vmem>>
      %dma_wait3A_32 = arith.constant 0 : i32
      %dma_wait3A_33 = tpu.memref_slice %arg6[%dma_wait3A, %dma_wait3A_32] : memref<157x128xi32, #tpu.memory_space<vmem>> -> memref<1x128xi32, #tpu.memory_space<vmem>>
      %dma_wait3A_34 = tpu.memref_squeeze %dma_wait3A_33 : memref<1x128xi32, #tpu.memory_space<vmem>> -> memref<128xi32, #tpu.memory_space<vmem>>
      %dma_wait3A_35 = arith.constant 0 : i32
      %dma_wait3A_36 = arith.constant 0 : i32
      %dma_wait3A_37 = tpu.memref_slice %arg8[%dma_wait3A_35, %dma_wait3A_36] : memref<10016x16xf32, #tpu.memory_space<vmem_shared>> -> memref<10016x16xf32, #tpu.memory_space<vmem_shared>>
      tpu.wait_indirect_dma semaphore(%arg9 : memref<!tpu.dma_semaphore, #tpu.memory_space<semaphore_mem>>) src(%dma_wait3A_31 : memref<128x16xf32, #tpu.memory_space<vmem>>) dst(%dma_wait3A_37 : memref<10016x16xf32, #tpu.memory_space<vmem_shared>>)
    } else {
    }
    %barrier3A_24 = arith.constant 0 : index
    tpu.barrier barrier_id(%barrier3A_24)
    %mul3A_25 = arith.constant 625 : i32
    %mul3A_26 = arith.muli %arg1, %mul3A_25 : i32
    %mul3A_27 = arith.constant 625 : i32
    %mul3A_28 = arith.muli %arg1, %mul3A_27 : i32
    "tpu.region"() ({
      %run_scoped3A_29 = tpu.sem_alloc : memref<!tpu.dma_semaphore, #tpu.memory_space<semaphore_mem>>
      %dma_start3A = arith.constant 0 : i32
      %dma_start3A_30 = tpu.memref_slice %arg5[%arg0, %mul3A_28, %dma_start3A] : memref<2x10000x16xf32, #tpu.memory_space<hbm>> -> memref<1x625x16xf32, #tpu.memory_space<hbm>>
      %dma_start3A_31 = tpu.memref_squeeze %dma_start3A_30 : memref<1x625x16xf32, #tpu.memory_space<hbm>> -> memref<625x16xf32, #tpu.memory_space<hbm>>
      %dma_start3A_32 = arith.constant 0 : i32
      %dma_start3A_33 = tpu.memref_slice %arg8[%mul3A_26, %dma_start3A_32] : memref<10016x16xf32, #tpu.memory_space<vmem_shared>> -> memref<625x16xf32, #tpu.memory_space<vmem_shared>>
      tpu.enqueue_dma source(%dma_start3A_33 : memref<625x16xf32, #tpu.memory_space<vmem_shared>>) target(%dma_start3A_31 : memref<625x16xf32, #tpu.memory_space<hbm>>) target_semaphore(%run_scoped3A_29 : memref<!tpu.dma_semaphore, #tpu.memory_space<semaphore_mem>>)
      %dma_wait3A = arith.constant 0 : i32
      %dma_wait3A_34 = tpu.memref_slice %arg5[%arg0, %mul3A_28, %dma_wait3A] : memref<2x10000x16xf32, #tpu.memory_space<hbm>> -> memref<1x625x16xf32, #tpu.memory_space<hbm>>
      %dma_wait3A_35 = tpu.memref_squeeze %dma_wait3A_34 : memref<1x625x16xf32, #tpu.memory_space<hbm>> -> memref<625x16xf32, #tpu.memory_space<hbm>>
      %dma_wait3A_36 = arith.constant 0 : i32
      %dma_wait3A_37 = tpu.memref_slice %arg8[%mul3A_26, %dma_wait3A_36] : memref<10016x16xf32, #tpu.memory_space<vmem_shared>> -> memref<625x16xf32, #tpu.memory_space<vmem_shared>>
      tpu.wait_dma2 semaphore(%run_scoped3A_29 : memref<!tpu.dma_semaphore, #tpu.memory_space<semaphore_mem>>) src(%dma_wait3A_37 : memref<625x16xf32, #tpu.memory_space<vmem_shared>>) dst(%dma_wait3A_35 : memref<625x16xf32, #tpu.memory_space<hbm>>)
      tpu.yield
    }) : () -> ()
    return
  }
}

module attributes {stable_mosaic.version = 14 : i64} {
  func.func @_tc_project1(%arg0: memref<10000x121xf32, #tpu.memory_space<vmem>>, %arg1: memref<121x16xf32, #tpu.memory_space<vmem>>, %arg2: memref<10000x16xf32, #tpu.memory_space<vmem>>) attributes {dimension_semantics = [], scalar_prefetch = 0 : i64, scratch_operands = 0 : i64, tpu.core_type = #tpu.core_type<tc>} {
    %get3A = arith.constant 0 : index
    %get3A_0 = arith.constant 0 : index
    %get3A_1 = vector.load %arg0[%get3A, %get3A_0] : memref<10000x121xf32, #tpu.memory_space<vmem>>, vector<10000x121xf32>
    %get3A_2 = arith.constant 0 : index
    %get3A_3 = arith.constant 0 : index
    %get3A_4 = vector.load %arg1[%get3A_2, %get3A_3] : memref<121x16xf32, #tpu.memory_space<vmem>>, vector<121x16xf32>
    %dot_general3A = arith.constant dense<0.000000e+00> : vector<10000x16xf32>
    %dot_general3A_5 = tpu.matmul %get3A_1, %get3A_4, %dot_general3A {dimension_numbers = #tpu.dot_dimension_numbers<[1], [0], [0], [1], [0, 0, 1, 1], [], []>, transpose_lhs_hint = false} : vector<10000x121xf32>, vector<121x16xf32>, vector<10000x16xf32> -> vector<10000x16xf32>
    %swap3A = arith.constant 0 : index
    %swap3A_6 = arith.constant 0 : index
    %swap3A_7 = vector.load %arg2[%swap3A, %swap3A_6] : memref<10000x16xf32, #tpu.memory_space<vmem>>, vector<10000x16xf32>
    tpu.vector_store %arg2[%swap3A, %swap3A_6], %dot_general3A_5 {strides = array<i32>} : memref<10000x16xf32, #tpu.memory_space<vmem>>, vector<10000x16xf32>,
    return
  }
}

module attributes {stable_mosaic.version = 14 : i64} {
  func.func @_tc_scale1(%arg0: memref<2x10000x16xf32, #tpu.memory_space<vmem>>, %arg1: memref<10000x16xf32, #tpu.memory_space<vmem>>, %arg2: memref<10000x1xf32, #tpu.memory_space<vmem>>, %arg3: memref<10000x16xf32, #tpu.memory_space<vmem>>) attributes {dimension_semantics = [], scalar_prefetch = 0 : i64, scratch_operands = 0 : i64, tpu.core_type = #tpu.core_type<tc>} {
    %get3A = arith.constant 0 : index
    %get3A_0 = arith.constant 0 : index
    %get3A_1 = arith.constant 0 : index
    %get3A_2 = vector.load %arg0[%get3A, %get3A_0, %get3A_1] : memref<2x10000x16xf32, #tpu.memory_space<vmem>>, vector<1x10000x1xf32>
    %get3A_3 = vector.shape_cast %get3A_2 : vector<1x10000x1xf32> to vector<10000x1xf32>
    %get3A_4 = arith.constant 1 : index
    %get3A_5 = arith.constant 0 : index
    %get3A_6 = arith.constant 0 : index
    %get3A_7 = vector.load %arg0[%get3A_4, %get3A_5, %get3A_6] : memref<2x10000x16xf32, #tpu.memory_space<vmem>>, vector<1x10000x1xf32>
    %get3A_8 = vector.shape_cast %get3A_7 : vector<1x10000x1xf32> to vector<10000x1xf32>
    %add3A = arith.addf %get3A_3, %get3A_8 : vector<10000x1xf32>
    %add3A_9 = arith.constant 1.000000e+00 : f32
    %add3A_10 = vector.broadcast %add3A_9 : f32 to vector<10000x1xf32>
    %add3A_11 = arith.addf %add3A, %add3A_10 : vector<10000x1xf32>
    %rsqrt3A = math.rsqrt %add3A_11 : vector<10000x1xf32>
    %swap3A = arith.constant 0 : index
    %swap3A_12 = arith.constant 0 : index
    %swap3A_13 = vector.load %arg2[%swap3A, %swap3A_12] : memref<10000x1xf32, #tpu.memory_space<vmem>>, vector<10000x1xf32>
    tpu.vector_store %arg2[%swap3A, %swap3A_12], %rsqrt3A {strides = array<i32>} : memref<10000x1xf32, #tpu.memory_space<vmem>>, vector<10000x1xf32>,
    %get3A_14 = arith.constant 0 : index
    %get3A_15 = arith.constant 0 : index
    %get3A_16 = vector.load %arg1[%get3A_14, %get3A_15] : memref<10000x16xf32, #tpu.memory_space<vmem>>, vector<10000x16xf32>
    %mul3A = vector.broadcast %rsqrt3A : vector<10000x1xf32> to vector<10000x16xf32>
    %mul3A_17 = arith.mulf %mul3A, %get3A_16 : vector<10000x16xf32>
    %swap3A_18 = arith.constant 0 : index
    %swap3A_19 = arith.constant 0 : index
    %swap3A_20 = vector.load %arg3[%swap3A_18, %swap3A_19] : memref<10000x16xf32, #tpu.memory_space<vmem>>, vector<10000x16xf32>
    tpu.vector_store %arg3[%swap3A_18, %swap3A_19], %mul3A_17 {strides = array<i32>} : memref<10000x16xf32, #tpu.memory_space<vmem>>, vector<10000x16xf32>,
    return
  }
}

module attributes {stable_mosaic.version = 14 : i64} {
  func.func @_tc_mid(%arg0: memref<2x10000x16xf32, #tpu.memory_space<vmem>>, %arg1: memref<10000x16xf32, #tpu.memory_space<vmem>>, %arg2: memref<10000x1xf32, #tpu.memory_space<vmem>>, %arg3: memref<1x16xf32, #tpu.memory_space<vmem>>, %arg4: memref<16x8xf32, #tpu.memory_space<vmem>>, %arg5: memref<10000x16xf32, #tpu.memory_space<vmem>>, %arg6: memref<10000x8xf32, #tpu.memory_space<vmem>>) attributes {dimension_semantics = [], scalar_prefetch = 0 : i64, scratch_operands = 0 : i64, tpu.core_type = #tpu.core_type<tc>} {
    %get3A = arith.constant 0 : index
    %get3A_0 = arith.constant 0 : index
    %get3A_1 = vector.load %arg2[%get3A, %get3A_0] : memref<10000x1xf32, #tpu.memory_space<vmem>>, vector<10000x1xf32>
    %get3A_2 = arith.constant 0 : index
    %get3A_3 = arith.constant 0 : index
    %get3A_4 = arith.constant 0 : index
    %get3A_5 = vector.load %arg0[%get3A_2, %get3A_3, %get3A_4] : memref<2x10000x16xf32, #tpu.memory_space<vmem>>, vector<1x10000x16xf32>
    %get3A_6 = vector.shape_cast %get3A_5 : vector<1x10000x16xf32> to vector<10000x16xf32>
    %get3A_7 = arith.constant 1 : index
    %get3A_8 = arith.constant 0 : index
    %get3A_9 = arith.constant 0 : index
    %get3A_10 = vector.load %arg0[%get3A_7, %get3A_8, %get3A_9] : memref<2x10000x16xf32, #tpu.memory_space<vmem>>, vector<1x10000x16xf32>
    %get3A_11 = vector.shape_cast %get3A_10 : vector<1x10000x16xf32> to vector<10000x16xf32>
    %add3A = arith.addf %get3A_6, %get3A_11 : vector<10000x16xf32>
    %mul3A = vector.broadcast %get3A_1 : vector<10000x1xf32> to vector<10000x16xf32>
    %mul3A_12 = arith.mulf %mul3A, %add3A : vector<10000x16xf32>
    %mul3A_13 = arith.mulf %get3A_1, %get3A_1 : vector<10000x1xf32>
    %get3A_14 = arith.constant 0 : index
    %get3A_15 = arith.constant 0 : index
    %get3A_16 = vector.load %arg1[%get3A_14, %get3A_15] : memref<10000x16xf32, #tpu.memory_space<vmem>>, vector<10000x16xf32>
    %mul3A_17 = vector.broadcast %mul3A_13 : vector<10000x1xf32> to vector<10000x16xf32>
    %mul3A_18 = arith.mulf %mul3A_17, %get3A_16 : vector<10000x16xf32>
    %add3A_19 = arith.addf %mul3A_12, %mul3A_18 : vector<10000x16xf32>
    %get3A_20 = arith.constant 0 : index
    %get3A_21 = arith.constant 0 : index
    %get3A_22 = vector.load %arg3[%get3A_20, %get3A_21] : memref<1x16xf32, #tpu.memory_space<vmem>>, vector<1x16xf32>
    %add3A_23 = vector.broadcast %get3A_22 : vector<1x16xf32> to vector<10000x16xf32>
    %add3A_24 = arith.addf %add3A_19, %add3A_23 : vector<10000x16xf32>
    %max3A = arith.constant 0.000000e+00 : f32
    %max3A_25 = vector.broadcast %max3A : f32 to vector<10000x16xf32>
    %max3A_26 = arith.maximumf %add3A_24, %max3A_25 : vector<10000x16xf32>
    %get3A_27 = arith.constant 0 : index
    %get3A_28 = arith.constant 0 : index
    %get3A_29 = vector.load %arg4[%get3A_27, %get3A_28] : memref<16x8xf32, #tpu.memory_space<vmem>>, vector<16x8xf32>
    %dot_general3A = arith.constant dense<0.000000e+00> : vector<10000x8xf32>
    %dot_general3A_30 = tpu.matmul %max3A_26, %get3A_29, %dot_general3A {dimension_numbers = #tpu.dot_dimension_numbers<[1], [0], [0], [1], [0, 0, 1, 1], [], []>, transpose_lhs_hint = false} : vector<10000x16xf32>, vector<16x8xf32>, vector<10000x8xf32> -> vector<10000x8xf32>
    %swap3A = arith.constant 0 : index
    %swap3A_31 = arith.constant 0 : index
    %swap3A_32 = vector.load %arg6[%swap3A, %swap3A_31] : memref<10000x8xf32, #tpu.memory_space<vmem>>, vector<10000x8xf32>
    tpu.vector_store %arg6[%swap3A, %swap3A_31], %dot_general3A_30 {strides = array<i32>} : memref<10000x8xf32, #tpu.memory_space<vmem>>, vector<10000x8xf32>,
    %mul3A_33 = vector.broadcast %get3A_1 : vector<10000x1xf32> to vector<10000x8xf32>
    %mul3A_34 = arith.mulf %mul3A_33, %dot_general3A_30 : vector<10000x8xf32>
    %broadcast_in_dim3A = arith.constant 0.000000e+00 : f32
    %broadcast_in_dim3A_35 = vector.broadcast %broadcast_in_dim3A : f32 to vector<10000x8xf32>
    %concatenate3A = tpu.concatenate %mul3A_34, %broadcast_in_dim3A_35 in 1 : vector<10000x8xf32>, vector<10000x8xf32> -> vector<10000x16xf32>
    %swap3A_36 = arith.constant 0 : index
    %swap3A_37 = arith.constant 0 : index
    %swap3A_38 = vector.load %arg5[%swap3A_36, %swap3A_37] : memref<10000x16xf32, #tpu.memory_space<vmem>>, vector<10000x16xf32>
    tpu.vector_store %arg5[%swap3A_36, %swap3A_37], %concatenate3A {strides = array<i32>} : memref<10000x16xf32, #tpu.memory_space<vmem>>, vector<10000x16xf32>,
    return
  }
}

module attributes {stable_mosaic.version = 14 : i64} {
  func.func @_tc_tail(%arg0: memref<2x10000x16xf32, #tpu.memory_space<vmem>>, %arg1: memref<10000x8xf32, #tpu.memory_space<vmem>>, %arg2: memref<10000x1xf32, #tpu.memory_space<vmem>>, %arg3: memref<1x8xf32, #tpu.memory_space<vmem>>, %arg4: memref<1x10000xi32, #tpu.memory_space<vmem>>, %arg5: memref<10000x1xf32, #tpu.memory_space<vmem>>, %arg6: memref<8x1xf32, #tpu.memory_space<vmem>>, %arg7: memref<1x1xf32, #tpu.memory_space<vmem>>, %arg8: memref<64x1xf32, #tpu.memory_space<vmem>>) attributes {dimension_semantics = [], scalar_prefetch = 0 : i64, scratch_operands = 0 : i64, tpu.core_type = #tpu.core_type<tc>} {
    %get3A = arith.constant 0 : index
    %get3A_0 = arith.constant 0 : index
    %get3A_1 = vector.load %arg2[%get3A, %get3A_0] : memref<10000x1xf32, #tpu.memory_space<vmem>>, vector<10000x1xf32>
    %get3A_2 = arith.constant 0 : index
    %get3A_3 = arith.constant 0 : index
    %get3A_4 = arith.constant 0 : index
    %get3A_5 = vector.load %arg0[%get3A_2, %get3A_3, %get3A_4] : memref<2x10000x16xf32, #tpu.memory_space<vmem>>, vector<1x10000x16xf32>
    %get3A_6 = vector.shape_cast %get3A_5 : vector<1x10000x16xf32> to vector<10000x16xf32>
    %get3A_7 = arith.constant 1 : index
    %get3A_8 = arith.constant 0 : index
    %get3A_9 = arith.constant 0 : index
    %get3A_10 = vector.load %arg0[%get3A_7, %get3A_8, %get3A_9] : memref<2x10000x16xf32, #tpu.memory_space<vmem>>, vector<1x10000x16xf32>
    %get3A_11 = vector.shape_cast %get3A_10 : vector<1x10000x16xf32> to vector<10000x16xf32>
    %add3A = arith.addf %get3A_6, %get3A_11 : vector<10000x16xf32>
    %slice3A = vector.extract_strided_slice %add3A {offsets = [0, 0], sizes = [10000, 8], strides = [1, 1]} : vector<10000x16xf32> to vector<10000x8xf32>
    %mul3A = vector.broadcast %get3A_1 : vector<10000x1xf32> to vector<10000x8xf32>
    %mul3A_12 = arith.mulf %mul3A, %slice3A : vector<10000x8xf32>
    %mul3A_13 = arith.mulf %get3A_1, %get3A_1 : vector<10000x1xf32>
    %get3A_14 = arith.constant 0 : index
    %get3A_15 = arith.constant 0 : index
    %get3A_16 = vector.load %arg1[%get3A_14, %get3A_15] : memref<10000x8xf32, #tpu.memory_space<vmem>>, vector<10000x8xf32>
    %mul3A_17 = vector.broadcast %mul3A_13 : vector<10000x1xf32> to vector<10000x8xf32>
    %mul3A_18 = arith.mulf %mul3A_17, %get3A_16 : vector<10000x8xf32>
    %add3A_19 = arith.addf %mul3A_12, %mul3A_18 : vector<10000x8xf32>
    %get3A_20 = arith.constant 0 : index
    %get3A_21 = arith.constant 0 : index
    %get3A_22 = vector.load %arg3[%get3A_20, %get3A_21] : memref<1x8xf32, #tpu.memory_space<vmem>>, vector<1x8xf32>
    %add3A_23 = vector.broadcast %get3A_22 : vector<1x8xf32> to vector<10000x8xf32>
    %add3A_24 = arith.addf %add3A_19, %add3A_23 : vector<10000x8xf32>
    %max3A = arith.constant 0.000000e+00 : f32
    %max3A_25 = vector.broadcast %max3A : f32 to vector<10000x8xf32>
    %max3A_26 = arith.maximumf %add3A_24, %max3A_25 : vector<10000x8xf32>
    %iota3A = tpu.iota {dimensions = array<i32: 0>} : vector<64x10000xi32>
    %get3A_27 = arith.constant 0 : index
    %get3A_28 = arith.constant 0 : index
    %get3A_29 = vector.load %arg4[%get3A_27, %get3A_28] : memref<1x10000xi32, #tpu.memory_space<vmem>>, vector<1x10000xi32>
    %eq3A = vector.broadcast %get3A_29 : vector<1x10000xi32> to vector<64x10000xi32>
    %eq3A_30 = arith.cmpi eq, %iota3A, %eq3A : vector<64x10000xi32>
    %convert_element_type3A = arith.extui %eq3A_30 : vector<64x10000xi1> to vector<64x10000xi32>
    %convert_element_type3A_31 = arith.sitofp %convert_element_type3A : vector<64x10000xi32> to vector<64x10000xf32>
    %dot_general3A = arith.constant dense<0.000000e+00> : vector<64x8xf32>
    %dot_general3A_32 = tpu.matmul %convert_element_type3A_31, %max3A_26, %dot_general3A {dimension_numbers = #tpu.dot_dimension_numbers<[1], [0], [0], [1], [0, 0, 1, 1], [], []>, transpose_lhs_hint = false} : vector<64x10000xf32>, vector<10000x8xf32>, vector<64x8xf32> -> vector<64x8xf32>
    %get3A_33 = arith.constant 0 : index
    %get3A_34 = arith.constant 0 : index
    %get3A_35 = vector.load %arg5[%get3A_33, %get3A_34] : memref<10000x1xf32, #tpu.memory_space<vmem>>, vector<10000x1xf32>
    %dot_general3A_36 = arith.constant dense<0.000000e+00> : vector<64x1xf32>
    %dot_general3A_37 = tpu.matmul %convert_element_type3A_31, %get3A_35, %dot_general3A_36 {dimension_numbers = #tpu.dot_dimension_numbers<[1], [0], [0], [1], [0, 0, 1, 1], [], []>, transpose_lhs_hint = false} : vector<64x10000xf32>, vector<10000x1xf32>, vector<64x1xf32> -> vector<64x1xf32>
    %max3A_38 = arith.constant 1.000000e+00 : f32
    %max3A_39 = vector.broadcast %max3A_38 : f32 to vector<64x1xf32>
    %max3A_40 = arith.maximumf %dot_general3A_37, %max3A_39 : vector<64x1xf32>
    %div3A = vector.broadcast %max3A_40 : vector<64x1xf32> to vector<64x8xf32>
    %div3A_41 = arith.divf %dot_general3A_32, %div3A : vector<64x8xf32>
    %get3A_42 = arith.constant 0 : index
    %get3A_43 = arith.constant 0 : index
    %get3A_44 = vector.load %arg6[%get3A_42, %get3A_43] : memref<8x1xf32, #tpu.memory_space<vmem>>, vector<8x1xf32>
    %dot_general3A_45 = arith.constant dense<0.000000e+00> : vector<64x1xf32>
    %dot_general3A_46 = tpu.matmul %div3A_41, %get3A_44, %dot_general3A_45 {dimension_numbers = #tpu.dot_dimension_numbers<[1], [0], [0], [1], [0, 0, 1, 1], [], []>, transpose_lhs_hint = false} : vector<64x8xf32>, vector<8x1xf32>, vector<64x1xf32> -> vector<64x1xf32>
    %get3A_47 = arith.constant 0 : index
    %get3A_48 = arith.constant 0 : index
    %get3A_49 = vector.load %arg7[%get3A_47, %get3A_48] : memref<1x1xf32, #tpu.memory_space<vmem>>, vector<1x1xf32>
    %add3A_50 = vector.broadcast %get3A_49 : vector<1x1xf32> to vector<64x1xf32>
    %add3A_51 = arith.addf %dot_general3A_46, %add3A_50 : vector<64x1xf32>
    %swap3A = arith.constant 0 : index
    %swap3A_52 = arith.constant 0 : index
    %swap3A_53 = vector.load %arg8[%swap3A, %swap3A_52] : memref<64x1xf32, #tpu.memory_space<vmem>>, vector<64x1xf32>
    tpu.vector_store %arg8[%swap3A, %swap3A_52], %add3A_51 {strides = array<i32>} : memref<64x1xf32, #tpu.memory_space<vmem>>, vector<64x1xf32>,
    return
  }
}

</mosaic_0001>

<sc_bundles>
// kernel: kernel.12.cloned.1.call-start
scs
__scs_entry_jumppad:
0x0: {  	(pc) =	sbr.rel $0x88, $3  }
0x1: {  	(tag) =	ssettag $0x0;
	lr =	simm.s32 $0x1  }
0x2: {  	[smem:$0x3F98] =	sst lr;
	_ =	strace $0xD0000000  }
0x3: {  	_ = 	snop  }
0x4: {  	_ = 	snop  }
0x5: {  	_ = 	snop  }
0x6: {  	_ = 	snop  }
0x7: {  	_ = 	snop  }
__scs_overlays_trampoline_lowered:
0x8: {  	[smem:$0x3FA7] =	sst s0  }
0x9: {  	[smem:$0x3FA8] =	sst s1  }
0xa: {  	[smem:$0x3FA9] =	sst s2  }
0xb: {  	[smem:$0x3FAA] =	sst s3  }
0xc: {  	[smem:$0x3FAB] =	sst s4  }
0xd: {  	[smem:$0x3FAC] =	sst s5  }
0xe: {  	[smem:$0x3FAD] =	sst s6  }
0xf: {  	[smem:$0x3FAE] =	sst s7  }
0x10: {  	[smem:$0x3FAF] =	sst s8  }
0x11: {  	[smem:$0x3FB0] =	sst s9;
	s0 =	simm.s32 @!p0 $0x0  }
0x12: {  	s1 =	sld [smem:$0x3F96];
	s0 =	simm.s32 @p0 $0x1  }
0x13: {  	[smem:$0x3FB1] =	sst s0;
	s0 =	simm.s32 @!p1 $0x0  }
0x14: {  	s2 =	sld [smem:$0x3F95];
	s0 =	simm.s32 @p1 $0x1  }
0x15: {  	[smem:$0x3FB2] =	sst s0;
	s0 =	simm.s32 @!p2 $0x0  }
0x16: {  	s3 =	sld [smem:$0x3FDB];
	s0 =	simm.s32 @p2 $0x1  }
0x17: {  	s4 =	simm.s32 $0x1BF5;
	[smem:$0x3FB4] =	sst s0  }
0x18: {  	s0 =	sld [smem:$0x3F97];
	_ =	swait.ge [sflag:s4], $0x0  }
0x19: {  	s7 =	sld [smem:$0x3F98]  }
0x1a: {  	s8 =	sadd.s32 $0xFFFFE003, lr  }
0x1b: {  	s9 =	sadd.s32 $0xFFFFFEF7, lr;
	s5 =	simm.s32 $0xFFFFFFFF;
	p2 =	slt.u32 s8, $0xFFFFF086  }
0x1c: {  	p1 =	slt.u32 s9, $0xF7A;
	s5 =	simm.s32 @!p2 $0x0  }
0x1d: {  	s5 =	simm.s32 @p1 $0x1;
	p0 =	seq.s32 s7, s2  }
0x1e: {  	s7 =	smul.u32 @!p0 $0xF7A, s2;
	p2 =	seq.s32 @!p0 s5, $0x0  }
0x1f: {  	s9 =	smul.u32 $0xF7A, s1;
	s8 =	simm.s32 @!p0 $0x1BF5;
	p2 =	por !p2, p0  }
0x20: {  	[sflag:s8] =	ssyncset.s32 @!p0 $0xFFFFF086;
	s6 =	sadd.s32 @!p0 s3, s7;
	s7 =	simm.s32 @!p0 $0x108  }
0x21: {  	s3 =	sadd.s32 s3, s9;
	s6 =	sadd.s32 @!p0 $0x88, s6;
	s7 =	simm.s32 @p2 $0x1082  }
0x22: {  	[simem:s7], [sflag:s8] =	dma.local @!p0 [hbm:s6], $0xF7A  }
0x23: {  	s9 =	sor.u32 $0xD0000000, s2;
	s6 =	simm.s32 $0x108;
	_ =	swait.ge @!p0 [sflag:s8], $0x0  }
0x24: {  	s3 =	sadd.s32 $0x88, s3;
	s6 =	simm.s32 @!p1 $0x1082;
	[sflag:s4] =	ssyncset.s32 $0xFFFFF086  }
0x25: {  	[simem:s6], [sflag:s4] =	dma.local [hbm:s3], $0xF7A  }
0x26: {  	[smem:$0x3F98] =	sst s1;
	(tag) =	ssettag s2;
	_ =	strace s9  }
0x27: {  	s1 =	sld [smem:$0x3FA8]  }
0x28: {  	s2 =	sld [smem:$0x3FA9]  }
0x29: {  	s4 =	sld [smem:$0x3FAB]  }
0x2a: {  	p0 =	seq.s32 s5, $0x0;
	s5 =	sld [smem:$0x3FAC]  }
0x2b: {  	s6 =	sld [smem:$0x3FAD]  }
0x2c: {  	s7 =	sld [smem:$0x3FAE]  }
0x2d: {  	s3 =	simm.s32 $0x108;
	s8 =	sld [smem:$0x3FAF]  }
0x2e: {  	s3 =	simm.s32 @!p0 $0x1082;
	s9 =	sld [smem:$0x3FB0]  }
0x2f: {  	lr =	sadd.s32 s0, s3;
	s0 =	sld [smem:$0x3FA7]  }
0x30: {  	s3 =	sld [smem:$0x3FAA]  }
0x31: {  	[smem:$0x3FB3] =	sst s10  }
0x32: {  	s10 =	sld [smem:$0x3FB1];
	_ =	sdelay $0x3  }
0x33: {  	p0 =	seq.s32 s10, $0x1;
	s10 =	sld [smem:$0x3FB3];
	_ =	sdelay $0x3  }
0x34: {  	[smem:$0x3FB3] =	sst s10  }
0x35: {  	s10 =	sld [smem:$0x3FB2];
	_ =	sdelay $0x3  }
0x36: {  	p1 =	seq.s32 s10, $0x1;
	s10 =	sld [smem:$0x3FB3];
	_ =	sdelay $0x3  }
0x37: {  	[smem:$0x3FB3] =	sst s10  }
0x38: {  	s10 =	sld [smem:$0x3FB4]  }
0x39: {  	_ = 	snop;
	(pc) =	sbr.ind lr, $3  }
0x3a: {  	_ = 	snop  }
0x3b: {  	_ = 	snop  }
0x3c: {  	p2 =	seq.s32 s10, $0x1;
	s10 =	sld [smem:$0x3FB3]  }
0x3d: {  	_ =	shalt  }
0x3e: {  	_ =	shalt  }
0x3f: {  	_ =	shalt  }
0x40: {  	_ =	shalt  }
0x41: {  	_ =	shalt  }
0x42: {  	_ =	shalt  }
0x43: {  	_ =	shalt  }
0x44: {  	_ =	shalt  }
0x45: {  	_ =	shalt  }
0x46: {  	_ =	shalt  }
0x47: {  	_ =	shalt  }
0x48: {  	_ =	shalt  }
0x49: {  	_ =	shalt  }
0x4a: {  	_ =	shalt  }
0x4b: {  	_ =	shalt  }
0x4c: {  	_ =	shalt  }
0x4d: {  	_ =	shalt  }
0x4e: {  	_ =	shalt  }
0x4f: {  	_ =	shalt  }
0x50: {  	_ =	shalt  }
0x51: {  	_ =	shalt  }
0x52: {  	_ =	shalt  }
0x53: {  	_ =	shalt  }
0x54: {  	_ =	shalt  }
0x55: {  	_ =	shalt  }
0x56: {  	_ =	shalt  }
0x57: {  	_ =	shalt  }
0x58: {  	_ =	shalt  }
0x59: {  	_ =	shalt  }
0x5a: {  	_ =	shalt  }
0x5b: {  	_ =	shalt  }
0x5c: {  	_ =	shalt  }
0x5d: {  	_ =	shalt  }
0x5e: {  	_ =	shalt  }
0x5f: {  	_ =	shalt  }
0x60: {  	_ =	shalt  }
0x61: {  	_ =	shalt  }
0x62: {  	_ =	shalt  }
0x63: {  	_ =	shalt  }
0x64: {  	_ =	shalt  }
0x65: {  	_ =	shalt  }
0x66: {  	_ =	shalt  }
0x67: {  	_ =	shalt  }
0x68: {  	_ =	shalt  }
0x69: {  	_ =	shalt  }
0x6a: {  	_ =	shalt  }
0x6b: {  	_ =	shalt  }
0x6c: {  	_ =	shalt  }
0x6d: {  	_ =	shalt  }
0x6e: {  	_ =	shalt  }
0x6f: {  	_ =	shalt  }
0x70: {  	_ =	shalt  }
0x71: {  	_ =	shalt  }
0x72: {  	_ =	shalt  }
0x73: {  	_ =	shalt  }
0x74: {  	_ =	shalt  }
0x75: {  	_ =	shalt  }
0x76: {  	_ =	shalt  }
0x77: {  	_ =	shalt  }
0x78: {  	_ =	shalt  }
0x79: {  	_ =	shalt  }
0x7a: {  	_ =	shalt  }
0x7b: {  	_ =	shalt  }
0x7c: {  	_ =	shalt  }
0x7d: {  	_ =	shalt  }
0x7e: {  	_ =	shalt  }
0x7f: {  	_ =	shalt  }
0x80: {  	_ =	shalt  }
0x81: {  	_ =	shalt  }
0x82: {  	_ =	shalt  }
0x83: {  	_ =	shalt  }
0x84: {  	_ =	shalt  }
0x85: {  	_ =	shalt  }
0x86: {  	_ =	shalt  }
0x87: {  	_ =	shalt  }
.Lfunc_end0:
.L_simem_size_0:
called_computation.1_lowered:
.L_overlay_start_0:
0x88: {  	s2 =	sld [smem:$0x3FD9]  }
0x89: {  	s3 =	sld [smem:$0x3FFE];
	_ =	sdelay $0x1  }
0x8a: {  	s1 =	srdreg.scid  }
0x8b: {  	s0 =	sand.u32 $0x1, s1  }
0x8c: {  	s16 =	sshll.u32 s0, $0xA;
	s2 =	sadd.s32 s3, s2  }
0x8d: {  	s2 =	sadd.s32 s2, s16  }
0x8e: {  	[smem:$0x3FBF] =	sst s2  }
0x8f: {  	_ = 	snop  }
0x90: {  	(tm) =	ssettm $0x1  }
0x91: {  	s17 =	sld [smem:$0x3FFB];
	_ =	sdelay $0x3  }
0x92: {  	_ =	strace s17  }
0x93: {  	s2 =	sld [smem:$0x3FFC];
	_ =	sdelay $0x3  }
0x94: {  	_ =	strace s2  }
0x95: {  	s2 =	sld [smem:$0x3FFD];
	_ =	sdelay $0x3  }
0x96: {  	_ =	strace s2  }
0x97: {  	_ =	strace $0x8FFFFFFF  }
0x98: {  	s18 =	sld [smem:$0x3FDB];
	_ =	sdelay $0x1  }
0x99: {  	s19 =	simm.s32 $_scs_section_size  }
0x9a: {  	s4 =	simm.s32 $_size__tile_overlayer_lowered;
	s5 =	simm.s32 $_tile_overlayer_lowered  }
0x9b: {  	s22 =	simm.s32 $0x1BFF;
	s21 =	sshll.u32 s5, $0x1;
	s2 =	sadd.s32 s19, s18  }
0x9c: {  	s6 =	simm.s32 $0x0;
	s20 =	sshll.u32 s4, $0x1;
	s4 =	sadd.s32 s21, s2  }
0x9d: {  	[timem:s6], [sflag:s22] =	dma.local [hbm:s4], s20  }
0x9e: {  	_ =	swait.ge [sflag:s22], s20  }
0x9f: {  	s3 =	ssub.s32 $0x0, s20;
	[sflag:s22] =	ssyncset.done $0x0  }
0xa0: {  	[sflag:s22] =	ssyncadd.s32 s3;
	_ =	sdelay $0x1  }
0xa1: {  	s23 =	simm.s32 $0x1B8B  }
0xa2: {  	_ =	swait.ge [sflag:s23], $0x1  }
0xa3: {  	[sflag:s23] =	ssyncset.done $0x0  }
0xa4: {  	s25 =	simm.s32 $0x1B8E;
	s24 =	sld [smem:$0x3FFE];
	[sflag:s23] =	ssyncadd.s32 $0xFFFFFFFF  }
0xa5: {  	s26 =	simm.s32 $execute0_lowered;
	[smem:$0x3FD2] =	sst s25  }
0xa6: {  	s4 =	sshll.u32 s26, $0x1;
	_ =	strace $0x80000049;
	[dreg:$0x1] =	wrdreg $0xFFFFFFFF  }
0xa7: {  	s28 =	simm.s32 $_size_execute0_lowered;
	s2 =	sadd.s32 s2, s4;
	[dreg:$0x0] =	wrdreg $0x0  }
0xa8: {  	s4 =	sshll.u32 s28, $0x1;
	[dreg:$0x2] =	wrdreg s2  }
0xa9: {  	[dreg:$0x3] =	wrdreg s4  }
0xaa: {  	[dreg:$0x4] =	wrdreg $0xC0  }
0xab: {  	_ =	task [dreg:s6], $0x5FFFF  }
0xac: {  	[dreg:$0x1] =	wrdreg $0xFFFFFFFF  }
0xad: {  	[dreg:$0x0] =	wrdreg $0x60  }
0xae: {  	[dreg:$0x2] =	wrdreg s24  }
0xaf: {  	[dreg:$0x3] =	wrdreg $0xCD000  }
0xb0: {  	[dreg:$0x4] =	wrdreg $0xF4200  }
0xb1: {  	[dreg:$0x5] =	wrdreg $0x9  }
0xb2: {  	_ =	task.clear_ibuf [dreg:s6], $0x6FFFF;
	_ =	strace $0x90000049  }
0xb3: {  	s29 =	simm.s32 $0x9;
	_ =	strace $0x8000004B  }
0xb4: {  	_ =	swait.ge [sflag:s29], $0x1  }
0xb5: {  	[sflag:s29] =	ssyncadd.s32 $0xFFFFFFFF  }
0xb6: {  	_ =	strace $0x9000004B  }
0xb7: {  	_ =	sfence  }
0xb8: {  	s30 =	sld [smem:$0x0];
	_ =	sdelay $0x2  }
0xb9: {  	s31 =	sshll.u32 s1, $0xD;
	s1 =	sshrl.u32 s1, $0x2  }
0xba: {  	s3 =	sand.u32 $0x4000, s31;
	s1 =	sadd.s32 s1, s30  }
0xbb: {  	s0 =	sor.u32 s3, s0;
	s1 =	sshll.u32 s1, $0x11  }
0xbc: {  	s0 =	sor.u32 s1, s0  }
0xbd: {  	s0 =	sadd.s32 $0x8F2B, s0  }
0xbe: {  	[sflag:s0] =	ssyncadd.remote.s32 $0x1  }
0xbf: {  	_ =	sfence.sel $0xFFFF  }
0xc0: {  	[dreg:$0x0] =	wrdreg $0xFFFFFFFF;
	(pc) =	sbr.abs _section_cstart, $3  }
0xc1: {  	[dreg:$0x1] =	wrdreg $0xFFFFFFFF  }
0xc2: {  	_ =	task.clear_ibuf [dreg:s6], $0x2FFFF;
	_ =	strace $0x9FFFFFFF  }
0xc3: {  	(tm) =	ssettm $0x7FFFFFFF  }
tec
execute0_lowered:
.L_overlay_start_1:
0x0: {  	(tag) =	ssettag $0x1  }
0x1: {  	s0 =	rddreg [dreg:$0x0]  }
0x2: {  	s2 =	rddreg [dreg:$0x1]  }
0x3: {  	s3 =	rddreg [dreg:$0x2]  }
0x4: {  	s14 =	stileid.u32;
	s5 =	srdreg.scid;
	s4 =	simm.s32 $0x0  }
0x5: {  	s15 =	simm.s32 $0xD;
	s28 =	simm.s32 $0xBD00;
	s29 =	simm.s32 $0x2  }
0x6: {  	s30 =	simm.s32 $0xC500;
	s31 =	simm.s32 $0x3;
	s1 =	smul.u32 $0x2710, s14  }
0x7: {  	s6 =	smul.u32 $0x2720, s14;
	s5 =	sand.u32 $0x1, s5;
	[smem:$0x7FF] =	sst s4  }
0x8: {  	s10 =	sadd.s32 $0x2400, s0;
	s12 =	sshll.u32 s14, $0x1;
	s17 =	sshll.u32 s14, $0x6  }
0x9: {  	p0 =	sgt.u32 s14, $0x3;
	s8 =	smul.u32 $0x27100, s5;
	_ =	strace $0x8000004A  }
0xa: {  	s11 =	ssub.s32 $0x2, s5;
	s5 =	sor.u32 s5, s12;
	s7 =	sshrl.u32 s1, $0x3  }
0xb: {  	s9 =	sshrl.u32 s6, $0x3;
	s16 =	sshrl.u32 s11, $0x1;
	s12 =	smul.u32 $0x4E00, s5  }
0xc: {  	s13 =	sadd.s32 s6, s2;
	s6 =	sor.u32 $0x1C0D, s17;
	s19 =	sadd.s32 s1, s3  }
0xd: {  	s5 =	sshll.u32 s5, $0x4;
	s23 =	sadd.s32 s1, s2;
	s17 =	simm.s32 $0x7  }
0xe: {  	s7 =	sadd.s32 s7, s0;
	s9 =	sadd.s32 s9, s0;
	s8 =	sadd.s32 s1, s8  }
0xf: {  	s5 =	sadd.s32 s5, s10;
	s25 =	sshrl.u32 s13, $0x3;
	s26 =	sshrl.u32 s19, $0x3  }
0x10: {  	s19 =	simm.s32 $0x9D00;
	s1 =	simm.s32 $0x6;
	s8 =	sshrl.u32 s8, $0x3  }
0x11: {  	s18 =	sadd.s32 $0x29600, s9;
	s20 =	sshrl.u32 s12, $0x3;
	[dreg:$0xc] =	wrdreg s25  }
0x12: {  	s7 =	sadd.s32 $0x2E600, s7;
	s22 =	sadd.s32 $0x13800, s5;
	[dreg:$0xd] =	wrdreg s26  }
0x13: {  	s5 =	sadd.s32 $0x27080, s5;
	s26 =	simm.s32 $0x1;
	[dreg:$0x4] =	wrdreg s18  }
0x14: {  	s9 =	simm.s32 $0xC;
	s0 =	sadd.s32 s8, s0;
	[dreg:$0x5] =	wrdreg s7  }
0x15: {  	s8 =	ssub.s32 s11, s16;
	s21 =	sadd.s32 s10, s20;
	[dreg:$0x8] =	wrdreg s22  }
0x16: {  	[dreg:$0x9] =	wrdreg s5;
	s18 =	simm.s32 $0x80;
	s20 =	simm.s32 $0xA500  }
0x17: {  	s22 =	simm.s32 $0xAD00;
	[dreg:$0x6] =	wrdreg s21;
	s7 =	sadd.s32 $0x13880, s21  }
.Ltmp0:
0x18: {  	s0 =	sadd.s32 $0x33600, s0;
	[dreg:$0x7] =	wrdreg s7;
	(pc) =	sbr.rel .LBB2_1-.Ltmp0, $4  }
0x19: {  	s5 =	simm.s32 $0xA;
	s24 =	smax.u32 s8, $0x1;
	[dreg:$0xa] =	wrdreg s0  }
0x1a: {  	s10 =	simm.s32 $0x0;
	s21 =	simm.s32 $0x8;
	[dreg:$0xb] =	wrdreg s24  }
0x1b: {  	s24 =	simm.s32 $0xB500;
	s0 =	sshrl.u32 s23, $0x3;
	s23 =	simm.s32 $0x9  }
0x1c: {  	s7 =	simm.s32 $0xB;
	[dreg:$0xe] =	wrdreg s0;
	s0 =	simm.s32 $0x5  }
.LBB2_4:
0x1d: {  	_ =	swait.ge [sflag:s1], $0x800  }
0x1e: {  	[sflag:s1] =	ssyncset.done $0x0  }
0x1f: {  	[sflag:s1] =	ssyncadd.s32 $0xFFFFF800  }
0x20: {  	[spmem:s2] =	stream.indirect.scatter.add.f32 [tilespmem:s30], [sflag:$0xC], $0x10, s13, s18, $0xb8;
	[tilespmem:$0x11B40] =	vst v63  }
0x21: {  	_ =	swait.ge [sflag:s17], $0x800  }
0x22: {  	[sflag:s17] =	ssyncset.done $0x0  }
0x23: {  	[sflag:s17] =	ssyncadd.s32 $0xFFFFF800  }
0x24: {  	_ =	swait.ge [sflag:s21], $0x800  }
0x25: {  	[sflag:s21] =	ssyncset.done $0x0  }
0x26: {  	[sflag:s21] =	ssyncadd.s32 $0xFFFFF800  }
0x27: {  	_ =	swait.ge [sflag:s23], $0x800  }
0x28: {  	[sflag:s23] =	ssyncset.done $0x0  }
0x29: {  	[sflag:s23] =	ssyncadd.s32 $0xFFFFF800  }
0x2a: {  	_ =	swait.ge [sflag:s5], $0x800  }
0x2b: {  	[sflag:s5] =	ssyncset.done $0x0  }
0x2c: {  	[sflag:s5] =	ssyncadd.s32 $0xFFFFF800  }
0x2d: {  	_ =	swait.ge [sflag:s7], $0x800  }
0x2e: {  	[sflag:s7] =	ssyncset.done $0x0  }
0x2f: {  	[sflag:s7] =	ssyncadd.s32 $0xFFFFF800  }
0x30: {  	_ =	swait.ge [sflag:s9], $0x800  }
0x31: {  	s8 =	simm.s32 @!p0 $0x80;
	[sflag:s9] =	ssyncset.done $0x0  }
0x32: {  	s11 =	simm.s32 @!p0 $0x4E00;
	s12 =	simm.s32 @!p0 $0x9D00;
	[sflag:s9] =	ssyncadd.s32 $0xFFFFF800  }
0x33: {  	[tilespmem:s12], [sflag:$0x1] =	stream.indirect.gather @!p0 [spmem:s3], $0x10, s11, s8, $0xb8;
	[tilespmem:$0x11B40] =	vst v63  }
0x34: {  	s11 =	simm.s32 @!p0 $0x1  }
0x35: {  	_ =	swait.ge @!p0 [sflag:s11], $0x800  }
0x36: {  	[sflag:s11] =	ssyncset.done @!p0 $0x0  }
0x37: {  	[sflag:s11] =	ssyncadd.s32 @!p0 $0xFFFFF800;
	s11 =	simm.s32 @!p0 $0x9C80  }
0x38: {  	[spmem:s2] =	stream.indirect.scatter.add.f32 @!p0 [tilespmem:s12], [sflag:$0x7], $0x10, s11, s8, $0xb8;
	[tilespmem:$0x11B40] =	vst v63  }
0x39: {  	s8 =	simm.s32 @!p0 $0x7  }
0x3a: {  	_ =	swait.ge @!p0 [sflag:s8], $0x800  }
0x3b: {  	[sflag:s8] =	ssyncset.done @!p0 $0x0  }
0x3c: {  	[sflag:s8] =	ssyncadd.s32 @!p0 $0xFFFFF800  }
0x3d: {  	[bflag:$0x0] =	sbarrier.arrive $0xFFFF  }
0x3e: {  	s14 =	rddreg [dreg:$0xa]  }
0x3f: {  	s16 =	rddreg [dreg:$0xe]  }
0x40: {  	[hbm:s14], [sflag:s6] =	dma.local [spmem:s16], $0x4E2  }
0x41: {  	_ =	swait.ge [sflag:s15], $0x4E2  }
0x42: {  	s10 =	sadd.s32 $0x1, s10;
	s25 =	rddreg [dreg:$0xb]  }
0x43: {  	p1 =	sne.s32 s10, s25  }
.Ltmp1:
0x44: {  	_ = 	snop;
	(pc) =	sbr.rel @!p1 .LBB2_5-.Ltmp1, $3  }
0x45: {  	_ =	sdelay $0x1  }
0x46: {  	[sflag:s15] =	ssyncset.done $0x0  }
0x47: {  	[sflag:s15] =	ssyncadd.s32 $0xFFFFFB1E  }
.LBB2_1:
0x48: {  	s8 =	rddreg [dreg:$0x4]  }
0x49: {  	s11 =	rddreg [dreg:$0xc]  }
0x4a: {  	[spmem:s11], [sflag:s6] =	dma.local [hbm:s8], $0x4E4  }
0x4b: {  	_ =	swait.ge [sflag:s15], $0x4E4  }
0x4c: {  	[sflag:s15] =	ssyncset.done $0x0;
	s16 =	rddreg [dreg:$0x5]  }
0x4d: {  	s25 =	rddreg [dreg:$0xd];
	[sflag:s15] =	ssyncadd.s32 $0xFFFFFB1C  }
0x4e: {  	[spmem:s25], [sflag:s6] =	dma.local [hbm:s16], $0x4E2  }
0x4f: {  	_ =	swait.ge [sflag:s15], $0x4E2  }
0x50: {  	[sflag:s15] =	ssyncset.done $0x0  }
0x51: {  	s12 =	rddreg [dreg:$0x6];
	[sflag:s15] =	ssyncadd.s32 $0xFFFFFB1E  }
0x52: {  	[tilespmem:s4], [sflag:$0xD] =	stream.linear.gather [hbm4b:s12+s4], $0x4E00, $0x38;
	[tilespmem:$0x11B40] =	vst v63  }
0x53: {  	_ =	swait.ge [sflag:s15], $0x4E00  }
0x54: {  	[sflag:s15] =	ssyncset.done $0x0  }
0x55: {  	s14 =	simm.s32 $0x4E80;
	s13 =	rddreg [dreg:$0x7];
	[sflag:s15] =	ssyncadd.s32 $0xFFFFB200  }
0x56: {  	[tilespmem:s14], [sflag:$0xD] =	stream.linear.gather [hbm4b:s13+s4], $0x4E00, $0x38;
	[tilespmem:$0x11B40] =	vst v63  }
0x57: {  	_ =	swait.ge [sflag:s15], $0x4E00  }
0x58: {  	s8 =	simm.s32 @!p0 $0x0;
	[sflag:s15] =	ssyncset.done $0x0  }
0x59: {  	s11 =	simm.s32 @!p0 $0x4E00;
	s12 =	rddreg [dreg:$0x8];
	[sflag:s15] =	ssyncadd.s32 $0xFFFFB200  }
0x5a: {  	[tilespmem:s11], [sflag:$0xD] =	stream.linear.gather @!p0 [hbm4b:s12+s8], $0x80, $0x38;
	[tilespmem:$0x11B40] =	vst v63  }
0x5b: {  	s11 =	simm.s32 @!p0 $0xD  }
0x5c: {  	_ =	swait.ge @!p0 [sflag:s11], $0x80  }
0x5d: {  	[sflag:s11] =	ssyncset.done @!p0 $0x0  }
0x5e: {  	s12 =	simm.s32 @!p0 $0x9C80;
	s13 =	rddreg [dreg:$0x9];
	[sflag:s11] =	ssyncadd.s32 @!p0 $0xFFFFFF80  }
0x5f: {  	[tilespmem:s12], [sflag:$0xD] =	stream.linear.gather @!p0 [hbm4b:s13+s8], $0x80, $0x38;
	[tilespmem:$0x11B40] =	vst v63  }
0x60: {  	_ =	swait.ge @!p0 [sflag:s11], $0x80  }
0x61: {  	[sflag:s11] =	ssyncset.done @!p0 $0x0  }
0x62: {  	[sflag:s11] =	ssyncadd.s32 @!p0 $0xFFFFFF80  }
0x63: {  	[bflag:$0x0] =	sbarrier.arrive $0xFFFF  }
0x64: {  	[tilespmem:s19], [sflag:$0x1] =	stream.indirect.gather [spmem:s3], $0x10, s4, s18, $0xb8;
	[tilespmem:$0x11B40] =	vst v63  }
0x65: {  	_ = 	snop  }
0x66: {  	[tilespmem:s20], [sflag:$0x2] =	stream.indirect.gather [spmem:s3], $0x10, s18, s18, $0xb8;
	[tilespmem:$0x11B40] =	vst v63  }
0x67: {  	s16 =	simm.s32 $0x100  }
0x68: {  	[tilespmem:s22], [sflag:$0x3] =	stream.indirect.gather [spmem:s3], $0x10, s16, s18, $0xb8;
	[tilespmem:$0x11B40] =	vst v63  }
0x69: {  	s25 =	simm.s32 $0x180;
	s12 =	simm.s32 $0x0;
	s11 =	simm.s32 $0xFFFFFFFE  }
0x6a: {  	[tilespmem:s24], [sflag:$0x4] =	stream.indirect.gather [spmem:s3], $0x10, s25, s18, $0xb8;
	[tilespmem:$0x11B40] =	vst v63  }
.LBB2_2:
0x6b: {  	_ =	swait.ge [sflag:s26], $0x800  }
0x6c: {  	s8 =	sshra.s32 s12, $0x2;
	[sflag:s26] =	ssyncset.done $0x0  }
0x6d: {  	p1 =	sgt.u32 s11, $0x95;
	s13 =	sadd.s32 $0x4E80, s8;
	[sflag:s26] =	ssyncadd.s32 $0xFFFFF800  }
0x6e: {  	[spmem:s2] =	stream.indirect.scatter.add.f32 [tilespmem:s19], [sflag:$0x7], $0x10, s13, s18, $0xb8;
	[tilespmem:$0x11B40] =	vst v63  }
0x6f: {  	s13 =	simm.s32 @!p1 $0xB  }
0x70: {  	_ =	swait.ge @!p1 [sflag:s13], $0x800  }
0x71: {  	[sflag:s13] =	ssyncset.done @!p1 $0x0  }
0x72: {  	s16 =	sadd.s32 $0x200, s8;
	[sflag:s13] =	ssyncadd.s32 @!p1 $0xFFFFF800  }
0x73: {  	[tilespmem:s28], [sflag:$0x5] =	stream.indirect.gather [spmem:s3], $0x10, s16, s18, $0xb8;
	[tilespmem:$0x11B40] =	vst v63  }
0x74: {  	_ =	swait.ge [sflag:s29], $0x800  }
0x75: {  	[sflag:s29] =	ssyncset.done $0x0  }
0x76: {  	s25 =	sadd.s32 $0x4F00, s8;
	s13 =	simm.s32 @!p1 $0xC;
	[sflag:s29] =	ssyncadd.s32 $0xFFFFF800  }
0x77: {  	[spmem:s2] =	stream.indirect.scatter.add.f32 [tilespmem:s20], [sflag:$0x8], $0x10, s25, s18, $0xb8;
	[tilespmem:$0x11B40] =	vst v63  }
0x78: {  	_ =	swait.ge @!p1 [sflag:s13], $0x800  }
0x79: {  	[sflag:s13] =	ssyncset.done @!p1 $0x0  }
0x7a: {  	s14 =	sadd.s32 $0x280, s8;
	[sflag:s13] =	ssyncadd.s32 @!p1 $0xFFFFF800  }
0x7b: {  	[tilespmem:s30], [sflag:$0x6] =	stream.indirect.gather [spmem:s3], $0x10, s14, s18, $0xb8;
	[tilespmem:$0x11B40] =	vst v63  }
0x7c: {  	_ =	swait.ge [sflag:s31], $0x800  }
0x7d: {  	p1 =	seq.s32 s12, $0x12C00;
	[sflag:s31] =	ssyncset.done $0x0  }
0x7e: {  	s16 =	sadd.s32 $0x4F80, s8;
	s13 =	simm.s32 @p1 $0x4;
	[sflag:s31] =	ssyncadd.s32 $0xFFFFF800  }
0x7f: {  	[spmem:s2] =	stream.indirect.scatter.add.f32 [tilespmem:s22], [sflag:$0x9], $0x10, s16, s18, $0xb8;
	[tilespmem:$0x11B40] =	vst v63  }
0x80: {  	_ =	swait.ge @p1 [sflag:s13], $0x800  }
0x81: {  	[sflag:s13] =	ssyncset.done @p1 $0x0  }
0x82: {  	[sflag:s13] =	ssyncadd.s32 @p1 $0xFFFFF800;
	s13 =	sshra.s32 @p1 s12, $0x2  }
0x83: {  	s14 =	simm.s32 @p1 $0x80;
	s16 =	simm.s32 @p1 $0xB500;
	s13 =	sadd.s32 @p1 $0x5000, s13  }
0x84: {  	[spmem:s2] =	stream.indirect.scatter.add.f32 @p1 [tilespmem:s16], [sflag:$0xA], $0x10, s13, s14, $0xb8;
	[tilespmem:$0x11B40] =	vst v63  }
0x85: {  	s13 =	simm.s32 @!p1 $0x7  }
0x86: {  	_ =	swait.ge @!p1 [sflag:s13], $0x800  }
0x87: {  	[sflag:s13] =	ssyncset.done @!p1 $0x0  }
0x88: {  	[sflag:s13] =	ssyncadd.s32 @!p1 $0xFFFFF800;
	s13 =	sshra.s32 @!p1 s12, $0x2  }
0x89: {  	s25 =	simm.s32 @!p1 $0x9D00;
	s16 =	simm.s32 @!p1 $0x80;
	s14 =	sadd.s32 @!p1 $0x300, s13  }
0x8a: {  	[tilespmem:s25], [sflag:$0x1] =	stream.indirect.gather @!p1 [spmem:s3], $0x10, s14, s16, $0xb8;
	[tilespmem:$0x11B40] =	vst v63  }
0x8b: {  	s14 =	simm.s32 @!p1 $0x4  }
0x8c: {  	_ =	swait.ge @!p1 [sflag:s14], $0x800  }
0x8d: {  	[sflag:s14] =	ssyncset.done @!p1 $0x0  }
0x8e: {  	s25 =	simm.s32 @!p1 $0xB500;
	[sflag:s14] =	ssyncadd.s32 @!p1 $0xFFFFF800;
	s14 =	sadd.s32 @!p1 $0x5000, s13  }
0x8f: {  	[spmem:s2] =	stream.indirect.scatter.add.f32 @!p1 [tilespmem:s25], [sflag:$0xA], $0x10, s14, s16, $0xb8;
	[tilespmem:$0x11B40] =	vst v63  }
0x90: {  	s14 =	simm.s32 @!p1 $0x8  }
0x91: {  	_ =	swait.ge @!p1 [sflag:s14], $0x800  }
0x92: {  	[sflag:s14] =	ssyncset.done @!p1 $0x0  }
0x93: {  	s13 =	sadd.s32 @!p1 $0x380, s13;
	[sflag:s14] =	ssyncadd.s32 @!p1 $0xFFFFF800;
	s14 =	simm.s32 @!p1 $0xA500  }
0x94: {  	[tilespmem:s14], [sflag:$0x2] =	stream.indirect.gather @!p1 [spmem:s3], $0x10, s13, s16, $0xb8;
	[tilespmem:$0x11B40] =	vst v63  }
.Ltmp2:
0x95: {  	_ = 	snop;
	(pc) =	sbr.rel @p1 .LBB2_4-.Ltmp2, $4  }
0x96: {  	_ =	swait.ge [sflag:s0], $0x800  }
0x97: {  	[sflag:s0] =	ssyncset.done $0x0  }
0x98: {  	s25 =	sadd.s32 $0x5080, s8;
	s13 =	sadd.s32 $0x5100, s8;
	[sflag:s0] =	ssyncadd.s32 $0xFFFFF800  }
0x99: {  	[spmem:s2] =	stream.indirect.scatter.add.f32 [tilespmem:s28], [sflag:$0xB], $0x10, s25, s18, $0xb8;
	[tilespmem:$0x11B40] =	vst v63  }
0x9a: {  	_ =	swait.ge [sflag:s23], $0x800  }
0x9b: {  	[sflag:s23] =	ssyncset.done $0x0  }
0x9c: {  	s14 =	sadd.s32 $0x400, s8;
	[sflag:s23] =	ssyncadd.s32 $0xFFFFF800  }
0x9d: {  	[tilespmem:s22], [sflag:$0x3] =	stream.indirect.gather [spmem:s3], $0x10, s14, s18, $0xb8;
	[tilespmem:$0x11B40] =	vst v63  }
0x9e: {  	_ =	swait.ge [sflag:s1], $0x800  }
0x9f: {  	[sflag:s1] =	ssyncset.done $0x0  }
0xa0: {  	[sflag:s1] =	ssyncadd.s32 $0xFFFFF800  }
0xa1: {  	[spmem:s2] =	stream.indirect.scatter.add.f32 [tilespmem:s30], [sflag:$0xC], $0x10, s13, s18, $0xb8;
	[tilespmem:$0x11B40] =	vst v63  }
.Ltmp3:
0xa2: {  	_ = 	snop;
	(pc) =	sbr.rel .LBB2_2-.Ltmp3, $4  }
0xa3: {  	_ =	swait.ge [sflag:s5], $0x800  }
0xa4: {  	s25 =	sadd.s32 $0x480, s8;
	[sflag:s5] =	ssyncset.done $0x0  }
0xa5: {  	s12 =	sadd.s32 $0xC00, s12;
	s11 =	sadd.s32 $0x6, s11;
	[sflag:s5] =	ssyncadd.s32 $0xFFFFF800  }
0xa6: {  	[tilespmem:s24], [sflag:$0x4] =	stream.indirect.gather [spmem:s3], $0x10, s25, s18, $0xb8;
	[tilespmem:$0x11B40] =	vst v63  }
.LBB2_5:
0xa7: {  	_ =	sfence.sel $0x180000  }
0xa8: {  	[bflag:$0x0] =	sbarrier.arrive $0xFFFF  }
0xa9: {  	_ =	strace $0x9000004A  }
0xaa: {  	s0 =	stileid.u32;
	[bflag:$0x2] =	sbarrier.arrive $0xFFFF  }
0xab: {  	p0 =	sne.s32 s0, $0x0;
	s0 =	rddreg [dreg:$0x3]  }
0xac: {  	s0 =	sadd.s32 @!p0 $0x100000, s0  }
0xad: {  	[sflag:s0] =	ssyncadd.tile.s32 @!p0 $0x1;
	_ =	shalt  }
.Lfunc_end2:
_tile_overlayer_lowered:
.L_overlay_start_2:
0xae: {  	(tag) =	ssettag $0x2  }
0xaf: {  	s0 =	rddreg [dreg:$0x0];
	s2 =	stileid.u32  }
0xb0: {  	s1 =	rddreg [dreg:$0x1];
	p0 =	sne.s32 s2, $0x0  }
0xb1: {  	s3 =	rddreg [dreg:$0x2];
	[bflag:$0x3] =	sbarrier.arrive $0xFFFF;
	s2 =	simm.s32 @!p0 $0x1C0D  }
0xb2: {  	[timem:s3], [sflag:s2] =	dma.local @!p0 [hbm:s0], s1  }
0xb3: {  	s0 =	simm.s32 @!p0 $0xD  }
0xb4: {  	_ =	swait.ge @!p0 [sflag:s0], s1  }
0xb5: {  	s1 =	ssub.s32 @!p0 $0x0, s1;
	[sflag:s0] =	ssyncset.done @!p0 $0x0  }
0xb6: {  	[sflag:s0] =	ssyncadd.s32 @!p0 s1  }
0xb7: {  	[bflag:$0x3] =	sbarrier.arrive $0xFFFF  }
0xb8: {  	_ =	shalt  }

// kernel: kernel.15.cloned.1.call-start
scs
__scs_entry_jumppad:
0x0: {  	(pc) =	sbr.rel $0x88, $3  }
0x1: {  	(tag) =	ssettag $0x0;
	lr =	simm.s32 $0x1  }
0x2: {  	[smem:$0x3F98] =	sst lr;
	_ =	strace $0xD0000000  }
0x3: {  	_ = 	snop  }
0x4: {  	_ = 	snop  }
0x5: {  	_ = 	snop  }
0x6: {  	_ = 	snop  }
0x7: {  	_ = 	snop  }
__scs_overlays_trampoline_lowered:
0x8: {  	[smem:$0x3FA7] =	sst s0  }
0x9: {  	[smem:$0x3FA8] =	sst s1  }
0xa: {  	[smem:$0x3FA9] =	sst s2  }
0xb: {  	[smem:$0x3FAA] =	sst s3  }
0xc: {  	[smem:$0x3FAB] =	sst s4  }
0xd: {  	[smem:$0x3FAC] =	sst s5  }
0xe: {  	[smem:$0x3FAD] =	sst s6  }
0xf: {  	[smem:$0x3FAE] =	sst s7  }
0x10: {  	[smem:$0x3FAF] =	sst s8  }
0x11: {  	[smem:$0x3FB0] =	sst s9;
	s0 =	simm.s32 @!p0 $0x0  }
0x12: {  	s1 =	sld [smem:$0x3F96];
	s0 =	simm.s32 @p0 $0x1  }
0x13: {  	[smem:$0x3FB1] =	sst s0;
	s0 =	simm.s32 @!p1 $0x0  }
0x14: {  	s2 =	sld [smem:$0x3F95];
	s0 =	simm.s32 @p1 $0x1  }
0x15: {  	[smem:$0x3FB2] =	sst s0;
	s0 =	simm.s32 @!p2 $0x0  }
0x16: {  	s3 =	sld [smem:$0x3FDB];
	s0 =	simm.s32 @p2 $0x1  }
0x17: {  	s4 =	simm.s32 $0x1BF5;
	[smem:$0x3FB4] =	sst s0  }
0x18: {  	s0 =	sld [smem:$0x3F97];
	_ =	swait.ge [sflag:s4], $0x0  }
0x19: {  	s7 =	sld [smem:$0x3F98]  }
0x1a: {  	s8 =	sadd.s32 $0xFFFFE003, lr  }
0x1b: {  	s9 =	sadd.s32 $0xFFFFFEF7, lr;
	s5 =	simm.s32 $0xFFFFFFFF;
	p2 =	slt.u32 s8, $0xFFFFF086  }
0x1c: {  	p1 =	slt.u32 s9, $0xF7A;
	s5 =	simm.s32 @!p2 $0x0  }
0x1d: {  	s5 =	simm.s32 @p1 $0x1;
	p0 =	seq.s32 s7, s2  }
0x1e: {  	s7 =	smul.u32 @!p0 $0xF7A, s2;
	p2 =	seq.s32 @!p0 s5, $0x0  }
0x1f: {  	s9 =	smul.u32 $0xF7A, s1;
	s8 =	simm.s32 @!p0 $0x1BF5;
	p2 =	por !p2, p0  }
0x20: {  	[sflag:s8] =	ssyncset.s32 @!p0 $0xFFFFF086;
	s6 =	sadd.s32 @!p0 s3, s7;
	s7 =	simm.s32 @!p0 $0x108  }
0x21: {  	s3 =	sadd.s32 s3, s9;
	s6 =	sadd.s32 @!p0 $0x88, s6;
	s7 =	simm.s32 @p2 $0x1082  }
0x22: {  	[simem:s7], [sflag:s8] =	dma.local @!p0 [hbm:s6], $0xF7A  }
0x23: {  	s9 =	sor.u32 $0xD0000000, s2;
	s6 =	simm.s32 $0x108;
	_ =	swait.ge @!p0 [sflag:s8], $0x0  }
0x24: {  	s3 =	sadd.s32 $0x88, s3;
	s6 =	simm.s32 @!p1 $0x1082;
	[sflag:s4] =	ssyncset.s32 $0xFFFFF086  }
0x25: {  	[simem:s6], [sflag:s4] =	dma.local [hbm:s3], $0xF7A  }
0x26: {  	[smem:$0x3F98] =	sst s1;
	(tag) =	ssettag s2;
	_ =	strace s9  }
0x27: {  	s1 =	sld [smem:$0x3FA8]  }
0x28: {  	s2 =	sld [smem:$0x3FA9]  }
0x29: {  	s4 =	sld [smem:$0x3FAB]  }
0x2a: {  	p0 =	seq.s32 s5, $0x0;
	s5 =	sld [smem:$0x3FAC]  }
0x2b: {  	s6 =	sld [smem:$0x3FAD]  }
0x2c: {  	s7 =	sld [smem:$0x3FAE]  }
0x2d: {  	s3 =	simm.s32 $0x108;
	s8 =	sld [smem:$0x3FAF]  }
0x2e: {  	s3 =	simm.s32 @!p0 $0x1082;
	s9 =	sld [smem:$0x3FB0]  }
0x2f: {  	lr =	sadd.s32 s0, s3;
	s0 =	sld [smem:$0x3FA7]  }
0x30: {  	s3 =	sld [smem:$0x3FAA]  }
0x31: {  	[smem:$0x3FB3] =	sst s10  }
0x32: {  	s10 =	sld [smem:$0x3FB1];
	_ =	sdelay $0x3  }
0x33: {  	p0 =	seq.s32 s10, $0x1;
	s10 =	sld [smem:$0x3FB3];
	_ =	sdelay $0x3  }
0x34: {  	[smem:$0x3FB3] =	sst s10  }
0x35: {  	s10 =	sld [smem:$0x3FB2];
	_ =	sdelay $0x3  }
0x36: {  	p1 =	seq.s32 s10, $0x1;
	s10 =	sld [smem:$0x3FB3];
	_ =	sdelay $0x3  }
0x37: {  	[smem:$0x3FB3] =	sst s10  }
0x38: {  	s10 =	sld [smem:$0x3FB4]  }
0x39: {  	_ = 	snop;
	(pc) =	sbr.ind lr, $3  }
0x3a: {  	_ = 	snop  }
0x3b: {  	_ = 	snop  }
0x3c: {  	p2 =	seq.s32 s10, $0x1;
	s10 =	sld [smem:$0x3FB3]  }
0x3d: {  	_ =	shalt  }
0x3e: {  	_ =	shalt  }
0x3f: {  	_ =	shalt  }
0x40: {  	_ =	shalt  }
0x41: {  	_ =	shalt  }
0x42: {  	_ =	shalt  }
0x43: {  	_ =	shalt  }
0x44: {  	_ =	shalt  }
0x45: {  	_ =	shalt  }
0x46: {  	_ =	shalt  }
0x47: {  	_ =	shalt  }
0x48: {  	_ =	shalt  }
0x49: {  	_ =	shalt  }
0x4a: {  	_ =	shalt  }
0x4b: {  	_ =	shalt  }
0x4c: {  	_ =	shalt  }
0x4d: {  	_ =	shalt  }
0x4e: {  	_ =	shalt  }
0x4f: {  	_ =	shalt  }
0x50: {  	_ =	shalt  }
0x51: {  	_ =	shalt  }
0x52: {  	_ =	shalt  }
0x53: {  	_ =	shalt  }
0x54: {  	_ =	shalt  }
0x55: {  	_ =	shalt  }
0x56: {  	_ =	shalt  }
0x57: {  	_ =	shalt  }
0x58: {  	_ =	shalt  }
0x59: {  	_ =	shalt  }
0x5a: {  	_ =	shalt  }
0x5b: {  	_ =	shalt  }
0x5c: {  	_ =	shalt  }
0x5d: {  	_ =	shalt  }
0x5e: {  	_ =	shalt  }
0x5f: {  	_ =	shalt  }
0x60: {  	_ =	shalt  }
0x61: {  	_ =	shalt  }
0x62: {  	_ =	shalt  }
0x63: {  	_ =	shalt  }
0x64: {  	_ =	shalt  }
0x65: {  	_ =	shalt  }
0x66: {  	_ =	shalt  }
0x67: {  	_ =	shalt  }
0x68: {  	_ =	shalt  }
0x69: {  	_ =	shalt  }
0x6a: {  	_ =	shalt  }
0x6b: {  	_ =	shalt  }
0x6c: {  	_ =	shalt  }
0x6d: {  	_ =	shalt  }
0x6e: {  	_ =	shalt  }
0x6f: {  	_ =	shalt  }
0x70: {  	_ =	shalt  }
0x71: {  	_ =	shalt  }
0x72: {  	_ =	shalt  }
0x73: {  	_ =	shalt  }
0x74: {  	_ =	shalt  }
0x75: {  	_ =	shalt  }
0x76: {  	_ =	shalt  }
0x77: {  	_ =	shalt  }
0x78: {  	_ =	shalt  }
0x79: {  	_ =	shalt  }
0x7a: {  	_ =	shalt  }
0x7b: {  	_ =	shalt  }
0x7c: {  	_ =	shalt  }
0x7d: {  	_ =	shalt  }
0x7e: {  	_ =	shalt  }
0x7f: {  	_ =	shalt  }
0x80: {  	_ =	shalt  }
0x81: {  	_ =	shalt  }
0x82: {  	_ =	shalt  }
0x83: {  	_ =	shalt  }
0x84: {  	_ =	shalt  }
0x85: {  	_ =	shalt  }
0x86: {  	_ =	shalt  }
0x87: {  	_ =	shalt  }
.Lfunc_end0:
.L_simem_size_0:
called_computation.2_lowered:
.L_overlay_start_0:
0x88: {  	s2 =	sld [smem:$0x3FD9]  }
0x89: {  	s3 =	sld [smem:$0x3FFE];
	_ =	sdelay $0x1  }
0x8a: {  	s1 =	srdreg.scid  }
0x8b: {  	s0 =	sand.u32 $0x1, s1  }
0x8c: {  	s16 =	sshll.u32 s0, $0xA;
	s2 =	sadd.s32 s3, s2  }
0x8d: {  	s2 =	sadd.s32 s2, s16  }
0x8e: {  	[smem:$0x3FBF] =	sst s2  }
0x8f: {  	_ = 	snop  }
0x90: {  	(tm) =	ssettm $0x1  }
0x91: {  	s17 =	sld [smem:$0x3FFB];
	_ =	sdelay $0x3  }
0x92: {  	_ =	strace s17  }
0x93: {  	s2 =	sld [smem:$0x3FFC];
	_ =	sdelay $0x3  }
0x94: {  	_ =	strace s2  }
0x95: {  	s2 =	sld [smem:$0x3FFD];
	_ =	sdelay $0x3  }
0x96: {  	_ =	strace s2  }
0x97: {  	_ =	strace $0x8FFFFFFF  }
0x98: {  	s18 =	sld [smem:$0x3FDB];
	_ =	sdelay $0x1  }
0x99: {  	s19 =	simm.s32 $_scs_section_size  }
0x9a: {  	s4 =	simm.s32 $_size__tile_overlayer_lowered;
	s5 =	simm.s32 $_tile_overlayer_lowered  }
0x9b: {  	s22 =	simm.s32 $0x1BFF;
	s21 =	sshll.u32 s5, $0x1;
	s2 =	sadd.s32 s19, s18  }
0x9c: {  	s6 =	simm.s32 $0x0;
	s20 =	sshll.u32 s4, $0x1;
	s4 =	sadd.s32 s21, s2  }
0x9d: {  	[timem:s6], [sflag:s22] =	dma.local [hbm:s4], s20  }
0x9e: {  	_ =	swait.ge [sflag:s22], s20  }
0x9f: {  	s3 =	ssub.s32 $0x0, s20;
	[sflag:s22] =	ssyncset.done $0x0  }
0xa0: {  	[sflag:s22] =	ssyncadd.s32 s3;
	_ =	sdelay $0x1  }
0xa1: {  	s23 =	simm.s32 $0x1B8B  }
0xa2: {  	_ =	swait.ge [sflag:s23], $0x1  }
0xa3: {  	[sflag:s23] =	ssyncset.done $0x0  }
0xa4: {  	s25 =	simm.s32 $0x1B8E;
	s24 =	sld [smem:$0x3FFE];
	[sflag:s23] =	ssyncadd.s32 $0xFFFFFFFF  }
0xa5: {  	s26 =	simm.s32 $execute0_lowered;
	[smem:$0x3FD2] =	sst s25  }
0xa6: {  	s4 =	sshll.u32 s26, $0x1;
	_ =	strace $0x8000004C;
	[dreg:$0x1] =	wrdreg $0xFFFFFFFF  }
0xa7: {  	s28 =	simm.s32 $_size_execute0_lowered;
	s2 =	sadd.s32 s2, s4;
	[dreg:$0x0] =	wrdreg $0x0  }
0xa8: {  	s4 =	sshll.u32 s28, $0x1;
	[dreg:$0x2] =	wrdreg s2  }
0xa9: {  	[dreg:$0x3] =	wrdreg s4  }
0xaa: {  	[dreg:$0x4] =	wrdreg $0xC0  }
0xab: {  	_ =	task [dreg:s6], $0x5FFFF  }
0xac: {  	[dreg:$0x1] =	wrdreg $0xFFFFFFFF  }
0xad: {  	[dreg:$0x0] =	wrdreg $0x60  }
0xae: {  	[dreg:$0x2] =	wrdreg s24  }
0xaf: {  	[dreg:$0x3] =	wrdreg $0xCD000  }
0xb0: {  	[dreg:$0x4] =	wrdreg $0xF4200  }
0xb1: {  	[dreg:$0x5] =	wrdreg $0x9  }
0xb2: {  	_ =	task.clear_ibuf [dreg:s6], $0x6FFFF;
	_ =	strace $0x9000004C  }
0xb3: {  	s29 =	simm.s32 $0x9;
	_ =	strace $0x8000004E  }
0xb4: {  	_ =	swait.ge [sflag:s29], $0x1  }
0xb5: {  	[sflag:s29] =	ssyncadd.s32 $0xFFFFFFFF  }
0xb6: {  	_ =	strace $0x9000004E  }
0xb7: {  	_ =	sfence  }
0xb8: {  	s30 =	sld [smem:$0x0];
	_ =	sdelay $0x2  }
0xb9: {  	s31 =	sshll.u32 s1, $0xD;
	s1 =	sshrl.u32 s1, $0x2  }
0xba: {  	s3 =	sand.u32 $0x4000, s31;
	s1 =	sadd.s32 s1, s30  }
0xbb: {  	s0 =	sor.u32 s3, s0;
	s1 =	sshll.u32 s1, $0x11  }
0xbc: {  	s0 =	sor.u32 s1, s0  }
0xbd: {  	s0 =	sadd.s32 $0x8F2B, s0  }
0xbe: {  	[sflag:s0] =	ssyncadd.remote.s32 $0x1  }
0xbf: {  	_ =	sfence.sel $0xFFFF  }
0xc0: {  	[dreg:$0x0] =	wrdreg $0xFFFFFFFF;
	(pc) =	sbr.abs _section_cstart, $3  }
0xc1: {  	[dreg:$0x1] =	wrdreg $0xFFFFFFFF  }
0xc2: {  	_ =	task.clear_ibuf [dreg:s6], $0x2FFFF;
	_ =	strace $0x9FFFFFFF  }
0xc3: {  	(tm) =	ssettm $0x7FFFFFFF  }
tec
execute0_lowered:
.L_overlay_start_1:
0x0: {  	(tag) =	ssettag $0x1  }
0x1: {  	s0 =	rddreg [dreg:$0x0]  }
0x2: {  	s2 =	rddreg [dreg:$0x1]  }
0x3: {  	s3 =	rddreg [dreg:$0x2]  }
0x4: {  	s14 =	stileid.u32;
	s5 =	srdreg.scid;
	s4 =	simm.s32 $0x0  }
0x5: {  	s15 =	simm.s32 $0xD;
	s28 =	simm.s32 $0xBD00;
	s29 =	simm.s32 $0x2  }
0x6: {  	s30 =	simm.s32 $0xC500;
	s31 =	simm.s32 $0x3;
	s1 =	smul.u32 $0x2710, s14  }
0x7: {  	s6 =	smul.u32 $0x2720, s14;
	s5 =	sand.u32 $0x1, s5;
	[smem:$0x7FF] =	sst s4  }
0x8: {  	s10 =	sadd.s32 $0x2400, s0;
	s12 =	sshll.u32 s14, $0x1;
	s17 =	sshll.u32 s14, $0x6  }
0x9: {  	p0 =	sgt.u32 s14, $0x3;
	s8 =	smul.u32 $0x27100, s5;
	_ =	strace $0x8000004D  }
0xa: {  	s11 =	ssub.s32 $0x2, s5;
	s5 =	sor.u32 s5, s12;
	s7 =	sshrl.u32 s1, $0x3  }
0xb: {  	s9 =	sshrl.u32 s6, $0x3;
	s16 =	sshrl.u32 s11, $0x1;
	s12 =	smul.u32 $0x4E00, s5  }
0xc: {  	s13 =	sadd.s32 s6, s2;
	s6 =	sor.u32 $0x1C0D, s17;
	s19 =	sadd.s32 s1, s3  }
0xd: {  	s5 =	sshll.u32 s5, $0x4;
	s23 =	sadd.s32 s1, s2;
	s17 =	simm.s32 $0x7  }
0xe: {  	s7 =	sadd.s32 s7, s0;
	s9 =	sadd.s32 s9, s0;
	s8 =	sadd.s32 s1, s8  }
0xf: {  	s5 =	sadd.s32 s5, s10;
	s25 =	sshrl.u32 s13, $0x3;
	s26 =	sshrl.u32 s19, $0x3  }
0x10: {  	s19 =	simm.s32 $0x9D00;
	s1 =	simm.s32 $0x6;
	s8 =	sshrl.u32 s8, $0x3  }
0x11: {  	s18 =	sadd.s32 $0x29600, s9;
	s20 =	sshrl.u32 s12, $0x3;
	[dreg:$0xc] =	wrdreg s25  }
0x12: {  	s7 =	sadd.s32 $0x2E600, s7;
	s22 =	sadd.s32 $0x13800, s5;
	[dreg:$0xd] =	wrdreg s26  }
0x13: {  	s5 =	sadd.s32 $0x27080, s5;
	s26 =	simm.s32 $0x1;
	[dreg:$0x4] =	wrdreg s18  }
0x14: {  	s9 =	simm.s32 $0xC;
	s0 =	sadd.s32 s8, s0;
	[dreg:$0x5] =	wrdreg s7  }
0x15: {  	s8 =	ssub.s32 s11, s16;
	s21 =	sadd.s32 s10, s20;
	[dreg:$0x8] =	wrdreg s22  }
0x16: {  	[dreg:$0x9] =	wrdreg s5;
	s18 =	simm.s32 $0x80;
	s20 =	simm.s32 $0xA500  }
0x17: {  	s22 =	simm.s32 $0xAD00;
	[dreg:$0x6] =	wrdreg s21;
	s7 =	sadd.s32 $0x13880, s21  }
.Ltmp0:
0x18: {  	s0 =	sadd.s32 $0x33600, s0;
	[dreg:$0x7] =	wrdreg s7;
	(pc) =	sbr.rel .LBB2_1-.Ltmp0, $4  }
0x19: {  	s5 =	simm.s32 $0xA;
	s24 =	smax.u32 s8, $0x1;
	[dreg:$0xa] =	wrdreg s0  }
0x1a: {  	s10 =	simm.s32 $0x0;
	s21 =	simm.s32 $0x8;
	[dreg:$0xb] =	wrdreg s24  }
0x1b: {  	s24 =	simm.s32 $0xB500;
	s0 =	sshrl.u32 s23, $0x3;
	s23 =	simm.s32 $0x9  }
0x1c: {  	s7 =	simm.s32 $0xB;
	[dreg:$0xe] =	wrdreg s0;
	s0 =	simm.s32 $0x5  }
.LBB2_4:
0x1d: {  	_ =	swait.ge [sflag:s1], $0x800  }
0x1e: {  	[sflag:s1] =	ssyncset.done $0x0  }
0x1f: {  	[sflag:s1] =	ssyncadd.s32 $0xFFFFF800  }
0x20: {  	[spmem:s2] =	stream.indirect.scatter.add.f32 [tilespmem:s30], [sflag:$0xC], $0x10, s13, s18, $0xb8;
	[tilespmem:$0x11B40] =	vst v63  }
0x21: {  	_ =	swait.ge [sflag:s17], $0x800  }
0x22: {  	[sflag:s17] =	ssyncset.done $0x0  }
0x23: {  	[sflag:s17] =	ssyncadd.s32 $0xFFFFF800  }
0x24: {  	_ =	swait.ge [sflag:s21], $0x800  }
0x25: {  	[sflag:s21] =	ssyncset.done $0x0  }
0x26: {  	[sflag:s21] =	ssyncadd.s32 $0xFFFFF800  }
0x27: {  	_ =	swait.ge [sflag:s23], $0x800  }
0x28: {  	[sflag:s23] =	ssyncset.done $0x0  }
0x29: {  	[sflag:s23] =	ssyncadd.s32 $0xFFFFF800  }
0x2a: {  	_ =	swait.ge [sflag:s5], $0x800  }
0x2b: {  	[sflag:s5] =	ssyncset.done $0x0  }
0x2c: {  	[sflag:s5] =	ssyncadd.s32 $0xFFFFF800  }
0x2d: {  	_ =	swait.ge [sflag:s7], $0x800  }
0x2e: {  	[sflag:s7] =	ssyncset.done $0x0  }
0x2f: {  	[sflag:s7] =	ssyncadd.s32 $0xFFFFF800  }
0x30: {  	_ =	swait.ge [sflag:s9], $0x800  }
0x31: {  	s8 =	simm.s32 @!p0 $0x80;
	[sflag:s9] =	ssyncset.done $0x0  }
0x32: {  	s11 =	simm.s32 @!p0 $0x4E00;
	s12 =	simm.s32 @!p0 $0x9D00;
	[sflag:s9] =	ssyncadd.s32 $0xFFFFF800  }
0x33: {  	[tilespmem:s12], [sflag:$0x1] =	stream.indirect.gather @!p0 [spmem:s3], $0x10, s11, s8, $0xb8;
	[tilespmem:$0x11B40] =	vst v63  }
0x34: {  	s11 =	simm.s32 @!p0 $0x1  }
0x35: {  	_ =	swait.ge @!p0 [sflag:s11], $0x800  }
0x36: {  	[sflag:s11] =	ssyncset.done @!p0 $0x0  }
0x37: {  	[sflag:s11] =	ssyncadd.s32 @!p0 $0xFFFFF800;
	s11 =	simm.s32 @!p0 $0x9C80  }
0x38: {  	[spmem:s2] =	stream.indirect.scatter.add.f32 @!p0 [tilespmem:s12], [sflag:$0x7], $0x10, s11, s8, $0xb8;
	[tilespmem:$0x11B40] =	vst v63  }
0x39: {  	s8 =	simm.s32 @!p0 $0x7  }
0x3a: {  	_ =	swait.ge @!p0 [sflag:s8], $0x800  }
0x3b: {  	[sflag:s8] =	ssyncset.done @!p0 $0x0  }
0x3c: {  	[sflag:s8] =	ssyncadd.s32 @!p0 $0xFFFFF800  }
0x3d: {  	[bflag:$0x0] =	sbarrier.arrive $0xFFFF  }
0x3e: {  	s14 =	rddreg [dreg:$0xa]  }
0x3f: {  	s16 =	rddreg [dreg:$0xe]  }
0x40: {  	[hbm:s14], [sflag:s6] =	dma.local [spmem:s16], $0x4E2  }
0x41: {  	_ =	swait.ge [sflag:s15], $0x4E2  }
0x42: {  	s10 =	sadd.s32 $0x1, s10;
	s25 =	rddreg [dreg:$0xb]  }
0x43: {  	p1 =	sne.s32 s10, s25  }
.Ltmp1:
0x44: {  	_ = 	snop;
	(pc) =	sbr.rel @!p1 .LBB2_5-.Ltmp1, $3  }
0x45: {  	_ =	sdelay $0x1  }
0x46: {  	[sflag:s15] =	ssyncset.done $0x0  }
0x47: {  	[sflag:s15] =	ssyncadd.s32 $0xFFFFFB1E  }
.LBB2_1:
0x48: {  	s8 =	rddreg [dreg:$0x4]  }
0x49: {  	s11 =	rddreg [dreg:$0xc]  }
0x4a: {  	[spmem:s11], [sflag:s6] =	dma.local [hbm:s8], $0x4E4  }
0x4b: {  	_ =	swait.ge [sflag:s15], $0x4E4  }
0x4c: {  	[sflag:s15] =	ssyncset.done $0x0;
	s16 =	rddreg [dreg:$0x5]  }
0x4d: {  	s25 =	rddreg [dreg:$0xd];
	[sflag:s15] =	ssyncadd.s32 $0xFFFFFB1C  }
0x4e: {  	[spmem:s25], [sflag:s6] =	dma.local [hbm:s16], $0x4E2  }
0x4f: {  	_ =	swait.ge [sflag:s15], $0x4E2  }
0x50: {  	[sflag:s15] =	ssyncset.done $0x0  }
0x51: {  	s12 =	rddreg [dreg:$0x6];
	[sflag:s15] =	ssyncadd.s32 $0xFFFFFB1E  }
0x52: {  	[tilespmem:s4], [sflag:$0xD] =	stream.linear.gather [hbm4b:s12+s4], $0x4E00, $0x38;
	[tilespmem:$0x11B40] =	vst v63  }
0x53: {  	_ =	swait.ge [sflag:s15], $0x4E00  }
0x54: {  	[sflag:s15] =	ssyncset.done $0x0  }
0x55: {  	s14 =	simm.s32 $0x4E80;
	s13 =	rddreg [dreg:$0x7];
	[sflag:s15] =	ssyncadd.s32 $0xFFFFB200  }
0x56: {  	[tilespmem:s14], [sflag:$0xD] =	stream.linear.gather [hbm4b:s13+s4], $0x4E00, $0x38;
	[tilespmem:$0x11B40] =	vst v63  }
0x57: {  	_ =	swait.ge [sflag:s15], $0x4E00  }
0x58: {  	s8 =	simm.s32 @!p0 $0x0;
	[sflag:s15] =	ssyncset.done $0x0  }
0x59: {  	s11 =	simm.s32 @!p0 $0x4E00;
	s12 =	rddreg [dreg:$0x8];
	[sflag:s15] =	ssyncadd.s32 $0xFFFFB200  }
0x5a: {  	[tilespmem:s11], [sflag:$0xD] =	stream.linear.gather @!p0 [hbm4b:s12+s8], $0x80, $0x38;
	[tilespmem:$0x11B40] =	vst v63  }
0x5b: {  	s11 =	simm.s32 @!p0 $0xD  }
0x5c: {  	_ =	swait.ge @!p0 [sflag:s11], $0x80  }
0x5d: {  	[sflag:s11] =	ssyncset.done @!p0 $0x0  }
0x5e: {  	s12 =	simm.s32 @!p0 $0x9C80;
	s13 =	rddreg [dreg:$0x9];
	[sflag:s11] =	ssyncadd.s32 @!p0 $0xFFFFFF80  }
0x5f: {  	[tilespmem:s12], [sflag:$0xD] =	stream.linear.gather @!p0 [hbm4b:s13+s8], $0x80, $0x38;
	[tilespmem:$0x11B40] =	vst v63  }
0x60: {  	_ =	swait.ge @!p0 [sflag:s11], $0x80  }
0x61: {  	[sflag:s11] =	ssyncset.done @!p0 $0x0  }
0x62: {  	[sflag:s11] =	ssyncadd.s32 @!p0 $0xFFFFFF80  }
0x63: {  	[bflag:$0x0] =	sbarrier.arrive $0xFFFF  }
0x64: {  	[tilespmem:s19], [sflag:$0x1] =	stream.indirect.gather [spmem:s3], $0x10, s4, s18, $0xb8;
	[tilespmem:$0x11B40] =	vst v63  }
0x65: {  	_ = 	snop  }
0x66: {  	[tilespmem:s20], [sflag:$0x2] =	stream.indirect.gather [spmem:s3], $0x10, s18, s18, $0xb8;
	[tilespmem:$0x11B40] =	vst v63  }
0x67: {  	s16 =	simm.s32 $0x100  }
0x68: {  	[tilespmem:s22], [sflag:$0x3] =	stream.indirect.gather [spmem:s3], $0x10, s16, s18, $0xb8;
	[tilespmem:$0x11B40] =	vst v63  }
0x69: {  	s25 =	simm.s32 $0x180;
	s12 =	simm.s32 $0x0;
	s11 =	simm.s32 $0xFFFFFFFE  }
0x6a: {  	[tilespmem:s24], [sflag:$0x4] =	stream.indirect.gather [spmem:s3], $0x10, s25, s18, $0xb8;
	[tilespmem:$0x11B40] =	vst v63  }
.LBB2_2:
0x6b: {  	_ =	swait.ge [sflag:s26], $0x800  }
0x6c: {  	s8 =	sshra.s32 s12, $0x2;
	[sflag:s26] =	ssyncset.done $0x0  }
0x6d: {  	p1 =	sgt.u32 s11, $0x95;
	s13 =	sadd.s32 $0x4E80, s8;
	[sflag:s26] =	ssyncadd.s32 $0xFFFFF800  }
0x6e: {  	[spmem:s2] =	stream.indirect.scatter.add.f32 [tilespmem:s19], [sflag:$0x7], $0x10, s13, s18, $0xb8;
	[tilespmem:$0x11B40] =	vst v63  }
0x6f: {  	s13 =	simm.s32 @!p1 $0xB  }
0x70: {  	_ =	swait.ge @!p1 [sflag:s13], $0x800  }
0x71: {  	[sflag:s13] =	ssyncset.done @!p1 $0x0  }
0x72: {  	s16 =	sadd.s32 $0x200, s8;
	[sflag:s13] =	ssyncadd.s32 @!p1 $0xFFFFF800  }
0x73: {  	[tilespmem:s28], [sflag:$0x5] =	stream.indirect.gather [spmem:s3], $0x10, s16, s18, $0xb8;
	[tilespmem:$0x11B40] =	vst v63  }
0x74: {  	_ =	swait.ge [sflag:s29], $0x800  }
0x75: {  	[sflag:s29] =	ssyncset.done $0x0  }
0x76: {  	s25 =	sadd.s32 $0x4F00, s8;
	s13 =	simm.s32 @!p1 $0xC;
	[sflag:s29] =	ssyncadd.s32 $0xFFFFF800  }
0x77: {  	[spmem:s2] =	stream.indirect.scatter.add.f32 [tilespmem:s20], [sflag:$0x8], $0x10, s25, s18, $0xb8;
	[tilespmem:$0x11B40] =	vst v63  }
0x78: {  	_ =	swait.ge @!p1 [sflag:s13], $0x800  }
0x79: {  	[sflag:s13] =	ssyncset.done @!p1 $0x0  }
0x7a: {  	s14 =	sadd.s32 $0x280, s8;
	[sflag:s13] =	ssyncadd.s32 @!p1 $0xFFFFF800  }
0x7b: {  	[tilespmem:s30], [sflag:$0x6] =	stream.indirect.gather [spmem:s3], $0x10, s14, s18, $0xb8;
	[tilespmem:$0x11B40] =	vst v63  }
0x7c: {  	_ =	swait.ge [sflag:s31], $0x800  }
0x7d: {  	p1 =	seq.s32 s12, $0x12C00;
	[sflag:s31] =	ssyncset.done $0x0  }
0x7e: {  	s16 =	sadd.s32 $0x4F80, s8;
	s13 =	simm.s32 @p1 $0x4;
	[sflag:s31] =	ssyncadd.s32 $0xFFFFF800  }
0x7f: {  	[spmem:s2] =	stream.indirect.scatter.add.f32 [tilespmem:s22], [sflag:$0x9], $0x10, s16, s18, $0xb8;
	[tilespmem:$0x11B40] =	vst v63  }
0x80: {  	_ =	swait.ge @p1 [sflag:s13], $0x800  }
0x81: {  	[sflag:s13] =	ssyncset.done @p1 $0x0  }
0x82: {  	[sflag:s13] =	ssyncadd.s32 @p1 $0xFFFFF800;
	s13 =	sshra.s32 @p1 s12, $0x2  }
0x83: {  	s14 =	simm.s32 @p1 $0x80;
	s16 =	simm.s32 @p1 $0xB500;
	s13 =	sadd.s32 @p1 $0x5000, s13  }
0x84: {  	[spmem:s2] =	stream.indirect.scatter.add.f32 @p1 [tilespmem:s16], [sflag:$0xA], $0x10, s13, s14, $0xb8;
	[tilespmem:$0x11B40] =	vst v63  }
0x85: {  	s13 =	simm.s32 @!p1 $0x7  }
0x86: {  	_ =	swait.ge @!p1 [sflag:s13], $0x800  }
0x87: {  	[sflag:s13] =	ssyncset.done @!p1 $0x0  }
0x88: {  	[sflag:s13] =	ssyncadd.s32 @!p1 $0xFFFFF800;
	s13 =	sshra.s32 @!p1 s12, $0x2  }
0x89: {  	s25 =	simm.s32 @!p1 $0x9D00;
	s16 =	simm.s32 @!p1 $0x80;
	s14 =	sadd.s32 @!p1 $0x300, s13  }
0x8a: {  	[tilespmem:s25], [sflag:$0x1] =	stream.indirect.gather @!p1 [spmem:s3], $0x10, s14, s16, $0xb8;
	[tilespmem:$0x11B40] =	vst v63  }
0x8b: {  	s14 =	simm.s32 @!p1 $0x4  }
0x8c: {  	_ =	swait.ge @!p1 [sflag:s14], $0x800  }
0x8d: {  	[sflag:s14] =	ssyncset.done @!p1 $0x0  }
0x8e: {  	s25 =	simm.s32 @!p1 $0xB500;
	[sflag:s14] =	ssyncadd.s32 @!p1 $0xFFFFF800;
	s14 =	sadd.s32 @!p1 $0x5000, s13  }
0x8f: {  	[spmem:s2] =	stream.indirect.scatter.add.f32 @!p1 [tilespmem:s25], [sflag:$0xA], $0x10, s14, s16, $0xb8;
	[tilespmem:$0x11B40] =	vst v63  }
0x90: {  	s14 =	simm.s32 @!p1 $0x8  }
0x91: {  	_ =	swait.ge @!p1 [sflag:s14], $0x800  }
0x92: {  	[sflag:s14] =	ssyncset.done @!p1 $0x0  }
0x93: {  	s13 =	sadd.s32 @!p1 $0x380, s13;
	[sflag:s14] =	ssyncadd.s32 @!p1 $0xFFFFF800;
	s14 =	simm.s32 @!p1 $0xA500  }
0x94: {  	[tilespmem:s14], [sflag:$0x2] =	stream.indirect.gather @!p1 [spmem:s3], $0x10, s13, s16, $0xb8;
	[tilespmem:$0x11B40] =	vst v63  }
.Ltmp2:
0x95: {  	_ = 	snop;
	(pc) =	sbr.rel @p1 .LBB2_4-.Ltmp2, $4  }
0x96: {  	_ =	swait.ge [sflag:s0], $0x800  }
0x97: {  	[sflag:s0] =	ssyncset.done $0x0  }
0x98: {  	s25 =	sadd.s32 $0x5080, s8;
	s13 =	sadd.s32 $0x5100, s8;
	[sflag:s0] =	ssyncadd.s32 $0xFFFFF800  }
0x99: {  	[spmem:s2] =	stream.indirect.scatter.add.f32 [tilespmem:s28], [sflag:$0xB], $0x10, s25, s18, $0xb8;
	[tilespmem:$0x11B40] =	vst v63  }
0x9a: {  	_ =	swait.ge [sflag:s23], $0x800  }
0x9b: {  	[sflag:s23] =	ssyncset.done $0x0  }
0x9c: {  	s14 =	sadd.s32 $0x400, s8;
	[sflag:s23] =	ssyncadd.s32 $0xFFFFF800  }
0x9d: {  	[tilespmem:s22], [sflag:$0x3] =	stream.indirect.gather [spmem:s3], $0x10, s14, s18, $0xb8;
	[tilespmem:$0x11B40] =	vst v63  }
0x9e: {  	_ =	swait.ge [sflag:s1], $0x800  }
0x9f: {  	[sflag:s1] =	ssyncset.done $0x0  }
0xa0: {  	[sflag:s1] =	ssyncadd.s32 $0xFFFFF800  }
0xa1: {  	[spmem:s2] =	stream.indirect.scatter.add.f32 [tilespmem:s30], [sflag:$0xC], $0x10, s13, s18, $0xb8;
	[tilespmem:$0x11B40] =	vst v63  }
.Ltmp3:
0xa2: {  	_ = 	snop;
	(pc) =	sbr.rel .LBB2_2-.Ltmp3, $4  }
0xa3: {  	_ =	swait.ge [sflag:s5], $0x800  }
0xa4: {  	s25 =	sadd.s32 $0x480, s8;
	[sflag:s5] =	ssyncset.done $0x0  }
0xa5: {  	s12 =	sadd.s32 $0xC00, s12;
	s11 =	sadd.s32 $0x6, s11;
	[sflag:s5] =	ssyncadd.s32 $0xFFFFF800  }
0xa6: {  	[tilespmem:s24], [sflag:$0x4] =	stream.indirect.gather [spmem:s3], $0x10, s25, s18, $0xb8;
	[tilespmem:$0x11B40] =	vst v63  }
.LBB2_5:
0xa7: {  	_ =	sfence.sel $0x180000  }
0xa8: {  	[bflag:$0x0] =	sbarrier.arrive $0xFFFF  }
0xa9: {  	_ =	strace $0x9000004D  }
0xaa: {  	s0 =	stileid.u32;
	[bflag:$0x2] =	sbarrier.arrive $0xFFFF  }
0xab: {  	p0 =	sne.s32 s0, $0x0;
	s0 =	rddreg [dreg:$0x3]  }
0xac: {  	s0 =	sadd.s32 @!p0 $0x100000, s0  }
0xad: {  	[sflag:s0] =	ssyncadd.tile.s32 @!p0 $0x1;
	_ =	shalt  }
.Lfunc_end2:
_tile_overlayer_lowered:
.L_overlay_start_2:
0xae: {  	(tag) =	ssettag $0x2  }
0xaf: {  	s0 =	rddreg [dreg:$0x0];
	s2 =	stileid.u32  }
0xb0: {  	s1 =	rddreg [dreg:$0x1];
	p0 =	sne.s32 s2, $0x0  }
0xb1: {  	s3 =	rddreg [dreg:$0x2];
	[bflag:$0x3] =	sbarrier.arrive $0xFFFF;
	s2 =	simm.s32 @!p0 $0x1C0D  }
0xb2: {  	[timem:s3], [sflag:s2] =	dma.local @!p0 [hbm:s0], s1  }
0xb3: {  	s0 =	simm.s32 @!p0 $0xD  }
0xb4: {  	_ =	swait.ge @!p0 [sflag:s0], s1  }
0xb5: {  	s1 =	ssub.s32 @!p0 $0x0, s1;
	[sflag:s0] =	ssyncset.done @!p0 $0x0  }
0xb6: {  	[sflag:s0] =	ssyncadd.s32 @!p0 s1  }
0xb7: {  	[bflag:$0x3] =	sbarrier.arrive $0xFFFF  }
0xb8: {  	_ =	shalt  }

// kernel: kernel.9.cloned.1.call-start
scs
__scs_entry_jumppad:
0x0: {  	(pc) =	sbr.rel $0x88, $3  }
0x1: {  	(tag) =	ssettag $0x0;
	lr =	simm.s32 $0x1  }
0x2: {  	[smem:$0x3F98] =	sst lr;
	_ =	strace $0xD0000000  }
0x3: {  	_ = 	snop  }
0x4: {  	_ = 	snop  }
0x5: {  	_ = 	snop  }
0x6: {  	_ = 	snop  }
0x7: {  	_ = 	snop  }
__scs_overlays_trampoline_lowered:
0x8: {  	[smem:$0x3FA7] =	sst s0  }
0x9: {  	[smem:$0x3FA8] =	sst s1  }
0xa: {  	[smem:$0x3FA9] =	sst s2  }
0xb: {  	[smem:$0x3FAA] =	sst s3  }
0xc: {  	[smem:$0x3FAB] =	sst s4  }
0xd: {  	[smem:$0x3FAC] =	sst s5  }
0xe: {  	[smem:$0x3FAD] =	sst s6  }
0xf: {  	[smem:$0x3FAE] =	sst s7  }
0x10: {  	[smem:$0x3FAF] =	sst s8  }
0x11: {  	[smem:$0x3FB0] =	sst s9;
	s0 =	simm.s32 @!p0 $0x0  }
0x12: {  	s1 =	sld [smem:$0x3F96];
	s0 =	simm.s32 @p0 $0x1  }
0x13: {  	[smem:$0x3FB1] =	sst s0;
	s0 =	simm.s32 @!p1 $0x0  }
0x14: {  	s2 =	sld [smem:$0x3F95];
	s0 =	simm.s32 @p1 $0x1  }
0x15: {  	[smem:$0x3FB2] =	sst s0;
	s0 =	simm.s32 @!p2 $0x0  }
0x16: {  	s3 =	sld [smem:$0x3FDB];
	s0 =	simm.s32 @p2 $0x1  }
0x17: {  	s4 =	simm.s32 $0x1BF5;
	[smem:$0x3FB4] =	sst s0  }
0x18: {  	s0 =	sld [smem:$0x3F97];
	_ =	swait.ge [sflag:s4], $0x0  }
0x19: {  	s7 =	sld [smem:$0x3F98]  }
0x1a: {  	s8 =	sadd.s32 $0xFFFFE003, lr  }
0x1b: {  	s9 =	sadd.s32 $0xFFFFFEF7, lr;
	s5 =	simm.s32 $0xFFFFFFFF;
	p2 =	slt.u32 s8, $0xFFFFF086  }
0x1c: {  	p1 =	slt.u32 s9, $0xF7A;
	s5 =	simm.s32 @!p2 $0x0  }
0x1d: {  	s5 =	simm.s32 @p1 $0x1;
	p0 =	seq.s32 s7, s2  }
0x1e: {  	s7 =	smul.u32 @!p0 $0xF7A, s2;
	p2 =	seq.s32 @!p0 s5, $0x0  }
0x1f: {  	s9 =	smul.u32 $0xF7A, s1;
	s8 =	simm.s32 @!p0 $0x1BF5;
	p2 =	por !p2, p0  }
0x20: {  	[sflag:s8] =	ssyncset.s32 @!p0 $0xFFFFF086;
	s6 =	sadd.s32 @!p0 s3, s7;
	s7 =	simm.s32 @!p0 $0x108  }
0x21: {  	s3 =	sadd.s32 s3, s9;
	s6 =	sadd.s32 @!p0 $0x88, s6;
	s7 =	simm.s32 @p2 $0x1082  }
0x22: {  	[simem:s7], [sflag:s8] =	dma.local @!p0 [hbm:s6], $0xF7A  }
0x23: {  	s9 =	sor.u32 $0xD0000000, s2;
	s6 =	simm.s32 $0x108;
	_ =	swait.ge @!p0 [sflag:s8], $0x0  }
0x24: {  	s3 =	sadd.s32 $0x88, s3;
	s6 =	simm.s32 @!p1 $0x1082;
	[sflag:s4] =	ssyncset.s32 $0xFFFFF086  }
0x25: {  	[simem:s6], [sflag:s4] =	dma.local [hbm:s3], $0xF7A  }
0x26: {  	[smem:$0x3F98] =	sst s1;
	(tag) =	ssettag s2;
	_ =	strace s9  }
0x27: {  	s1 =	sld [smem:$0x3FA8]  }
0x28: {  	s2 =	sld [smem:$0x3FA9]  }
0x29: {  	s4 =	sld [smem:$0x3FAB]  }
0x2a: {  	p0 =	seq.s32 s5, $0x0;
	s5 =	sld [smem:$0x3FAC]  }
0x2b: {  	s6 =	sld [smem:$0x3FAD]  }
0x2c: {  	s7 =	sld [smem:$0x3FAE]  }
0x2d: {  	s3 =	simm.s32 $0x108;
	s8 =	sld [smem:$0x3FAF]  }
0x2e: {  	s3 =	simm.s32 @!p0 $0x1082;
	s9 =	sld [smem:$0x3FB0]  }
0x2f: {  	lr =	sadd.s32 s0, s3;
	s0 =	sld [smem:$0x3FA7]  }
0x30: {  	s3 =	sld [smem:$0x3FAA]  }
0x31: {  	[smem:$0x3FB3] =	sst s10  }
0x32: {  	s10 =	sld [smem:$0x3FB1];
	_ =	sdelay $0x3  }
0x33: {  	p0 =	seq.s32 s10, $0x1;
	s10 =	sld [smem:$0x3FB3];
	_ =	sdelay $0x3  }
0x34: {  	[smem:$0x3FB3] =	sst s10  }
0x35: {  	s10 =	sld [smem:$0x3FB2];
	_ =	sdelay $0x3  }
0x36: {  	p1 =	seq.s32 s10, $0x1;
	s10 =	sld [smem:$0x3FB3];
	_ =	sdelay $0x3  }
0x37: {  	[smem:$0x3FB3] =	sst s10  }
0x38: {  	s10 =	sld [smem:$0x3FB4]  }
0x39: {  	_ = 	snop;
	(pc) =	sbr.ind lr, $3  }
0x3a: {  	_ = 	snop  }
0x3b: {  	_ = 	snop  }
0x3c: {  	p2 =	seq.s32 s10, $0x1;
	s10 =	sld [smem:$0x3FB3]  }
0x3d: {  	_ =	shalt  }
0x3e: {  	_ =	shalt  }
0x3f: {  	_ =	shalt  }
0x40: {  	_ =	shalt  }
0x41: {  	_ =	shalt  }
0x42: {  	_ =	shalt  }
0x43: {  	_ =	shalt  }
0x44: {  	_ =	shalt  }
0x45: {  	_ =	shalt  }
0x46: {  	_ =	shalt  }
0x47: {  	_ =	shalt  }
0x48: {  	_ =	shalt  }
0x49: {  	_ =	shalt  }
0x4a: {  	_ =	shalt  }
0x4b: {  	_ =	shalt  }
0x4c: {  	_ =	shalt  }
0x4d: {  	_ =	shalt  }
0x4e: {  	_ =	shalt  }
0x4f: {  	_ =	shalt  }
0x50: {  	_ =	shalt  }
0x51: {  	_ =	shalt  }
0x52: {  	_ =	shalt  }
0x53: {  	_ =	shalt  }
0x54: {  	_ =	shalt  }
0x55: {  	_ =	shalt  }
0x56: {  	_ =	shalt  }
0x57: {  	_ =	shalt  }
0x58: {  	_ =	shalt  }
0x59: {  	_ =	shalt  }
0x5a: {  	_ =	shalt  }
0x5b: {  	_ =	shalt  }
0x5c: {  	_ =	shalt  }
0x5d: {  	_ =	shalt  }
0x5e: {  	_ =	shalt  }
0x5f: {  	_ =	shalt  }
0x60: {  	_ =	shalt  }
0x61: {  	_ =	shalt  }
0x62: {  	_ =	shalt  }
0x63: {  	_ =	shalt  }
0x64: {  	_ =	shalt  }
0x65: {  	_ =	shalt  }
0x66: {  	_ =	shalt  }
0x67: {  	_ =	shalt  }
0x68: {  	_ =	shalt  }
0x69: {  	_ =	shalt  }
0x6a: {  	_ =	shalt  }
0x6b: {  	_ =	shalt  }
0x6c: {  	_ =	shalt  }
0x6d: {  	_ =	shalt  }
0x6e: {  	_ =	shalt  }
0x6f: {  	_ =	shalt  }
0x70: {  	_ =	shalt  }
0x71: {  	_ =	shalt  }
0x72: {  	_ =	shalt  }
0x73: {  	_ =	shalt  }
0x74: {  	_ =	shalt  }
0x75: {  	_ =	shalt  }
0x76: {  	_ =	shalt  }
0x77: {  	_ =	shalt  }
0x78: {  	_ =	shalt  }
0x79: {  	_ =	shalt  }
0x7a: {  	_ =	shalt  }
0x7b: {  	_ =	shalt  }
0x7c: {  	_ =	shalt  }
0x7d: {  	_ =	shalt  }
0x7e: {  	_ =	shalt  }
0x7f: {  	_ =	shalt  }
0x80: {  	_ =	shalt  }
0x81: {  	_ =	shalt  }
0x82: {  	_ =	shalt  }
0x83: {  	_ =	shalt  }
0x84: {  	_ =	shalt  }
0x85: {  	_ =	shalt  }
0x86: {  	_ =	shalt  }
0x87: {  	_ =	shalt  }
.Lfunc_end0:
.L_simem_size_0:
called_computation_lowered:
.L_overlay_start_0:
0x88: {  	s2 =	sld [smem:$0x3FD9]  }
0x89: {  	s3 =	sld [smem:$0x3FFE];
	_ =	sdelay $0x1  }
0x8a: {  	s1 =	srdreg.scid  }
0x8b: {  	s0 =	sand.u32 $0x1, s1  }
0x8c: {  	s16 =	sshll.u32 s0, $0xA;
	s2 =	sadd.s32 s3, s2  }
0x8d: {  	s2 =	sadd.s32 s2, s16  }
0x8e: {  	[smem:$0x3FBF] =	sst s2  }
0x8f: {  	_ = 	snop  }
0x90: {  	(tm) =	ssettm $0x1  }
0x91: {  	s17 =	sld [smem:$0x3FFB];
	_ =	sdelay $0x3  }
0x92: {  	_ =	strace s17  }
0x93: {  	s2 =	sld [smem:$0x3FFC];
	_ =	sdelay $0x3  }
0x94: {  	_ =	strace s2  }
0x95: {  	s2 =	sld [smem:$0x3FFD];
	_ =	sdelay $0x3  }
0x96: {  	_ =	strace s2  }
0x97: {  	_ =	strace $0x8FFFFFFF  }
0x98: {  	s18 =	sld [smem:$0x3FDB];
	_ =	sdelay $0x1  }
0x99: {  	s19 =	simm.s32 $_scs_section_size  }
0x9a: {  	s4 =	simm.s32 $_size__tile_overlayer_lowered;
	s5 =	simm.s32 $_tile_overlayer_lowered  }
0x9b: {  	s22 =	simm.s32 $0x1BFF;
	s21 =	sshll.u32 s5, $0x1;
	s2 =	sadd.s32 s19, s18  }
0x9c: {  	s6 =	simm.s32 $0x0;
	s20 =	sshll.u32 s4, $0x1;
	s4 =	sadd.s32 s21, s2  }
0x9d: {  	[timem:s6], [sflag:s22] =	dma.local [hbm:s4], s20  }
0x9e: {  	_ =	swait.ge [sflag:s22], s20  }
0x9f: {  	s3 =	ssub.s32 $0x0, s20;
	[sflag:s22] =	ssyncset.done $0x0  }
0xa0: {  	[sflag:s22] =	ssyncadd.s32 s3;
	_ =	sdelay $0x1  }
0xa1: {  	s23 =	simm.s32 $0x1B8B  }
0xa2: {  	_ =	swait.ge [sflag:s23], $0x1  }
0xa3: {  	[sflag:s23] =	ssyncset.done $0x0  }
0xa4: {  	s25 =	simm.s32 $0x1B8E;
	s24 =	sld [smem:$0x3FFE];
	[sflag:s23] =	ssyncadd.s32 $0xFFFFFFFF  }
0xa5: {  	s26 =	simm.s32 $execute0_lowered;
	[smem:$0x3FD2] =	sst s25  }
0xa6: {  	s4 =	sshll.u32 s26, $0x1;
	_ =	strace $0x80000046;
	[dreg:$0x1] =	wrdreg $0xFFFFFFFF  }
0xa7: {  	s28 =	simm.s32 $_size_execute0_lowered;
	s2 =	sadd.s32 s2, s4;
	[dreg:$0x0] =	wrdreg $0x0  }
0xa8: {  	s4 =	sshll.u32 s28, $0x1;
	[dreg:$0x2] =	wrdreg s2  }
0xa9: {  	[dreg:$0x3] =	wrdreg s4  }
0xaa: {  	[dreg:$0x4] =	wrdreg $0xC0  }
0xab: {  	_ =	task [dreg:s6], $0x5FFFF  }
0xac: {  	[dreg:$0x1] =	wrdreg $0xFFFFFFFF  }
0xad: {  	[dreg:$0x0] =	wrdreg $0x60  }
0xae: {  	[dreg:$0x2] =	wrdreg s24  }
0xaf: {  	[dreg:$0x3] =	wrdreg $0x6E800  }
0xb0: {  	[dreg:$0x4] =	wrdreg $0x9  }
0xb1: {  	_ =	task.clear_ibuf [dreg:s6], $0x5FFFF;
	_ =	strace $0x90000046  }
0xb2: {  	s29 =	simm.s32 $0x9;
	_ =	strace $0x80000048  }
0xb3: {  	_ =	swait.ge [sflag:s29], $0x1  }
0xb4: {  	[sflag:s29] =	ssyncadd.s32 $0xFFFFFFFF  }
0xb5: {  	_ =	strace $0x90000048  }
0xb6: {  	_ =	sfence  }
0xb7: {  	s30 =	sld [smem:$0x0];
	_ =	sdelay $0x2  }
0xb8: {  	s31 =	sshll.u32 s1, $0xD;
	s1 =	sshrl.u32 s1, $0x2  }
0xb9: {  	s3 =	sand.u32 $0x4000, s31;
	s1 =	sadd.s32 s1, s30  }
0xba: {  	s0 =	sor.u32 s3, s0;
	s1 =	sshll.u32 s1, $0x11  }
0xbb: {  	s0 =	sor.u32 s1, s0  }
0xbc: {  	s0 =	sadd.s32 $0x8F2B, s0  }
0xbd: {  	[sflag:s0] =	ssyncadd.remote.s32 $0x1  }
0xbe: {  	_ =	sfence.sel $0xFFFF  }
0xbf: {  	[dreg:$0x0] =	wrdreg $0xFFFFFFFF;
	(pc) =	sbr.abs _section_cstart, $3  }
0xc0: {  	[dreg:$0x1] =	wrdreg $0xFFFFFFFF  }
0xc1: {  	_ =	task.clear_ibuf [dreg:s6], $0x2FFFF;
	_ =	strace $0x9FFFFFFF  }
0xc2: {  	(tm) =	ssettm $0x7FFFFFFF  }
0xc3: {  	_ =	shalt  }
tec
execute0_lowered:
.L_overlay_start_1:
0x0: {  	(tag) =	ssettag $0x1  }
0x1: {  	s5 =	rddreg [dreg:$0x0]  }
0x2: {  	s2 =	rddreg [dreg:$0x1]  }
0x3: {  	s0 =	rddreg [dreg:$0x2];
	s1 =	stileid.u32  }
0x4: {  	s4 =	srdreg.scid;
	s3 =	simm.s32 $0x0;
	s17 =	simm.s32 $0x0  }
0x5: {  	s6 =	smul.u32 $0x2720, s1;
	s7 =	sand.u32 $0x1, s4;
	[smem:$0x7FF] =	sst s3  }
0x6: {  	s9 =	sadd.s32 $0x2400, s5;
	s10 =	smul.u32 $0x2710, s1;
	s4 =	sadd.s32 $0x2E600, s5  }
0x7: {  	s12 =	sshll.u32 s1, $0x1;
	s28 =	sshll.u32 s1, $0x6;
	p0 =	sgt.u32 s1, $0x3  }
0x8: {  	s8 =	smul.u32 $0x27100, s7;
	_ =	strace $0x80000047;
	s13 =	ssub.s32 $0x2, s7  }
0x9: {  	s7 =	sor.u32 s7, s12;
	s11 =	sshrl.u32 s6, $0x3;
	s24 =	sshrl.u32 s13, $0x1  }
0xa: {  	s14 =	smul.u32 $0x4E00, s7;
	s25 =	sadd.s32 s6, s2;
	s30 =	sshll.u32 s7, $0x4  }
0xb: {  	s6 =	sor.u32 $0x1C02, s28;
	s16 =	sadd.s32 s10, s2;
	s8 =	sadd.s32 s10, s8  }
0xc: {  	s11 =	sadd.s32 s11, s5;
	s12 =	ssub.s32 s13, s24;
	s31 =	sadd.s32 s30, s9  }
0xd: {  	s13 =	simm.s32 $0x4E80;
	s16 =	sshrl.u32 s16, $0x3;
	s8 =	sshrl.u32 s8, $0x3  }
0xe: {  	s26 =	sshrl.u32 s14, $0x3;
	s10 =	smax.u32 s12, $0x1;
	s12 =	simm.s32 $0x2  }
0xf: {  	s14 =	simm.s32 $0x80;
	s15 =	sadd.s32 s8, s5;
	s5 =	sadd.s32 $0x29600, s11  }
0x10: {  	s29 =	sadd.s32 s9, s26;
	s8 =	sadd.s32 $0x27080, s31;
	s11 =	sshrl.u32 s25, $0x3  }
0x11: {  	s7 =	sadd.s32 $0x13880, s29;
	s9 =	sadd.s32 $0x2EA00, s15;
	s15 =	simm.s32 $0x1  }
.LBB2_1:
0x12: {  	[spmem:s11], [sflag:s6] =	dma.local [hbm:s5], $0x4E4  }
0x13: {  	_ =	swait.ge [sflag:s12], $0x4E4  }
0x14: {  	[sflag:s12] =	ssyncset.done $0x0  }
0x15: {  	[sflag:s12] =	ssyncadd.s32 $0xFFFFFB1C  }
0x16: {  	[tilespmem:s13], [sflag:$0x2] =	stream.linear.gather [hbm4b:s4+s3], $0x2000, $0x38;
	[tilespmem:$0x95A0] =	vst v63  }
0x17: {  	_ =	swait.ge [sflag:s12], $0x2000  }
0x18: {  	[sflag:s12] =	ssyncset.done $0x0  }
0x19: {  	[sflag:s12] =	ssyncadd.s32 $0xFFFFE000  }
0x1a: {  	[tilespmem:s3], [sflag:$0x2] =	stream.linear.gather [hbm4b:s7+s3], $0x4E00, $0x38;
	[tilespmem:$0x95A0] =	vst v63  }
0x1b: {  	_ =	swait.ge [sflag:s12], $0x4E00  }
0x1c: {  	[sflag:s12] =	ssyncset.done $0x0  }
0x1d: {  	s18 =	simm.s32 @!p0 $0x0;
	s19 =	simm.s32 @!p0 $0x4E00;
	[sflag:s12] =	ssyncadd.s32 $0xFFFFB200  }
0x1e: {  	[tilespmem:s19], [sflag:$0x2] =	stream.linear.gather @!p0 [hbm4b:s8+s18], $0x80, $0x38;
	[tilespmem:$0x95A0] =	vst v63  }
0x1f: {  	s18 =	simm.s32 @!p0 $0x2  }
0x20: {  	_ =	swait.ge @!p0 [sflag:s18], $0x80  }
0x21: {  	[sflag:s18] =	ssyncset.done @!p0 $0x0  }
0x22: {  	[sflag:s18] =	ssyncadd.s32 @!p0 $0xFFFFFF80  }
0x23: {  	s29 =	simm.s32 $0x0;
	[bflag:$0x0] =	sbarrier.arrive $0xFFFF  }
0x24: {  	[spmem:s2] =	stream.indirect.scatter.add.f32 [tilespmem:s13], [sflag:$0x1], $0x10, s29, s14, $0xb8;
	[tilespmem:$0x95A0] =	vst v63  }
0x25: {  	s30 =	simm.s32 $0x80  }
0x26: {  	[spmem:s2] =	stream.indirect.scatter.add.f32 [tilespmem:s13], [sflag:$0x1], $0x10, s30, s14, $0xb8;
	[tilespmem:$0x95A0] =	vst v63  }
0x27: {  	s31 =	simm.s32 $0x100;
	s19 =	simm.s32 $0x180;
	s18 =	simm.s32 $0x800  }
0x28: {  	[spmem:s2] =	stream.indirect.scatter.add.f32 [tilespmem:s13], [sflag:$0x1], $0x10, s31, s14, $0xb8;
	[tilespmem:$0x95A0] =	vst v63  }
.LBB2_2:
0x29: {  	[spmem:s2] =	stream.indirect.scatter.add.f32 [tilespmem:s13], [sflag:$0x1], $0x10, s19, s14, $0xb8;
	[tilespmem:$0x95A0] =	vst v63  }
0x2a: {  	s19 =	sshra.s32 s18, $0x2;
	p1 =	sne.s32 s18, $0x13000;
	s18 =	sadd.s32 $0x800, s18  }
0x2b: {  	[spmem:s2] =	stream.indirect.scatter.add.f32 [tilespmem:s13], [sflag:$0x1], $0x10, s19, s14, $0xb8;
	[tilespmem:$0x95A0] =	vst v63  }
.Ltmp0:
0x2c: {  	s20 =	sadd.s32 $0x80, s19;
	(pc) =	sbr.rel @p1 .LBB2_2-.Ltmp0, $4  }
0x2d: {  	[spmem:s2] =	stream.indirect.scatter.add.f32 [tilespmem:s13], [sflag:$0x1], $0x10, s20, s14, $0xb8;
	[tilespmem:$0x95A0] =	vst v63  }
0x2e: {  	s20 =	sadd.s32 $0x100, s19  }
0x2f: {  	[spmem:s2] =	stream.indirect.scatter.add.f32 [tilespmem:s13], [sflag:$0x1], $0x10, s20, s14, $0xb8;
	[tilespmem:$0x95A0] =	vst v63  }
0x30: {  	s19 =	sadd.s32 $0x180, s19  }
0x31: {  	[spmem:s2] =	stream.indirect.scatter.add.f32 [tilespmem:s13], [sflag:$0x1], $0x10, s19, s14, $0xb8;
	[tilespmem:$0x95A0] =	vst v63  }
0x32: {  	s18 =	simm.s32 @!p0 $0x80;
	s19 =	simm.s32 @!p0 $0x4E00;
	s20 =	simm.s32 @!p0 $0x4E80  }
0x33: {  	[spmem:s2] =	stream.indirect.scatter.add.f32 @!p0 [tilespmem:s20], [sflag:$0x1], $0x10, s19, s18, $0xb8;
	[tilespmem:$0x95A0] =	vst v63  }
0x34: {  	_ =	swait.ge [sflag:s15], $0x2000  }
0x35: {  	[sflag:s15] =	ssyncset.done $0x0  }
0x36: {  	[sflag:s15] =	ssyncadd.s32 $0xFFFFE000  }
0x37: {  	_ =	swait.ge [sflag:s15], $0x2000  }
0x38: {  	[sflag:s15] =	ssyncset.done $0x0  }
0x39: {  	[sflag:s15] =	ssyncadd.s32 $0xFFFFE000  }
0x3a: {  	_ =	swait.ge [sflag:s15], $0x2000  }
0x3b: {  	[sflag:s15] =	ssyncset.done $0x0  }
0x3c: {  	[sflag:s15] =	ssyncadd.s32 $0xFFFFE000  }
0x3d: {  	_ =	swait.ge [sflag:s15], $0x2000  }
0x3e: {  	[sflag:s15] =	ssyncset.done $0x0  }
0x3f: {  	[sflag:s15] =	ssyncadd.s32 $0xFFFFE000  }
0x40: {  	_ =	swait.ge [sflag:s15], $0x2000  }
0x41: {  	[sflag:s15] =	ssyncset.done $0x0  }
0x42: {  	[sflag:s15] =	ssyncadd.s32 $0xFFFFE000  }
0x43: {  	_ =	swait.ge [sflag:s15], $0x2000  }
0x44: {  	[sflag:s15] =	ssyncset.done $0x0  }
0x45: {  	[sflag:s15] =	ssyncadd.s32 $0xFFFFE000  }
0x46: {  	_ =	swait.ge [sflag:s15], $0x2000  }
0x47: {  	[sflag:s15] =	ssyncset.done $0x0  }
0x48: {  	[sflag:s15] =	ssyncadd.s32 $0xFFFFE000  }
0x49: {  	_ =	swait.ge [sflag:s15], $0x2000  }
0x4a: {  	[sflag:s15] =	ssyncset.done $0x0  }
0x4b: {  	[sflag:s15] =	ssyncadd.s32 $0xFFFFE000  }
0x4c: {  	_ =	swait.ge [sflag:s15], $0x2000  }
0x4d: {  	[sflag:s15] =	ssyncset.done $0x0  }
0x4e: {  	[sflag:s15] =	ssyncadd.s32 $0xFFFFE000  }
0x4f: {  	_ =	swait.ge [sflag:s15], $0x2000  }
0x50: {  	[sflag:s15] =	ssyncset.done $0x0  }
0x51: {  	[sflag:s15] =	ssyncadd.s32 $0xFFFFE000  }
0x52: {  	_ =	swait.ge [sflag:s15], $0x2000  }
0x53: {  	[sflag:s15] =	ssyncset.done $0x0  }
0x54: {  	[sflag:s15] =	ssyncadd.s32 $0xFFFFE000  }
0x55: {  	_ =	swait.ge [sflag:s15], $0x2000  }
0x56: {  	[sflag:s15] =	ssyncset.done $0x0  }
0x57: {  	[sflag:s15] =	ssyncadd.s32 $0xFFFFE000  }
0x58: {  	_ =	swait.ge [sflag:s15], $0x2000  }
0x59: {  	[sflag:s15] =	ssyncset.done $0x0  }
0x5a: {  	[sflag:s15] =	ssyncadd.s32 $0xFFFFE000  }
0x5b: {  	_ =	swait.ge [sflag:s15], $0x2000  }
0x5c: {  	[sflag:s15] =	ssyncset.done $0x0  }
0x5d: {  	[sflag:s15] =	ssyncadd.s32 $0xFFFFE000  }
0x5e: {  	_ =	swait.ge [sflag:s15], $0x2000  }
0x5f: {  	[sflag:s15] =	ssyncset.done $0x0  }
0x60: {  	[sflag:s15] =	ssyncadd.s32 $0xFFFFE000  }
0x61: {  	_ =	swait.ge [sflag:s15], $0x2000  }
0x62: {  	[sflag:s15] =	ssyncset.done $0x0  }
0x63: {  	[sflag:s15] =	ssyncadd.s32 $0xFFFFE000  }
0x64: {  	_ =	swait.ge [sflag:s15], $0x2000  }
0x65: {  	[sflag:s15] =	ssyncset.done $0x0  }
0x66: {  	[sflag:s15] =	ssyncadd.s32 $0xFFFFE000  }
0x67: {  	_ =	swait.ge [sflag:s15], $0x2000  }
0x68: {  	[sflag:s15] =	ssyncset.done $0x0  }
0x69: {  	[sflag:s15] =	ssyncadd.s32 $0xFFFFE000  }
0x6a: {  	_ =	swait.ge [sflag:s15], $0x2000  }
0x6b: {  	[sflag:s15] =	ssyncset.done $0x0  }
0x6c: {  	[sflag:s15] =	ssyncadd.s32 $0xFFFFE000  }
0x6d: {  	_ =	swait.ge [sflag:s15], $0x2000  }
0x6e: {  	[sflag:s15] =	ssyncset.done $0x0  }
0x6f: {  	[sflag:s15] =	ssyncadd.s32 $0xFFFFE000  }
0x70: {  	_ =	swait.ge [sflag:s15], $0x2000  }
0x71: {  	[sflag:s15] =	ssyncset.done $0x0  }
0x72: {  	[sflag:s15] =	ssyncadd.s32 $0xFFFFE000  }
0x73: {  	_ =	swait.ge [sflag:s15], $0x2000  }
0x74: {  	[sflag:s15] =	ssyncset.done $0x0  }
0x75: {  	[sflag:s15] =	ssyncadd.s32 $0xFFFFE000  }
0x76: {  	_ =	swait.ge [sflag:s15], $0x2000  }
0x77: {  	[sflag:s15] =	ssyncset.done $0x0  }
0x78: {  	[sflag:s15] =	ssyncadd.s32 $0xFFFFE000  }
0x79: {  	_ =	swait.ge [sflag:s15], $0x2000  }
0x7a: {  	[sflag:s15] =	ssyncset.done $0x0  }
0x7b: {  	[sflag:s15] =	ssyncadd.s32 $0xFFFFE000  }
0x7c: {  	_ =	swait.ge [sflag:s15], $0x2000  }
0x7d: {  	[sflag:s15] =	ssyncset.done $0x0  }
0x7e: {  	[sflag:s15] =	ssyncadd.s32 $0xFFFFE000  }
0x7f: {  	_ =	swait.ge [sflag:s15], $0x2000  }
0x80: {  	[sflag:s15] =	ssyncset.done $0x0  }
0x81: {  	[sflag:s15] =	ssyncadd.s32 $0xFFFFE000  }
0x82: {  	_ =	swait.ge [sflag:s15], $0x2000  }
0x83: {  	[sflag:s15] =	ssyncset.done $0x0  }
0x84: {  	[sflag:s15] =	ssyncadd.s32 $0xFFFFE000  }
0x85: {  	_ =	swait.ge [sflag:s15], $0x2000  }
0x86: {  	[sflag:s15] =	ssyncset.done $0x0  }
0x87: {  	[sflag:s15] =	ssyncadd.s32 $0xFFFFE000  }
0x88: {  	_ =	swait.ge [sflag:s15], $0x2000  }
0x89: {  	[sflag:s15] =	ssyncset.done $0x0  }
0x8a: {  	[sflag:s15] =	ssyncadd.s32 $0xFFFFE000  }
0x8b: {  	_ =	swait.ge [sflag:s15], $0x2000  }
0x8c: {  	[sflag:s15] =	ssyncset.done $0x0  }
0x8d: {  	[sflag:s15] =	ssyncadd.s32 $0xFFFFE000  }
0x8e: {  	_ =	swait.ge [sflag:s15], $0x2000  }
0x8f: {  	[sflag:s15] =	ssyncset.done $0x0  }
0x90: {  	[sflag:s15] =	ssyncadd.s32 $0xFFFFE000  }
0x91: {  	_ =	swait.ge [sflag:s15], $0x2000  }
0x92: {  	[sflag:s15] =	ssyncset.done $0x0  }
0x93: {  	[sflag:s15] =	ssyncadd.s32 $0xFFFFE000  }
0x94: {  	_ =	swait.ge [sflag:s15], $0x2000  }
0x95: {  	[sflag:s15] =	ssyncset.done $0x0  }
0x96: {  	[sflag:s15] =	ssyncadd.s32 $0xFFFFE000  }
0x97: {  	_ =	swait.ge [sflag:s15], $0x2000  }
0x98: {  	[sflag:s15] =	ssyncset.done $0x0  }
0x99: {  	[sflag:s15] =	ssyncadd.s32 $0xFFFFE000  }
0x9a: {  	_ =	swait.ge [sflag:s15], $0x2000  }
0x9b: {  	[sflag:s15] =	ssyncset.done $0x0  }
0x9c: {  	[sflag:s15] =	ssyncadd.s32 $0xFFFFE000  }
0x9d: {  	_ =	swait.ge [sflag:s15], $0x2000  }
0x9e: {  	[sflag:s15] =	ssyncset.done $0x0  }
0x9f: {  	[sflag:s15] =	ssyncadd.s32 $0xFFFFE000  }
0xa0: {  	_ =	swait.ge [sflag:s15], $0x2000  }
0xa1: {  	[sflag:s15] =	ssyncset.done $0x0  }
0xa2: {  	[sflag:s15] =	ssyncadd.s32 $0xFFFFE000  }
0xa3: {  	_ =	swait.ge [sflag:s15], $0x2000  }
0xa4: {  	[sflag:s15] =	ssyncset.done $0x0  }
0xa5: {  	[sflag:s15] =	ssyncadd.s32 $0xFFFFE000  }
0xa6: {  	_ =	swait.ge [sflag:s15], $0x2000  }
0xa7: {  	[sflag:s15] =	ssyncset.done $0x0  }
0xa8: {  	s18 =	simm.s32 @!p0 $0x1;
	[sflag:s15] =	ssyncadd.s32 $0xFFFFE000  }
0xa9: {  	_ =	swait.ge @!p0 [sflag:s18], $0x800  }
0xaa: {  	s17 =	sadd.s32 $0x1, s17;
	[sflag:s18] =	ssyncset.done @!p0 $0x0  }
0xab: {  	p1 =	sne.s32 s17, s10;
	[sflag:s18] =	ssyncadd.s32 @!p0 $0xFFFFF800  }
.Ltmp1:
0xac: {  	[bflag:$0x0] =	sbarrier.arrive $0xFFFF;
	(pc) =	sbr.rel @p1 .LBB2_1-.Ltmp1, $4  }
0xad: {  	[hbm:s9], [sflag:s6] =	dma.local [spmem:s16], $0x4E2  }
0xae: {  	_ =	swait.ge [sflag:s12], $0x4E2  }
0xaf: {  	[sflag:s12] =	ssyncset.done $0x0  }
0xb0: {  	[sflag:s12] =	ssyncadd.s32 $0xFFFFFB1E  }
0xb1: {  	_ =	sfence.sel $0x180000  }
0xb2: {  	[bflag:$0x0] =	sbarrier.arrive $0xFFFF  }
0xb3: {  	p0 =	sne.s32 s1, $0x0;
	_ =	strace $0x90000047  }
0xb4: {  	s0 =	sadd.s32 @!p0 $0x100000, s0;
	[bflag:$0x2] =	sbarrier.arrive $0xFFFF  }
0xb5: {  	[sflag:s0] =	ssyncadd.tile.s32 @!p0 $0x1;
	_ =	shalt  }
.Lfunc_end2:
_tile_overlayer_lowered:
.L_overlay_start_2:
0xb6: {  	(tag) =	ssettag $0x2  }
0xb7: {  	s0 =	rddreg [dreg:$0x0];
	s2 =	stileid.u32  }
0xb8: {  	s1 =	rddreg [dreg:$0x1];
	p0 =	sne.s32 s2, $0x0  }
0xb9: {  	s3 =	rddreg [dreg:$0x2];
	[bflag:$0x3] =	sbarrier.arrive $0xFFFF;
	s2 =	simm.s32 @!p0 $0x1C02  }
0xba: {  	[timem:s3], [sflag:s2] =	dma.local @!p0 [hbm:s0], s1  }
0xbb: {  	s0 =	simm.s32 @!p0 $0x2  }
0xbc: {  	_ =	swait.ge @!p0 [sflag:s0], s1  }
0xbd: {  	s1 =	ssub.s32 @!p0 $0x0, s1;
	[sflag:s0] =	ssyncset.done @!p0 $0x0  }
0xbe: {  	[sflag:s0] =	ssyncadd.s32 @!p0 s1  }
0xbf: {  	[bflag:$0x3] =	sbarrier.arrive $0xFFFF  }
0xc0: {  	_ =	shalt  }

</sc_bundles>
